<compile_context>
chip_gen: v7x
topology: tpu7x:2x2x1
jax: 0.10.2.dev20260603
libtpu: 0.0.44.dev20260713+nightly
codegen_flags: <defaults>
</compile_context>

<pallas_src>
import functools
import jax
import jax.numpy as jnp
from jax import lax
from jax.experimental import pallas as pl
from jax.experimental.pallas import tpu as pltpu
from jax.experimental.pallas import tpu_sc as plsc

NUM_VERTS = 2562
SPS = 500
SPS_PAD = 512
B, S, P = 4, 8, 8
N = 4096
M_PAD = S * SPS_PAD
K = 3
BN = 384
NB = N // BN
PAD_COORD = 3.0e4
BIGF = 3.0e38


def _prep_kernel(a0, a1, a2, t0, t1, t2, w, scl, offs24, sph24,
                 opx, opy, opz, opn, orep):
    a, b, c = a0[...], a1[...], a2[...]
    ca, sa = jnp.cos(a), jnp.sin(a)
    cb, sb = jnp.cos(b), jnp.sin(b)
    cc, sc_ = jnp.cos(c), jnp.sin(c)
    R00 = cb * cc
    R01 = -cb * sc_
    R02 = sb
    R10 = sa * sb * cc + ca * sc_
    R11 = -sa * sb * sc_ + ca * cc
    R12 = -sa * cb
    R20 = -ca * sb * cc + sa * sc_
    R21 = ca * sb * sc_ + sa * cc
    R22 = ca * cb
    wv = w[...]
    ws = wv * scl[...]
    cx = jnp.sum(wv * t0[...], axis=1, keepdims=True)
    cy = jnp.sum(wv * t1[...], axis=1, keepdims=True)
    cz = jnp.sum(wv * t2[...], axis=1, keepdims=True)
    A24x = jnp.concatenate([ws * R00, ws * R01, ws * R02], axis=1)
    A24y = jnp.concatenate([ws * R10, ws * R11, ws * R12], axis=1)
    A24z = jnp.concatenate([ws * R20, ws * R21, ws * R22], axis=1)
    d24 = offs24[...] + sph24[...]
    dbar = jnp.mean(d24, axis=1, keepdims=True)
    d24p = d24[:, :SPS_PAD]
    px = jnp.dot(A24x, d24p, preferred_element_type=jnp.float32) + cx
    py = jnp.dot(A24y, d24p, preferred_element_type=jnp.float32) + cy
    pz = jnp.dot(A24z, d24p, preferred_element_type=jnp.float32) + cz
    lane = lax.broadcasted_iota(jnp.int32, (32, SPS_PAD), 1)
    pad = lane >= SPS
    px = jnp.where(pad, PAD_COORD, px)
    py = jnp.where(pad, PAD_COORD, py)
    pz = jnp.where(pad, PAD_COORD, pz)
    opx[...] = px
    opy[...] = py
    opz[...] = pz
    opn[...] = px * px + py * py + pz * pz
    cenx = jnp.dot(A24x, dbar, preferred_element_type=jnp.float32) + cx
    ceny = jnp.dot(A24y, dbar, preferred_element_type=jnp.float32) + cy
    cenz = jnp.dot(A24z, dbar, preferred_element_type=jnp.float32) + cz
    r8 = lax.broadcasted_iota(jnp.int32, (S, S), 0)
    c8 = lax.broadcasted_iota(jnp.int32, (S, S), 1)
    offdiag = (r8 != c8).astype(jnp.float32)
    ones81 = jnp.ones((S, 1), jnp.float32)
    rep_total = jnp.float32(0.0)
    dn = (((1,), (1,)), ((), ()))
    for bi in range(B):
        C = jnp.concatenate(
            [cenx[bi * S:(bi + 1) * S, :],
             ceny[bi * S:(bi + 1) * S, :],
             cenz[bi * S:(bi + 1) * S, :]], axis=1)
        G = lax.dot_general(C, C, dn, preferred_element_type=jnp.float32)
        cn = jnp.sum(C * C, axis=1, keepdims=True)
        cnT = lax.dot_general(ones81, cn, dn,
                              preferred_element_type=jnp.float32)
        d2c = jnp.maximum(cn + cnT - 2.0 * G, 0.0)
        dist = jnp.sqrt(d2c + 1e-12)
        rep = jnp.exp(5.0 * jnp.maximum(0.5 - dist, 0.0)) * offdiag
        rep_total = rep_total + jnp.sum(rep) / jnp.float32(S * (S - 1))
    rep_mean = rep_total / jnp.float32(B)
    lane128 = lax.broadcasted_iota(jnp.int32, (1, 128), 1)
    orep[...] = jnp.where(lane128 == 0, rep_mean, 0.0)


R_TC = 2688
NB_TC = R_TC // BN


def _chamfer_kernel(tref, paug_ref, cm_out, out, acc):
    nb = pl.program_id(1)
    t = tref[0]
    tx = t[:, 0:1]
    ty = t[:, 1:2]
    tz = t[:, 2:3]
    tn = tx * tx + ty * ty + tz * tz
    ones = jnp.ones_like(tn)
    t_aug = jnp.concatenate([-2.0 * t, ones, tn], axis=1)
    paug = paug_ref[0]
    d2 = jnp.maximum(
        jnp.dot(t_aug, paug, preferred_element_type=jnp.float32), 0.0)

    bmin = jnp.min(d2, axis=0, keepdims=True)

    @pl.when(nb == 0)
    def _():
        cm_out[0] = bmin
        acc[0] = 0.0

    @pl.when(nb != 0)
    def _():
        cm_out[0] = jnp.minimum(cm_out[0], bmin)

    CH = 128
    bnr = d2.shape[0]
    t1 = jnp.full((bnr, CH), BIGF, jnp.float32)
    t2 = t1
    t3v = t1
    for ci in range(M_PAD // CH):
        seg = d2[:, ci * CH:(ci + 1) * CH]
        e2 = jnp.maximum(t1, seg)
        t1 = jnp.minimum(t1, seg)
        e3 = jnp.maximum(t2, e2)
        t2 = jnp.minimum(t2, e2)
        t3v = jnp.minimum(t3v, e3)
    cand = jnp.concatenate([t1, t2, t3v], axis=1)
    m1 = jnp.min(cand, axis=1, keepdims=True)
    eq1 = cand <= m1
    c1 = jnp.sum(eq1.astype(jnp.float32), axis=1, keepdims=True)
    d2b = jnp.where(eq1, BIGF, cand)
    m2 = jnp.min(d2b, axis=1, keepdims=True)
    eq2 = d2b <= m2
    c2 = jnp.sum(eq2.astype(jnp.float32), axis=1, keepdims=True)
    m3 = jnp.min(jnp.where(eq2, BIGF, d2b), axis=1, keepdims=True)
    k1 = jnp.minimum(c1, 3.0)
    k2 = jnp.minimum(c2, 3.0 - k1)
    k3 = 3.0 - k1 - k2
    t3 = m1 * k1 + m2 * k2 + m3 * k3
    acc[0] = acc[0] + jnp.sum(t3)

    @pl.when(nb == NB_TC - 1)
    def _():
        lane128 = lax.broadcasted_iota(jnp.int32, (1, 8, 128), 2)
        sub8 = lax.broadcasted_iota(jnp.int32, (1, 8, 128), 1)
        out[...] = jnp.where((lane128 == 0) & (sub8 == 0), acc[0], 0.0)


NC, NSUB, L = 2, 16, 16
NTILES = NC * NSUB
R_SC = N - R_TC
TILES_PER_BATCH = NTILES // B
ROWS_PER_TILE = R_SC // TILES_PER_BATCH
RB = 4
NCHUNK = M_PAD // L


def _sc_top3_insert(m1, m2, m3, v):
    e2 = jnp.maximum(m1, v)
    m1 = jnp.minimum(m1, v)
    e3 = jnp.maximum(m2, e2)
    m2 = jnp.minimum(m2, e2)
    m3 = jnp.minimum(m3, e3)
    return m1, m2, m3


def _sc_chamfer(tx_ref, ty_ref, tz_ref, px_ref, py_ref, pz_ref,
                colmin_out, gpart_out,
                txv, tyv, tzv, pxv, pyv, pzv, pnv, cmv,
                b1, b2, b3, stage):
    c = lax.axis_index("c")
    s = lax.axis_index("s")
    wid = c * NSUB + s
    bi = wid // TILES_PER_BATCH
    base = bi * N + R_TC + (wid % TILES_PER_BATCH) * ROWS_PER_TILE
    pltpu.sync_copy(tx_ref.at[pl.ds(base, ROWS_PER_TILE)], txv)
    pltpu.sync_copy(ty_ref.at[pl.ds(base, ROWS_PER_TILE)], tyv)
    pltpu.sync_copy(tz_ref.at[pl.ds(base, ROWS_PER_TILE)], tzv)
    pltpu.sync_copy(px_ref.at[bi], pxv)
    pltpu.sync_copy(py_ref.at[bi], pyv)
    pltpu.sync_copy(pz_ref.at[bi], pzv)

    big = jnp.full((L,), BIGF, jnp.float32)

    def init_cm(j, carry):
        o = j * L
        cmv[pl.ds(o, L)] = big
        x = pxv[pl.ds(o, L)]
        y = pyv[pl.ds(o, L)]
        z = pzv[pl.ds(o, L)]
        pnv[pl.ds(o, L)] = x * x + y * y + z * z
        pxv[pl.ds(o, L)] = -2.0 * x
        pyv[pl.ds(o, L)] = -2.0 * y
        pzv[pl.ds(o, L)] = -2.0 * z
        return carry
    lax.fori_loop(0, NCHUNK, init_cm, 0)

    def row_block(blk, carry0):
        r0 = blk * L
        tx16 = txv[pl.ds(r0, L)]
        ty16 = tyv[pl.ds(r0, L)]
        tz16 = tzv[pl.ds(r0, L)]
        for sub in range(L // RB):
            txs = [tx16[sub * RB + i] for i in range(RB)]
            tys = [ty16[sub * RB + i] for i in range(RB)]
            tzs = [tz16[sub * RB + i] for i in range(RB)]
            tns = [txs[i] * txs[i] + tys[i] * tys[i] + tzs[i] * tzs[i]
                   for i in range(RB)]

            def chunk(j, carry):
                o = j * L
                pxc = pxv[pl.ds(o, L)]
                pyc = pyv[pl.ds(o, L)]
                pzc = pzv[pl.ds(o, L)]
                pnc = pnv[pl.ds(o, L)]
                cm = cmv[pl.ds(o, L)]
                out = []
                for k in range(RB):
                    d2 = pnc + tns[k] + pxc * txs[k] + pyc * tys[k] + pzc * tzs[k]
                    t1, t2, t3 = _sc_top3_insert(
                        carry[3 * k], carry[3 * k + 1], carry[3 * k + 2], d2)
                    out += [t1, t2, t3]
                    cm = jnp.minimum(cm, d2)
                cmv[pl.ds(o, L)] = cm
                return tuple(out)

            tri = lax.fori_loop(0, NCHUNK, chunk,
                                tuple(big for _ in range(3 * RB)))
            for k in range(RB):
                r = r0 + sub * RB + k
                b1[pl.ds(r * L, L)] = tri[3 * k]
                b2[pl.ds(r * L, L)] = tri[3 * k + 1]
                b3[pl.ds(r * L, L)] = tri[3 * k + 2]
        return carry0

    lax.fori_loop(0, ROWS_PER_TILE // L, row_block, 0)

    def merge_row(r, g_acc):
        v1 = b1[pl.ds(r * L, L)]
        v2 = b2[pl.ds(r * L, L)]
        v3 = b3[pl.ds(r * L, L)]
        accs = []
        for v in (v1, v2, v3):
            a1 = jnp.float32(BIGF)
            a2 = jnp.float32(BIGF)
            a3 = jnp.float32(BIGF)
            for i in range(L):
                a1, a2, a3 = _sc_top3_insert(a1, a2, a3, v[i])
            accs.append((a1, a2, a3))
        m1, m2, m3 = accs[0]
        for a in accs[1:]:
            for x in a:
                m1, m2, m3 = _sc_top3_insert(m1, m2, m3, x)
        return g_acc + (m1 + m2 + m3)

    g_total = lax.fori_loop(0, ROWS_PER_TILE, merge_row, jnp.float32(0.0))
    pltpu.sync_copy(cmv, colmin_out.at[wid])
    lane = lax.broadcasted_iota(jnp.int32, (L,), 0)
    stage[...] = jnp.where(lane == 0, g_total, 0.0)
    pltpu.sync_copy(stage, gpart_out.at[wid])


def _finish_kernel(tc_cm_ref, sc_cm_ref, tc_g_ref, sc_g_ref, rep_ref, out):
    cm_sc = jnp.min(sc_cm_ref[...], axis=1)
    cm = jnp.minimum(tc_cm_ref[...], cm_sc)
    lane = lax.broadcasted_iota(jnp.int32, (B, M_PAD), 1)
    valid = (lane % SPS_PAD) < SPS
    s_total = jnp.sum(jnp.where(valid, cm, 0.0))
    g_total = jnp.sum(tc_g_ref[...]) + jnp.sum(sc_g_ref[...])
    rep_loss = rep_ref[0, 0]
    global_loss = g_total / jnp.float32(B * N * K)
    per_slot_loss = s_total / jnp.float32(SPS) / jnp.float32(B * S)
    total = 0.7 * global_loss + 0.3 * per_slot_loss + 0.2 * rep_loss
    out[...] = jnp.full((1, 1), 0.0) + total


def kernel(scales, transforms, prototype_weights, prototype_offsets,
           target_pcls, sphere_verts):
    f32 = jnp.float32
    ang = transforms[..., 3:].reshape(B * S * P, 3)
    trn = transforms[..., :3].reshape(B * S * P, 3)
    a0 = ang[:, 0].reshape(32, 8)
    a1 = ang[:, 1].reshape(32, 8)
    a2 = ang[:, 2].reshape(32, 8)
    t0 = trn[:, 0].reshape(32, 8)
    t1 = trn[:, 1].reshape(32, 8)
    t2 = trn[:, 2].reshape(32, 8)
    w = prototype_weights.reshape(32, 8)
    scl = jnp.broadcast_to(scales.reshape(B, S, 1, 1), (B, S, P, 1)).reshape(32, 8)
    offs24 = prototype_offsets.transpose(2, 0, 1).reshape(24, NUM_VERTS)
    sph24 = jnp.broadcast_to(sphere_verts.T[:, None, :],
                             (3, P, NUM_VERTS)).reshape(24, NUM_VERTS)

    px, py, pz, pn, rep = pl.pallas_call(
        _prep_kernel,
        out_shape=[
            jax.ShapeDtypeStruct((32, SPS_PAD), f32),
            jax.ShapeDtypeStruct((32, SPS_PAD), f32),
            jax.ShapeDtypeStruct((32, SPS_PAD), f32),
            jax.ShapeDtypeStruct((32, SPS_PAD), f32),
            jax.ShapeDtypeStruct((1, 128), f32),
        ],
    )(a0, a1, a2, t0, t1, t2, w, scl, offs24, sph24)

    px = px.reshape(B, M_PAD)
    py = py.reshape(B, M_PAD)
    pz = pz.reshape(B, M_PAD)
    pn = pn.reshape(B, M_PAD)
    tflat = target_pcls.reshape(B * N, 3)
    tx_all = tflat[:, 0]
    ty_all = tflat[:, 1]
    tz_all = tflat[:, 2]

    sc_call = pl.kernel(
        _sc_chamfer,
        out_type=[
            jax.ShapeDtypeStruct((NTILES, M_PAD), f32),
            jax.ShapeDtypeStruct((NTILES, L), f32),
        ],
        mesh=plsc.VectorSubcoreMesh(core_axis_name="c", subcore_axis_name="s",
                                    num_cores=NC, num_subcores=NSUB),
        scratch_types=[
            pltpu.VMEM((ROWS_PER_TILE,), f32),
            pltpu.VMEM((ROWS_PER_TILE,), f32),
            pltpu.VMEM((ROWS_PER_TILE,), f32),
            pltpu.VMEM((M_PAD,), f32),
            pltpu.VMEM((M_PAD,), f32),
            pltpu.VMEM((M_PAD,), f32),
            pltpu.VMEM((M_PAD,), f32),
            pltpu.VMEM((M_PAD,), f32),
            pltpu.VMEM((ROWS_PER_TILE * L,), f32),
            pltpu.VMEM((ROWS_PER_TILE * L,), f32),
            pltpu.VMEM((ROWS_PER_TILE * L,), f32),
            pltpu.VMEM((L,), f32),
        ],
    )
    colmin_sc, gpart_sc = sc_call(tx_all, ty_all, tz_all, px, py, pz)

    p_aug = jnp.stack([px, py, pz,
                       pn, jnp.ones_like(pn)], axis=1)
    tc_cm, tc_g = pl.pallas_call(
        _chamfer_kernel,
        grid=(B, NB_TC),
        in_specs=[
            pl.BlockSpec((1, BN, 3), lambda b, nb: (b, nb, 0)),
            pl.BlockSpec((1, 5, M_PAD), lambda b, nb: (b, 0, 0)),
        ],
        out_specs=[
            pl.BlockSpec((1, 1, M_PAD), lambda b, nb: (b, 0, 0)),
            pl.BlockSpec((1, 8, 128), lambda b, nb: (b, 0, 0)),
        ],
        out_shape=[
            jax.ShapeDtypeStruct((B, 1, M_PAD), f32),
            jax.ShapeDtypeStruct((B, 8, 128), f32),
        ],
        scratch_shapes=[
            pltpu.SMEM((1,), f32),
        ],
    )(target_pcls, p_aug)

    out = pl.pallas_call(
        _finish_kernel,
        out_shape=jax.ShapeDtypeStruct((1, 1), f32),
    )(tc_cm.reshape(B, M_PAD), colmin_sc.reshape(B, TILES_PER_BATCH, M_PAD),
      tc_g, gpart_sc, rep)
    return out[0, 0]

# --- scband reference (transcript-rebuilt; emitter-appended) ---
"""Pipeline reference for scband-mesh-transformer-75522704932956 (READ-ONLY COPY).

The authoritative reference and input builder live on the scoring server;
editing this copy changes nothing except your own understanding.
"""

import jax, jax.numpy as jnp
import numpy as np

NUM_VERTS = 2562
SAMPLES_PER_SLOT = 500
K_NEAREST = 3
MIN_DISTANCE = 0.5
FALLOFF = 5.0
GLOBAL_W = 0.7
SLOT_W = 0.3
REP_W = 0.2


def _euler_xyz_to_matrix(angles):
    # pytorch3d euler_angles_to_matrix(angles, 'XYZ') = R_X(a) @ R_Y(b) @ R_Z(c)
    a, b, c = angles[..., 0], angles[..., 1], angles[..., 2]
    ca, sa = jnp.cos(a), jnp.sin(a)
    cb, sb = jnp.cos(b), jnp.sin(b)
    cc, sc = jnp.cos(c), jnp.sin(c)
    one = jnp.ones_like(a)
    zero = jnp.zeros_like(a)
    Rx = jnp.stack([one, zero, zero, zero, ca, -sa, zero, sa, ca], axis=-1).reshape(a.shape + (3, 3))
    Ry = jnp.stack([cb, zero, sb, zero, one, zero, -sb, zero, cb], axis=-1).reshape(a.shape + (3, 3))
    Rz = jnp.stack([cc, -sc, zero, sc, cc, zero, zero, zero, one], axis=-1).reshape(a.shape + (3, 3))
    return jnp.matmul(jnp.matmul(Rx, Ry), Rz)


def _sqdist(a, b):
    # a: [..., N, 3], b: [..., M, 3] -> squared euclidean distances [..., N, M]
    an = jnp.sum(a * a, axis=-1)[..., :, None]
    bn = jnp.sum(b * b, axis=-1)[..., None, :]
    d = an + bn - 2.0 * jnp.matmul(a, jnp.swapaxes(b, -1, -2))
    return jnp.maximum(d, 0.0)


def setup_inputs(seed: int = 0) -> dict:
    key = jax.random.key(seed)
    ks = jax.random.split(key, 6)
    scales = jax.random.uniform(ks[0], (4, 8, 1), dtype=jnp.float32)
    transforms = jax.random.normal(ks[1], (4, 8, 8, 6), dtype=jnp.float32)
    prototype_weights = jax.random.uniform(ks[2], (4, 8, 8), dtype=jnp.float32)
    prototype_offsets = jax.random.normal(ks[3], (8, NUM_VERTS, 3), dtype=jnp.float32) * 0.1
    target_pcls = jax.random.normal(ks[4], (4, 4096, 3), dtype=jnp.float32)
    v = jax.random.normal(ks[5], (NUM_VERTS, 3), dtype=jnp.float32)
    sphere_verts = v / jnp.linalg.norm(v, axis=-1, keepdims=True)
    return {"scales": scales, "transforms": transforms, "prototype_weights": prototype_weights,
            "prototype_offsets": prototype_offsets, "target_pcls": target_pcls, "sphere_verts": sphere_verts}


def reference(scales, transforms, prototype_weights, prototype_offsets, target_pcls, sphere_verts):
    B, S, P = prototype_weights.shape
    V = sphere_verts.shape[0]
    # ---- transform_mesh ----
    translations = transforms[..., :3]                      # [B,S,P,3]
    R = _euler_xyz_to_matrix(transforms[..., 3:])           # [B,S,P,3,3]
    deformed = sphere_verts[None, :, :] + prototype_offsets  # [P,V,3]
    # rotated = deformed @ R^T (bmm with transpose)
    rotated = jnp.einsum('pvj,bspij->bspvi', deformed, R)   # [B,S,P,V,3]
    scaled = rotated * scales[:, :, None, None, :]          # scales [B,S,1]
    translated = scaled + translations[:, :, :, None, :]
    final_verts = jnp.sum(translated * prototype_weights[:, :, :, None, None], axis=2)  # [B,S,V,3]
    # ---- hybrid chamfer loss (KNN) ----
    pred = final_verts[:, :, :SAMPLES_PER_SLOT, :]          # sampled points per slot [B,S,500,3]
    M = S * SAMPLES_PER_SLOT
    pred_flat = pred.reshape(B, M, 3)
    d2 = _sqdist(target_pcls, pred_flat)                    # [B,N,M]
    # global: each target -> K nearest predicted points (knn_points K=3, squared dists)
    neg_top, _ = jax.lax.top_k(-d2, K_NEAREST)              # [B,N,K]
    global_loss = jnp.mean(-neg_top)
    # per-slot: each slot point -> nearest target (K=1)
    slot_min = jnp.min(d2, axis=1)                          # [B,M]
    slot_losses = slot_min.reshape(B, S, SAMPLES_PER_SLOT).mean(axis=2)  # [B,S]
    per_slot_loss = jnp.mean(slot_losses)
    # centroid repulsion
    centroids = final_verts.mean(axis=2)                    # [B,S,3]
    dist = jnp.sqrt(_sqdist(centroids, centroids) + 1e-12)  # [B,S,S]
    mask = 1.0 - jnp.eye(S, dtype=dist.dtype)
    repulsion = jnp.exp(FALLOFF * jnp.maximum(MIN_DISTANCE - dist, 0.0)) * mask[None, :, :]
    rep_loss = jnp.mean(jnp.sum(repulsion, axis=(1, 2)) / (S * (S - 1)))
    total_loss = GLOBAL_W * global_loss + SLOT_W * per_slot_loss + REP_W * rep_loss
    return total_loss

if __name__ == "__main__":
    import jax
    _d = setup_inputs()
    print(jax.jit(kernel)(*tuple(_d.values())))

</pallas_src>

<mosaic_0001>
#map = affine_map<(d0, d1) -> (0)>
#map1 = affine_map<(d0, d1) -> (0, 0)>
module attributes {stable_mosaic.version = 14 : i64} {
  func.func @_sc_chamfer(%arg0: i32, %arg1: i32, %arg2: memref<16384xf32, #tpu.memory_space<hbm>>, %arg3: memref<16384xf32, #tpu.memory_space<hbm>>, %arg4: memref<16384xf32, #tpu.memory_space<hbm>>, %arg5: memref<4x4096xf32, #tpu.memory_space<hbm>>, %arg6: memref<4x4096xf32, #tpu.memory_space<hbm>>, %arg7: memref<4x4096xf32, #tpu.memory_space<hbm>>, %arg8: memref<32x4096xf32, #tpu.memory_space<hbm>>, %arg9: memref<32x16xf32, #tpu.memory_space<hbm>>, %arg10: memref<176xf32, #tpu.memory_space<vmem>>, %arg11: memref<176xf32, #tpu.memory_space<vmem>>, %arg12: memref<176xf32, #tpu.memory_space<vmem>>, %arg13: memref<4096xf32, #tpu.memory_space<vmem>>, %arg14: memref<4096xf32, #tpu.memory_space<vmem>>, %arg15: memref<4096xf32, #tpu.memory_space<vmem>>, %arg16: memref<4096xf32, #tpu.memory_space<vmem>>, %arg17: memref<4096xf32, #tpu.memory_space<vmem>>, %arg18: memref<2816xf32, #tpu.memory_space<vmem>>, %arg19: memref<2816xf32, #tpu.memory_space<vmem>>, %arg20: memref<2816xf32, #tpu.memory_space<vmem>>, %arg21: memref<16xf32, #tpu.memory_space<vmem>>) attributes {dimension_semantics = [#tpu.dimension_semantics<core_parallel>, #tpu.dimension_semantics<subcore_parallel>], iteration_bounds = array<i64: 2, 16>, scalar_prefetch = 0 : i64, scratch_operands = 12 : i64, tpu.core_type = #tpu.core_type<sc_vector_subcore>, window_params = [{transform_indices = #map}, {transform_indices = #map}, {transform_indices = #map}, {transform_indices = #map1}, {transform_indices = #map1}, {transform_indices = #map1}, {transform_indices = #map1}, {transform_indices = #map1}]} {
    %mul3A = arith.constant 16 : i32
    %mul3A_0 = arith.muli %arg0, %mul3A : i32
    %add3A = arith.addi %mul3A_0, %arg1 : i32
    %jit3A = arith.constant 8 : i32
    %div3A = arith.divsi %add3A, %jit3A : i32
    %sign3A = arith.constant 0 : i32
    %sign3A_1 = arith.cmpi sgt, %add3A, %sign3A : i32
    %sign3A_2 = arith.extui %sign3A_1 : i1 to i32
    %sign3A_3 = arith.constant 0 : i32
    %sign3A_4 = arith.cmpi slt, %add3A, %sign3A_3 : i32
    %sign3A_5 = arith.extui %sign3A_4 : i1 to i32
    %sign3A_6 = arith.subi %sign3A_2, %sign3A_5 : i32
    %sign3A_7 = arith.constant 0 : i32
    %sign3A_8 = arith.cmpi sgt, %jit3A, %sign3A_7 : i32
    %sign3A_9 = arith.extui %sign3A_8 : i1 to i32
    %sign3A_10 = arith.constant 0 : i32
    %sign3A_11 = arith.cmpi slt, %jit3A, %sign3A_10 : i32
    %sign3A_12 = arith.extui %sign3A_11 : i1 to i32
    %sign3A_13 = arith.subi %sign3A_9, %sign3A_12 : i32
    %ne3A = arith.cmpi ne, %sign3A_6, %sign3A_13 : i32
    %rem3A = arith.remsi %add3A, %jit3A : i32
    %ne3A_14 = arith.constant 0 : i32
    %ne3A_15 = arith.cmpi ne, %rem3A, %ne3A_14 : i32
    %and3A = arith.andi %ne3A, %ne3A_15 : i1
    %sub3A = arith.constant 1 : i32
    %sub3A_16 = arith.subi %div3A, %sub3A : i32
    %select_n3A = arith.select %and3A, %sub3A_16, %div3A : i32
    %mul3A_17 = arith.constant 4096 : i32
    %mul3A_18 = arith.muli %select_n3A, %mul3A_17 : i32
    %add3A_19 = arith.constant 2688 : i32
    %add3A_20 = arith.addi %mul3A_18, %add3A_19 : i32
    %jit3A_21 = arith.constant 8 : i32
    %eq3A = arith.constant 0 : i32
    %eq3A_22 = arith.cmpi eq, %jit3A_21, %eq3A : i32
    %jit3A_23 = arith.constant 1 : i32
    %select_n3A_24 = arith.select %eq3A_22, %jit3A_23, %jit3A_21 : i32
    %rem3A_25 = arith.remsi %add3A, %select_n3A_24 : i32
    %ne3A_26 = arith.constant 0 : i32
    %ne3A_27 = arith.cmpi ne, %rem3A_25, %ne3A_26 : i32
    %lt3A = arith.constant 0 : i32
    %lt3A_28 = arith.cmpi slt, %rem3A_25, %lt3A : i32
    %lt3A_29 = arith.constant 0 : i32
    %lt3A_30 = arith.cmpi slt, %select_n3A_24, %lt3A_29 : i32
    %ne3A_31 = arith.xori %lt3A_28, %lt3A_30 : i1
    %and3A_32 = arith.andi %ne3A_31, %ne3A_27 : i1
    %add3A_33 = arith.addi %rem3A_25, %select_n3A_24 : i32
    %select_n3A_34 = arith.select %and3A_32, %add3A_33, %rem3A_25 : i32
    %mul3A_35 = arith.constant 176 : i32
    %mul3A_36 = arith.muli %select_n3A_34, %mul3A_35 : i32
    %add3A_37 = arith.addi %add3A_20, %mul3A_36 : i32
    "tpu.region"() ({
      %run_scoped3A = tpu.sem_alloc : memref<!tpu.dma_semaphore, #tpu.memory_space<semaphore_mem>>
      %dma_start3A = tpu.memref_slice %arg2[%add3A_37] : memref<16384xf32, #tpu.memory_space<hbm>> -> memref<176xf32, #tpu.memory_space<hbm>>
      %dma_start3A_67 = tpu.memref_slice %arg2[%add3A_37] : memref<16384xf32, #tpu.memory_space<hbm>> -> memref<176xf32, #tpu.memory_space<hbm>>
      tpu.enqueue_dma source(%dma_start3A_67 : memref<176xf32, #tpu.memory_space<hbm>>) target(%arg10 : memref<176xf32, #tpu.memory_space<vmem>>) target_semaphore(%run_scoped3A : memref<!tpu.dma_semaphore, #tpu.memory_space<semaphore_mem>>)
      %dma_wait3A = tpu.memref_slice %arg2[%add3A_37] : memref<16384xf32, #tpu.memory_space<hbm>> -> memref<176xf32, #tpu.memory_space<hbm>>
      %dma_wait3A_68 = tpu.memref_slice %arg2[%add3A_37] : memref<16384xf32, #tpu.memory_space<hbm>> -> memref<176xf32, #tpu.memory_space<hbm>>
      tpu.wait_dma2 semaphore(%run_scoped3A : memref<!tpu.dma_semaphore, #tpu.memory_space<semaphore_mem>>) src(%dma_wait3A_68 : memref<176xf32, #tpu.memory_space<hbm>>) dst(%arg10 : memref<176xf32, #tpu.memory_space<vmem>>)
      tpu.yield
    }) : () -> ()
    "tpu.region"() ({
      %run_scoped3A = tpu.sem_alloc : memref<!tpu.dma_semaphore, #tpu.memory_space<semaphore_mem>>
      %dma_start3A = tpu.memref_slice %arg3[%add3A_37] : memref<16384xf32, #tpu.memory_space<hbm>> -> memref<176xf32, #tpu.memory_space<hbm>>
      %dma_start3A_67 = tpu.memref_slice %arg3[%add3A_37] : memref<16384xf32, #tpu.memory_space<hbm>> -> memref<176xf32, #tpu.memory_space<hbm>>
      tpu.enqueue_dma source(%dma_start3A_67 : memref<176xf32, #tpu.memory_space<hbm>>) target(%arg11 : memref<176xf32, #tpu.memory_space<vmem>>) target_semaphore(%run_scoped3A : memref<!tpu.dma_semaphore, #tpu.memory_space<semaphore_mem>>)
      %dma_wait3A = tpu.memref_slice %arg3[%add3A_37] : memref<16384xf32, #tpu.memory_space<hbm>> -> memref<176xf32, #tpu.memory_space<hbm>>
      %dma_wait3A_68 = tpu.memref_slice %arg3[%add3A_37] : memref<16384xf32, #tpu.memory_space<hbm>> -> memref<176xf32, #tpu.memory_space<hbm>>
      tpu.wait_dma2 semaphore(%run_scoped3A : memref<!tpu.dma_semaphore, #tpu.memory_space<semaphore_mem>>) src(%dma_wait3A_68 : memref<176xf32, #tpu.memory_space<hbm>>) dst(%arg11 : memref<176xf32, #tpu.memory_space<vmem>>)
      tpu.yield
    }) : () -> ()
    "tpu.region"() ({
      %run_scoped3A = tpu.sem_alloc : memref<!tpu.dma_semaphore, #tpu.memory_space<semaphore_mem>>
      %dma_start3A = tpu.memref_slice %arg4[%add3A_37] : memref<16384xf32, #tpu.memory_space<hbm>> -> memref<176xf32, #tpu.memory_space<hbm>>
      %dma_start3A_67 = tpu.memref_slice %arg4[%add3A_37] : memref<16384xf32, #tpu.memory_space<hbm>> -> memref<176xf32, #tpu.memory_space<hbm>>
      tpu.enqueue_dma source(%dma_start3A_67 : memref<176xf32, #tpu.memory_space<hbm>>) target(%arg12 : memref<176xf32, #tpu.memory_space<vmem>>) target_semaphore(%run_scoped3A : memref<!tpu.dma_semaphore, #tpu.memory_space<semaphore_mem>>)
      %dma_wait3A = tpu.memref_slice %arg4[%add3A_37] : memref<16384xf32, #tpu.memory_space<hbm>> -> memref<176xf32, #tpu.memory_space<hbm>>
      %dma_wait3A_68 = tpu.memref_slice %arg4[%add3A_37] : memref<16384xf32, #tpu.memory_space<hbm>> -> memref<176xf32, #tpu.memory_space<hbm>>
      tpu.wait_dma2 semaphore(%run_scoped3A : memref<!tpu.dma_semaphore, #tpu.memory_space<semaphore_mem>>) src(%dma_wait3A_68 : memref<176xf32, #tpu.memory_space<hbm>>) dst(%arg12 : memref<176xf32, #tpu.memory_space<vmem>>)
      tpu.yield
    }) : () -> ()
    "tpu.region"() ({
      %run_scoped3A = tpu.sem_alloc : memref<!tpu.dma_semaphore, #tpu.memory_space<semaphore_mem>>
      %dma_start3A = arith.constant 0 : i32
      %dma_start3A_67 = tpu.memref_slice %arg5[%select_n3A, %dma_start3A] : memref<4x4096xf32, #tpu.memory_space<hbm>> -> memref<1x4096xf32, #tpu.memory_space<hbm>>
      %dma_start3A_68 = tpu.memref_squeeze %dma_start3A_67 : memref<1x4096xf32, #tpu.memory_space<hbm>> -> memref<4096xf32, #tpu.memory_space<hbm>>
      %dma_start3A_69 = arith.constant 0 : i32
      %dma_start3A_70 = tpu.memref_slice %arg5[%select_n3A, %dma_start3A_69] : memref<4x4096xf32, #tpu.memory_space<hbm>> -> memref<1x4096xf32, #tpu.memory_space<hbm>>
      %dma_start3A_71 = tpu.memref_squeeze %dma_start3A_70 : memref<1x4096xf32, #tpu.memory_space<hbm>> -> memref<4096xf32, #tpu.memory_space<hbm>>
      tpu.enqueue_dma source(%dma_start3A_71 : memref<4096xf32, #tpu.memory_space<hbm>>) target(%arg13 : memref<4096xf32, #tpu.memory_space<vmem>>) target_semaphore(%run_scoped3A : memref<!tpu.dma_semaphore, #tpu.memory_space<semaphore_mem>>)
      %dma_wait3A = arith.constant 0 : i32
      %dma_wait3A_72 = tpu.memref_slice %arg5[%select_n3A, %dma_wait3A] : memref<4x4096xf32, #tpu.memory_space<hbm>> -> memref<1x4096xf32, #tpu.memory_space<hbm>>
      %dma_wait3A_73 = tpu.memref_squeeze %dma_wait3A_72 : memref<1x4096xf32, #tpu.memory_space<hbm>> -> memref<4096xf32, #tpu.memory_space<hbm>>
      %dma_wait3A_74 = arith.constant 0 : i32
      %dma_wait3A_75 = tpu.memref_slice %arg5[%select_n3A, %dma_wait3A_74] : memref<4x4096xf32, #tpu.memory_space<hbm>> -> memref<1x4096xf32, #tpu.memory_space<hbm>>
      %dma_wait3A_76 = tpu.memref_squeeze %dma_wait3A_75 : memref<1x4096xf32, #tpu.memory_space<hbm>> -> memref<4096xf32, #tpu.memory_space<hbm>>
      tpu.wait_dma2 semaphore(%run_scoped3A : memref<!tpu.dma_semaphore, #tpu.memory_space<semaphore_mem>>) src(%dma_wait3A_76 : memref<4096xf32, #tpu.memory_space<hbm>>) dst(%arg13 : memref<4096xf32, #tpu.memory_space<vmem>>)
      tpu.yield
    }) : () -> ()
    "tpu.region"() ({
      %run_scoped3A = tpu.sem_alloc : memref<!tpu.dma_semaphore, #tpu.memory_space<semaphore_mem>>
      %dma_start3A = arith.constant 0 : i32
      %dma_start3A_67 = tpu.memref_slice %arg6[%select_n3A, %dma_start3A] : memref<4x4096xf32, #tpu.memory_space<hbm>> -> memref<1x4096xf32, #tpu.memory_space<hbm>>
      %dma_start3A_68 = tpu.memref_squeeze %dma_start3A_67 : memref<1x4096xf32, #tpu.memory_space<hbm>> -> memref<4096xf32, #tpu.memory_space<hbm>>
      %dma_start3A_69 = arith.constant 0 : i32
      %dma_start3A_70 = tpu.memref_slice %arg6[%select_n3A, %dma_start3A_69] : memref<4x4096xf32, #tpu.memory_space<hbm>> -> memref<1x4096xf32, #tpu.memory_space<hbm>>
      %dma_start3A_71 = tpu.memref_squeeze %dma_start3A_70 : memref<1x4096xf32, #tpu.memory_space<hbm>> -> memref<4096xf32, #tpu.memory_space<hbm>>
      tpu.enqueue_dma source(%dma_start3A_71 : memref<4096xf32, #tpu.memory_space<hbm>>) target(%arg14 : memref<4096xf32, #tpu.memory_space<vmem>>) target_semaphore(%run_scoped3A : memref<!tpu.dma_semaphore, #tpu.memory_space<semaphore_mem>>)
      %dma_wait3A = arith.constant 0 : i32
      %dma_wait3A_72 = tpu.memref_slice %arg6[%select_n3A, %dma_wait3A] : memref<4x4096xf32, #tpu.memory_space<hbm>> -> memref<1x4096xf32, #tpu.memory_space<hbm>>
      %dma_wait3A_73 = tpu.memref_squeeze %dma_wait3A_72 : memref<1x4096xf32, #tpu.memory_space<hbm>> -> memref<4096xf32, #tpu.memory_space<hbm>>
      %dma_wait3A_74 = arith.constant 0 : i32
      %dma_wait3A_75 = tpu.memref_slice %arg6[%select_n3A, %dma_wait3A_74] : memref<4x4096xf32, #tpu.memory_space<hbm>> -> memref<1x4096xf32, #tpu.memory_space<hbm>>
      %dma_wait3A_76 = tpu.memref_squeeze %dma_wait3A_75 : memref<1x4096xf32, #tpu.memory_space<hbm>> -> memref<4096xf32, #tpu.memory_space<hbm>>
      tpu.wait_dma2 semaphore(%run_scoped3A : memref<!tpu.dma_semaphore, #tpu.memory_space<semaphore_mem>>) src(%dma_wait3A_76 : memref<4096xf32, #tpu.memory_space<hbm>>) dst(%arg14 : memref<4096xf32, #tpu.memory_space<vmem>>)
      tpu.yield
    }) : () -> ()
    "tpu.region"() ({
      %run_scoped3A = tpu.sem_alloc : memref<!tpu.dma_semaphore, #tpu.memory_space<semaphore_mem>>
      %dma_start3A = arith.constant 0 : i32
      %dma_start3A_67 = tpu.memref_slice %arg7[%select_n3A, %dma_start3A] : memref<4x4096xf32, #tpu.memory_space<hbm>> -> memref<1x4096xf32, #tpu.memory_space<hbm>>
      %dma_start3A_68 = tpu.memref_squeeze %dma_start3A_67 : memref<1x4096xf32, #tpu.memory_space<hbm>> -> memref<4096xf32, #tpu.memory_space<hbm>>
      %dma_start3A_69 = arith.constant 0 : i32
      %dma_start3A_70 = tpu.memref_slice %arg7[%select_n3A, %dma_start3A_69] : memref<4x4096xf32, #tpu.memory_space<hbm>> -> memref<1x4096xf32, #tpu.memory_space<hbm>>
      %dma_start3A_71 = tpu.memref_squeeze %dma_start3A_70 : memref<1x4096xf32, #tpu.memory_space<hbm>> -> memref<4096xf32, #tpu.memory_space<hbm>>
      tpu.enqueue_dma source(%dma_start3A_71 : memref<4096xf32, #tpu.memory_space<hbm>>) target(%arg15 : memref<4096xf32, #tpu.memory_space<vmem>>) target_semaphore(%run_scoped3A : memref<!tpu.dma_semaphore, #tpu.memory_space<semaphore_mem>>)
      %dma_wait3A = arith.constant 0 : i32
      %dma_wait3A_72 = tpu.memref_slice %arg7[%select_n3A, %dma_wait3A] : memref<4x4096xf32, #tpu.memory_space<hbm>> -> memref<1x4096xf32, #tpu.memory_space<hbm>>
      %dma_wait3A_73 = tpu.memref_squeeze %dma_wait3A_72 : memref<1x4096xf32, #tpu.memory_space<hbm>> -> memref<4096xf32, #tpu.memory_space<hbm>>
      %dma_wait3A_74 = arith.constant 0 : i32
      %dma_wait3A_75 = tpu.memref_slice %arg7[%select_n3A, %dma_wait3A_74] : memref<4x4096xf32, #tpu.memory_space<hbm>> -> memref<1x4096xf32, #tpu.memory_space<hbm>>
      %dma_wait3A_76 = tpu.memref_squeeze %dma_wait3A_75 : memref<1x4096xf32, #tpu.memory_space<hbm>> -> memref<4096xf32, #tpu.memory_space<hbm>>
      tpu.wait_dma2 semaphore(%run_scoped3A : memref<!tpu.dma_semaphore, #tpu.memory_space<semaphore_mem>>) src(%dma_wait3A_76 : memref<4096xf32, #tpu.memory_space<hbm>>) dst(%arg15 : memref<4096xf32, #tpu.memory_space<vmem>>)
      tpu.yield
    }) : () -> ()
    %broadcast_in_dim3A = arith.constant 3.000000e+38 : f32
    %broadcast_in_dim3A_38 = vector.broadcast %broadcast_in_dim3A : f32 to vector<16xf32>
    %scan3A = arith.constant 0 : i32
    %scan3A_39 = arith.constant 0 : i32
    %scan3A_40 = arith.constant 256 : i32
    %scan3A_41 = arith.addi %scan3A_39, %scan3A_40 : i32
    %scan3A_42 = arith.constant 1 : i32
    scf.for %scan3A_67 = %scan3A_39 to %scan3A_41 step %scan3A_42  : i32 {
      %mul3A_68 = arith.constant 16 : i32
      %mul3A_69 = arith.muli %scan3A_67, %mul3A_68 : i32
      %swap3A_70 = arith.index_cast %mul3A_69 : i32 to index
      %swap3A_71 = tpu.vector_load %arg17[%swap3A_70] {strides = array<i32>} : memref<4096xf32, #tpu.memory_space<vmem>>, vector<16xf32>,
      %swap3A_72 = vector.shape_cast %swap3A_71 : vector<16xf32> to vector<16xf32>
      %swap3A_73 = vector.shape_cast %broadcast_in_dim3A_38 : vector<16xf32> to vector<16xf32>
      tpu.vector_store %arg17[%swap3A_70], %swap3A_73 {strides = array<i32>} : memref<4096xf32, #tpu.memory_space<vmem>>, vector<16xf32>,
      %get3A = arith.index_cast %mul3A_69 : i32 to index
      %get3A_74 = tpu.vector_load %arg13[%get3A] {strides = array<i32>} : memref<4096xf32, #tpu.memory_space<vmem>>, vector<16xf32>,
      %get3A_75 = vector.shape_cast %get3A_74 : vector<16xf32> to vector<16xf32>
      %get3A_76 = arith.index_cast %mul3A_69 : i32 to index
      %get3A_77 = tpu.vector_load %arg14[%get3A_76] {strides = array<i32>} : memref<4096xf32, #tpu.memory_space<vmem>>, vector<16xf32>,
      %get3A_78 = vector.shape_cast %get3A_77 : vector<16xf32> to vector<16xf32>
      %get3A_79 = arith.index_cast %mul3A_69 : i32 to index
      %get3A_80 = tpu.vector_load %arg15[%get3A_79] {strides = array<i32>} : memref<4096xf32, #tpu.memory_space<vmem>>, vector<16xf32>,
      %get3A_81 = vector.shape_cast %get3A_80 : vector<16xf32> to vector<16xf32>
      %mul3A_82 = arith.mulf %get3A_75, %get3A_75 : vector<16xf32>
      %mul3A_83 = arith.mulf %get3A_78, %get3A_78 : vector<16xf32>
      %add3A_84 = arith.addf %mul3A_82, %mul3A_83 : vector<16xf32>
      %mul3A_85 = arith.mulf %get3A_81, %get3A_81 : vector<16xf32>
      %add3A_86 = arith.addf %add3A_84, %mul3A_85 : vector<16xf32>
      %swap3A_87 = arith.index_cast %mul3A_69 : i32 to index
      %swap3A_88 = tpu.vector_load %arg16[%swap3A_87] {strides = array<i32>} : memref<4096xf32, #tpu.memory_space<vmem>>, vector<16xf32>,
      %swap3A_89 = vector.shape_cast %swap3A_88 : vector<16xf32> to vector<16xf32>
      %swap3A_90 = vector.shape_cast %add3A_86 : vector<16xf32> to vector<16xf32>
      tpu.vector_store %arg16[%swap3A_87], %swap3A_90 {strides = array<i32>} : memref<4096xf32, #tpu.memory_space<vmem>>, vector<16xf32>,
      %mul3A_91 = arith.constant -2.000000e+00 : f32
      %mul3A_92 = vector.broadcast %mul3A_91 : f32 to vector<16xf32>
      %mul3A_93 = arith.mulf %mul3A_92, %get3A_75 : vector<16xf32>
      %swap3A_94 = arith.index_cast %mul3A_69 : i32 to index
      %swap3A_95 = tpu.vector_load %arg13[%swap3A_94] {strides = array<i32>} : memref<4096xf32, #tpu.memory_space<vmem>>, vector<16xf32>,
      %swap3A_96 = vector.shape_cast %swap3A_95 : vector<16xf32> to vector<16xf32>
      %swap3A_97 = vector.shape_cast %mul3A_93 : vector<16xf32> to vector<16xf32>
      tpu.vector_store %arg13[%swap3A_94], %swap3A_97 {strides = array<i32>} : memref<4096xf32, #tpu.memory_space<vmem>>, vector<16xf32>,
      %mul3A_98 = arith.constant -2.000000e+00 : f32
      %mul3A_99 = vector.broadcast %mul3A_98 : f32 to vector<16xf32>
      %mul3A_100 = arith.mulf %mul3A_99, %get3A_78 : vector<16xf32>
      %swap3A_101 = arith.index_cast %mul3A_69 : i32 to index
      %swap3A_102 = tpu.vector_load %arg14[%swap3A_101] {strides = array<i32>} : memref<4096xf32, #tpu.memory_space<vmem>>, vector<16xf32>,
      %swap3A_103 = vector.shape_cast %swap3A_102 : vector<16xf32> to vector<16xf32>
      %swap3A_104 = vector.shape_cast %mul3A_100 : vector<16xf32> to vector<16xf32>
      tpu.vector_store %arg14[%swap3A_101], %swap3A_104 {strides = array<i32>} : memref<4096xf32, #tpu.memory_space<vmem>>, vector<16xf32>,
      %mul3A_105 = arith.constant -2.000000e+00 : f32
      %mul3A_106 = vector.broadcast %mul3A_105 : f32 to vector<16xf32>
      %mul3A_107 = arith.mulf %mul3A_106, %get3A_81 : vector<16xf32>
      %swap3A_108 = arith.index_cast %mul3A_69 : i32 to index
      %swap3A_109 = tpu.vector_load %arg15[%swap3A_108] {strides = array<i32>} : memref<4096xf32, #tpu.memory_space<vmem>>, vector<16xf32>,
      %swap3A_110 = vector.shape_cast %swap3A_109 : vector<16xf32> to vector<16xf32>
      %swap3A_111 = vector.shape_cast %mul3A_107 : vector<16xf32> to vector<16xf32>
      tpu.vector_store %arg15[%swap3A_108], %swap3A_111 {strides = array<i32>} : memref<4096xf32, #tpu.memory_space<vmem>>, vector<16xf32>,
    }
    %scan3A_43 = arith.constant 256 : i32
    %scan3A_44 = arith.constant 0 : i32
    %scan3A_45 = arith.constant 0 : i32
    %scan3A_46 = arith.constant 11 : i32
    %scan3A_47 = arith.addi %scan3A_45, %scan3A_46 : i32
    %scan3A_48 = arith.constant 1 : i32
    scf.for %scan3A_67 = %scan3A_45 to %scan3A_47 step %scan3A_48  : i32 {
      %mul3A_68 = arith.constant 16 : i32
      %mul3A_69 = arith.muli %scan3A_67, %mul3A_68 : i32
      %get3A = arith.index_cast %mul3A_69 : i32 to index
      %get3A_70 = tpu.vector_load %arg10[%get3A] {strides = array<i32>} : memref<176xf32, #tpu.memory_space<vmem>>, vector<16xf32>,
      %get3A_71 = vector.shape_cast %get3A_70 : vector<16xf32> to vector<16xf32>
      %get3A_72 = arith.index_cast %mul3A_69 : i32 to index
      %get3A_73 = tpu.vector_load %arg11[%get3A_72] {strides = array<i32>} : memref<176xf32, #tpu.memory_space<vmem>>, vector<16xf32>,
      %get3A_74 = vector.shape_cast %get3A_73 : vector<16xf32> to vector<16xf32>
      %get3A_75 = arith.index_cast %mul3A_69 : i32 to index
      %get3A_76 = tpu.vector_load %arg12[%get3A_75] {strides = array<i32>} : memref<176xf32, #tpu.memory_space<vmem>>, vector<16xf32>,
      %get3A_77 = vector.shape_cast %get3A_76 : vector<16xf32> to vector<16xf32>
      %slice3A = vector.extract_strided_slice %get3A_71 {offsets = [0], sizes = [1], strides = [1]} : vector<16xf32> to vector<1xf32>
      %squeeze3A = vector.extract %slice3A[0] : f32 from vector<1xf32>
      %slice3A_78 = vector.extract_strided_slice %get3A_71 {offsets = [1], sizes = [1], strides = [1]} : vector<16xf32> to vector<1xf32>
      %squeeze3A_79 = vector.extract %slice3A_78[0] : f32 from vector<1xf32>
      %slice3A_80 = vector.extract_strided_slice %get3A_71 {offsets = [2], sizes = [1], strides = [1]} : vector<16xf32> to vector<1xf32>
      %squeeze3A_81 = vector.extract %slice3A_80[0] : f32 from vector<1xf32>
      %slice3A_82 = vector.extract_strided_slice %get3A_71 {offsets = [3], sizes = [1], strides = [1]} : vector<16xf32> to vector<1xf32>
      %squeeze3A_83 = vector.extract %slice3A_82[0] : f32 from vector<1xf32>
      %slice3A_84 = vector.extract_strided_slice %get3A_74 {offsets = [0], sizes = [1], strides = [1]} : vector<16xf32> to vector<1xf32>
      %squeeze3A_85 = vector.extract %slice3A_84[0] : f32 from vector<1xf32>
      %slice3A_86 = vector.extract_strided_slice %get3A_74 {offsets = [1], sizes = [1], strides = [1]} : vector<16xf32> to vector<1xf32>
      %squeeze3A_87 = vector.extract %slice3A_86[0] : f32 from vector<1xf32>
      %slice3A_88 = vector.extract_strided_slice %get3A_74 {offsets = [2], sizes = [1], strides = [1]} : vector<16xf32> to vector<1xf32>
      %squeeze3A_89 = vector.extract %slice3A_88[0] : f32 from vector<1xf32>
      %slice3A_90 = vector.extract_strided_slice %get3A_74 {offsets = [3], sizes = [1], strides = [1]} : vector<16xf32> to vector<1xf32>
      %squeeze3A_91 = vector.extract %slice3A_90[0] : f32 from vector<1xf32>
      %slice3A_92 = vector.extract_strided_slice %get3A_77 {offsets = [0], sizes = [1], strides = [1]} : vector<16xf32> to vector<1xf32>
      %squeeze3A_93 = vector.extract %slice3A_92[0] : f32 from vector<1xf32>
      %slice3A_94 = vector.extract_strided_slice %get3A_77 {offsets = [1], sizes = [1], strides = [1]} : vector<16xf32> to vector<1xf32>
      %squeeze3A_95 = vector.extract %slice3A_94[0] : f32 from vector<1xf32>
      %slice3A_96 = vector.extract_strided_slice %get3A_77 {offsets = [2], sizes = [1], strides = [1]} : vector<16xf32> to vector<1xf32>
      %squeeze3A_97 = vector.extract %slice3A_96[0] : f32 from vector<1xf32>
      %slice3A_98 = vector.extract_strided_slice %get3A_77 {offsets = [3], sizes = [1], strides = [1]} : vector<16xf32> to vector<1xf32>
      %squeeze3A_99 = vector.extract %slice3A_98[0] : f32 from vector<1xf32>
      %mul3A_100 = arith.mulf %squeeze3A, %squeeze3A : f32
      %mul3A_101 = arith.mulf %squeeze3A_85, %squeeze3A_85 : f32
      %add3A_102 = arith.addf %mul3A_100, %mul3A_101 : f32
      %mul3A_103 = arith.mulf %squeeze3A_93, %squeeze3A_93 : f32
      %add3A_104 = arith.addf %add3A_102, %mul3A_103 : f32
      %mul3A_105 = arith.mulf %squeeze3A_79, %squeeze3A_79 : f32
      %mul3A_106 = arith.mulf %squeeze3A_87, %squeeze3A_87 : f32
      %add3A_107 = arith.addf %mul3A_105, %mul3A_106 : f32
      %mul3A_108 = arith.mulf %squeeze3A_95, %squeeze3A_95 : f32
      %add3A_109 = arith.addf %add3A_107, %mul3A_108 : f32
      %mul3A_110 = arith.mulf %squeeze3A_81, %squeeze3A_81 : f32
      %mul3A_111 = arith.mulf %squeeze3A_89, %squeeze3A_89 : f32
      %add3A_112 = arith.addf %mul3A_110, %mul3A_111 : f32
      %mul3A_113 = arith.mulf %squeeze3A_97, %squeeze3A_97 : f32
      %add3A_114 = arith.addf %add3A_112, %mul3A_113 : f32
      %mul3A_115 = arith.mulf %squeeze3A_83, %squeeze3A_83 : f32
      %mul3A_116 = arith.mulf %squeeze3A_91, %squeeze3A_91 : f32
      %add3A_117 = arith.addf %mul3A_115, %mul3A_116 : f32
      %mul3A_118 = arith.mulf %squeeze3A_99, %squeeze3A_99 : f32
      %add3A_119 = arith.addf %add3A_117, %mul3A_118 : f32
      %scan3A_120 = arith.constant 0 : i32
      %scan3A_121 = arith.constant 256 : i32
      %scan3A_122 = arith.addi %scan3A_120, %scan3A_121 : i32
      %scan3A_123 = arith.constant 1 : i32
      %scan3A_124:12 = scf.for %scan3A_628 = %scan3A_120 to %scan3A_122 step %scan3A_123 iter_args(%scan3A_629 = %broadcast_in_dim3A_38, %scan3A_630 = %broadcast_in_dim3A_38, %scan3A_631 = %broadcast_in_dim3A_38, %scan3A_632 = %broadcast_in_dim3A_38, %scan3A_633 = %broadcast_in_dim3A_38, %scan3A_634 = %broadcast_in_dim3A_38, %scan3A_635 = %broadcast_in_dim3A_38, %scan3A_636 = %broadcast_in_dim3A_38, %scan3A_637 = %broadcast_in_dim3A_38, %scan3A_638 = %broadcast_in_dim3A_38, %scan3A_639 = %broadcast_in_dim3A_38, %scan3A_640 = %broadcast_in_dim3A_38) -> (vector<16xf32>, vector<16xf32>, vector<16xf32>, vector<16xf32>, vector<16xf32>, vector<16xf32>, vector<16xf32>, vector<16xf32>, vector<16xf32>, vector<16xf32>, vector<16xf32>, vector<16xf32>)  : i32 {
        %mul3A_641 = arith.constant 16 : i32
        %mul3A_642 = arith.muli %scan3A_628, %mul3A_641 : i32
        %get3A_643 = arith.index_cast %mul3A_642 : i32 to index
        %get3A_644 = tpu.vector_load %arg13[%get3A_643] {strides = array<i32>} : memref<4096xf32, #tpu.memory_space<vmem>>, vector<16xf32>,
        %get3A_645 = vector.shape_cast %get3A_644 : vector<16xf32> to vector<16xf32>
        %get3A_646 = arith.index_cast %mul3A_642 : i32 to index
        %get3A_647 = tpu.vector_load %arg14[%get3A_646] {strides = array<i32>} : memref<4096xf32, #tpu.memory_space<vmem>>, vector<16xf32>,
        %get3A_648 = vector.shape_cast %get3A_647 : vector<16xf32> to vector<16xf32>
        %get3A_649 = arith.index_cast %mul3A_642 : i32 to index
        %get3A_650 = tpu.vector_load %arg15[%get3A_649] {strides = array<i32>} : memref<4096xf32, #tpu.memory_space<vmem>>, vector<16xf32>,
        %get3A_651 = vector.shape_cast %get3A_650 : vector<16xf32> to vector<16xf32>
        %get3A_652 = arith.index_cast %mul3A_642 : i32 to index
        %get3A_653 = tpu.vector_load %arg16[%get3A_652] {strides = array<i32>} : memref<4096xf32, #tpu.memory_space<vmem>>, vector<16xf32>,
        %get3A_654 = vector.shape_cast %get3A_653 : vector<16xf32> to vector<16xf32>
        %get3A_655 = arith.index_cast %mul3A_642 : i32 to index
        %get3A_656 = tpu.vector_load %arg17[%get3A_655] {strides = array<i32>} : memref<4096xf32, #tpu.memory_space<vmem>>, vector<16xf32>,
        %get3A_657 = vector.shape_cast %get3A_656 : vector<16xf32> to vector<16xf32>
        %add3A_658 = vector.broadcast %add3A_104 : f32 to vector<16xf32>
        %add3A_659 = arith.addf %get3A_654, %add3A_658 : vector<16xf32>
        %mul3A_660 = vector.broadcast %squeeze3A : f32 to vector<16xf32>
        %mul3A_661 = arith.mulf %get3A_645, %mul3A_660 : vector<16xf32>
        %add3A_662 = arith.addf %add3A_659, %mul3A_661 : vector<16xf32>
        %mul3A_663 = vector.broadcast %squeeze3A_85 : f32 to vector<16xf32>
        %mul3A_664 = arith.mulf %get3A_648, %mul3A_663 : vector<16xf32>
        %add3A_665 = arith.addf %add3A_662, %mul3A_664 : vector<16xf32>
        %mul3A_666 = vector.broadcast %squeeze3A_93 : f32 to vector<16xf32>
        %mul3A_667 = arith.mulf %get3A_651, %mul3A_666 : vector<16xf32>
        %add3A_668 = arith.addf %add3A_665, %mul3A_667 : vector<16xf32>
        %max3A = arith.maximumf %scan3A_629, %add3A_668 : vector<16xf32>
        %min3A = arith.minimumf %scan3A_629, %add3A_668 : vector<16xf32>
        %max3A_669 = arith.maximumf %scan3A_630, %max3A : vector<16xf32>
        %min3A_670 = arith.minimumf %scan3A_630, %max3A : vector<16xf32>
        %min3A_671 = arith.minimumf %scan3A_631, %max3A_669 : vector<16xf32>
        %min3A_672 = arith.minimumf %get3A_657, %add3A_668 : vector<16xf32>
        %add3A_673 = vector.broadcast %add3A_109 : f32 to vector<16xf32>
        %add3A_674 = arith.addf %get3A_654, %add3A_673 : vector<16xf32>
        %mul3A_675 = vector.broadcast %squeeze3A_79 : f32 to vector<16xf32>
        %mul3A_676 = arith.mulf %get3A_645, %mul3A_675 : vector<16xf32>
        %add3A_677 = arith.addf %add3A_674, %mul3A_676 : vector<16xf32>
        %mul3A_678 = vector.broadcast %squeeze3A_87 : f32 to vector<16xf32>
        %mul3A_679 = arith.mulf %get3A_648, %mul3A_678 : vector<16xf32>
        %add3A_680 = arith.addf %add3A_677, %mul3A_679 : vector<16xf32>
        %mul3A_681 = vector.broadcast %squeeze3A_95 : f32 to vector<16xf32>
        %mul3A_682 = arith.mulf %get3A_651, %mul3A_681 : vector<16xf32>
        %add3A_683 = arith.addf %add3A_680, %mul3A_682 : vector<16xf32>
        %max3A_684 = arith.maximumf %scan3A_632, %add3A_683 : vector<16xf32>
        %min3A_685 = arith.minimumf %scan3A_632, %add3A_683 : vector<16xf32>
        %max3A_686 = arith.maximumf %scan3A_633, %max3A_684 : vector<16xf32>
        %min3A_687 = arith.minimumf %scan3A_633, %max3A_684 : vector<16xf32>
        %min3A_688 = arith.minimumf %scan3A_634, %max3A_686 : vector<16xf32>
        %min3A_689 = arith.minimumf %min3A_672, %add3A_683 : vector<16xf32>
        %add3A_690 = vector.broadcast %add3A_114 : f32 to vector<16xf32>
        %add3A_691 = arith.addf %get3A_654, %add3A_690 : vector<16xf32>
        %mul3A_692 = vector.broadcast %squeeze3A_81 : f32 to vector<16xf32>
        %mul3A_693 = arith.mulf %get3A_645, %mul3A_692 : vector<16xf32>
        %add3A_694 = arith.addf %add3A_691, %mul3A_693 : vector<16xf32>
        %mul3A_695 = vector.broadcast %squeeze3A_89 : f32 to vector<16xf32>
        %mul3A_696 = arith.mulf %get3A_648, %mul3A_695 : vector<16xf32>
        %add3A_697 = arith.addf %add3A_694, %mul3A_696 : vector<16xf32>
        %mul3A_698 = vector.broadcast %squeeze3A_97 : f32 to vector<16xf32>
        %mul3A_699 = arith.mulf %get3A_651, %mul3A_698 : vector<16xf32>
        %add3A_700 = arith.addf %add3A_697, %mul3A_699 : vector<16xf32>
        %max3A_701 = arith.maximumf %scan3A_635, %add3A_700 : vector<16xf32>
        %min3A_702 = arith.minimumf %scan3A_635, %add3A_700 : vector<16xf32>
        %max3A_703 = arith.maximumf %scan3A_636, %max3A_701 : vector<16xf32>
        %min3A_704 = arith.minimumf %scan3A_636, %max3A_701 : vector<16xf32>
        %min3A_705 = arith.minimumf %scan3A_637, %max3A_703 : vector<16xf32>
        %min3A_706 = arith.minimumf %min3A_689, %add3A_700 : vector<16xf32>
        %add3A_707 = vector.broadcast %add3A_119 : f32 to vector<16xf32>
        %add3A_708 = arith.addf %get3A_654, %add3A_707 : vector<16xf32>
        %mul3A_709 = vector.broadcast %squeeze3A_83 : f32 to vector<16xf32>
        %mul3A_710 = arith.mulf %get3A_645, %mul3A_709 : vector<16xf32>
        %add3A_711 = arith.addf %add3A_708, %mul3A_710 : vector<16xf32>
        %mul3A_712 = vector.broadcast %squeeze3A_91 : f32 to vector<16xf32>
        %mul3A_713 = arith.mulf %get3A_648, %mul3A_712 : vector<16xf32>
        %add3A_714 = arith.addf %add3A_711, %mul3A_713 : vector<16xf32>
        %mul3A_715 = vector.broadcast %squeeze3A_99 : f32 to vector<16xf32>
        %mul3A_716 = arith.mulf %get3A_651, %mul3A_715 : vector<16xf32>
        %add3A_717 = arith.addf %add3A_714, %mul3A_716 : vector<16xf32>
        %max3A_718 = arith.maximumf %scan3A_638, %add3A_717 : vector<16xf32>
        %min3A_719 = arith.minimumf %scan3A_638, %add3A_717 : vector<16xf32>
        %max3A_720 = arith.maximumf %scan3A_639, %max3A_718 : vector<16xf32>
        %min3A_721 = arith.minimumf %scan3A_639, %max3A_718 : vector<16xf32>
        %min3A_722 = arith.minimumf %scan3A_640, %max3A_720 : vector<16xf32>
        %min3A_723 = arith.minimumf %min3A_706, %add3A_717 : vector<16xf32>
        %swap3A_724 = arith.index_cast %mul3A_642 : i32 to index
        %swap3A_725 = tpu.vector_load %arg17[%swap3A_724] {strides = array<i32>} : memref<4096xf32, #tpu.memory_space<vmem>>, vector<16xf32>,
        %swap3A_726 = vector.shape_cast %swap3A_725 : vector<16xf32> to vector<16xf32>
        %swap3A_727 = vector.shape_cast %min3A_723 : vector<16xf32> to vector<16xf32>
        tpu.vector_store %arg17[%swap3A_724], %swap3A_727 {strides = array<i32>} : memref<4096xf32, #tpu.memory_space<vmem>>, vector<16xf32>,
        scf.yield %min3A, %min3A_670, %min3A_671, %min3A_685, %min3A_687, %min3A_688, %min3A_702, %min3A_704, %min3A_705, %min3A_719, %min3A_721, %min3A_722 : vector<16xf32>, vector<16xf32>, vector<16xf32>, vector<16xf32>, vector<16xf32>, vector<16xf32>, vector<16xf32>, vector<16xf32>, vector<16xf32>, vector<16xf32>, vector<16xf32>, vector<16xf32>
      }
      %scan3A_125 = arith.constant 256 : i32
      %add3A_126 = arith.constant 0 : i32
      %add3A_127 = arith.addi %mul3A_69, %add3A_126 : i32
      %add3A_128 = arith.constant 0 : i32
      %add3A_129 = arith.addi %add3A_127, %add3A_128 : i32
      %mul3A_130 = arith.constant 16 : i32
      %mul3A_131 = arith.muli %add3A_129, %mul3A_130 : i32
      %swap3A_132 = arith.index_cast %mul3A_131 : i32 to index
      %swap3A_133 = tpu.vector_load %arg18[%swap3A_132] {strides = array<i32>} : memref<2816xf32, #tpu.memory_space<vmem>>, vector<16xf32>,
      %swap3A_134 = vector.shape_cast %swap3A_133 : vector<16xf32> to vector<16xf32>
      %swap3A_135 = vector.shape_cast %scan3A_124#0 : vector<16xf32> to vector<16xf32>
      tpu.vector_store %arg18[%swap3A_132], %swap3A_135 {strides = array<i32>} : memref<2816xf32, #tpu.memory_space<vmem>>, vector<16xf32>,
      %mul3A_136 = arith.constant 16 : i32
      %mul3A_137 = arith.muli %add3A_129, %mul3A_136 : i32
      %swap3A_138 = arith.index_cast %mul3A_137 : i32 to index
      %swap3A_139 = tpu.vector_load %arg19[%swap3A_138] {strides = array<i32>} : memref<2816xf32, #tpu.memory_space<vmem>>, vector<16xf32>,
      %swap3A_140 = vector.shape_cast %swap3A_139 : vector<16xf32> to vector<16xf32>
      %swap3A_141 = vector.shape_cast %scan3A_124#1 : vector<16xf32> to vector<16xf32>
      tpu.vector_store %arg19[%swap3A_138], %swap3A_141 {strides = array<i32>} : memref<2816xf32, #tpu.memory_space<vmem>>, vector<16xf32>,
      %mul3A_142 = arith.constant 16 : i32
      %mul3A_143 = arith.muli %add3A_129, %mul3A_142 : i32
      %swap3A_144 = arith.index_cast %mul3A_143 : i32 to index
      %swap3A_145 = tpu.vector_load %arg20[%swap3A_144] {strides = array<i32>} : memref<2816xf32, #tpu.memory_space<vmem>>, vector<16xf32>,
      %swap3A_146 = vector.shape_cast %swap3A_145 : vector<16xf32> to vector<16xf32>
      %swap3A_147 = vector.shape_cast %scan3A_124#2 : vector<16xf32> to vector<16xf32>
      tpu.vector_store %arg20[%swap3A_144], %swap3A_147 {strides = array<i32>} : memref<2816xf32, #tpu.memory_space<vmem>>, vector<16xf32>,
      %add3A_148 = arith.constant 0 : i32
      %add3A_149 = arith.addi %mul3A_69, %add3A_148 : i32
      %add3A_150 = arith.constant 1 : i32
      %add3A_151 = arith.addi %add3A_149, %add3A_150 : i32
      %mul3A_152 = arith.constant 16 : i32
      %mul3A_153 = arith.muli %add3A_151, %mul3A_152 : i32
      %swap3A_154 = arith.index_cast %mul3A_153 : i32 to index
      %swap3A_155 = tpu.vector_load %arg18[%swap3A_154] {strides = array<i32>} : memref<2816xf32, #tpu.memory_space<vmem>>, vector<16xf32>,
      %swap3A_156 = vector.shape_cast %swap3A_155 : vector<16xf32> to vector<16xf32>
      %swap3A_157 = vector.shape_cast %scan3A_124#3 : vector<16xf32> to vector<16xf32>
      tpu.vector_store %arg18[%swap3A_154], %swap3A_157 {strides = array<i32>} : memref<2816xf32, #tpu.memory_space<vmem>>, vector<16xf32>,
      %mul3A_158 = arith.constant 16 : i32
      %mul3A_159 = arith.muli %add3A_151, %mul3A_158 : i32
      %swap3A_160 = arith.index_cast %mul3A_159 : i32 to index
      %swap3A_161 = tpu.vector_load %arg19[%swap3A_160] {strides = array<i32>} : memref<2816xf32, #tpu.memory_space<vmem>>, vector<16xf32>,
      %swap3A_162 = vector.shape_cast %swap3A_161 : vector<16xf32> to vector<16xf32>
      %swap3A_163 = vector.shape_cast %scan3A_124#4 : vector<16xf32> to vector<16xf32>
      tpu.vector_store %arg19[%swap3A_160], %swap3A_163 {strides = array<i32>} : memref<2816xf32, #tpu.memory_space<vmem>>, vector<16xf32>,
      %mul3A_164 = arith.constant 16 : i32
      %mul3A_165 = arith.muli %add3A_151, %mul3A_164 : i32
      %swap3A_166 = arith.index_cast %mul3A_165 : i32 to index
      %swap3A_167 = tpu.vector_load %arg20[%swap3A_166] {strides = array<i32>} : memref<2816xf32, #tpu.memory_space<vmem>>, vector<16xf32>,
      %swap3A_168 = vector.shape_cast %swap3A_167 : vector<16xf32> to vector<16xf32>
      %swap3A_169 = vector.shape_cast %scan3A_124#5 : vector<16xf32> to vector<16xf32>
      tpu.vector_store %arg20[%swap3A_166], %swap3A_169 {strides = array<i32>} : memref<2816xf32, #tpu.memory_space<vmem>>, vector<16xf32>,
      %add3A_170 = arith.constant 0 : i32
      %add3A_171 = arith.addi %mul3A_69, %add3A_170 : i32
      %add3A_172 = arith.constant 2 : i32
      %add3A_173 = arith.addi %add3A_171, %add3A_172 : i32
      %mul3A_174 = arith.constant 16 : i32
      %mul3A_175 = arith.muli %add3A_173, %mul3A_174 : i32
      %swap3A_176 = arith.index_cast %mul3A_175 : i32 to index
      %swap3A_177 = tpu.vector_load %arg18[%swap3A_176] {strides = array<i32>} : memref<2816xf32, #tpu.memory_space<vmem>>, vector<16xf32>,
      %swap3A_178 = vector.shape_cast %swap3A_177 : vector<16xf32> to vector<16xf32>
      %swap3A_179 = vector.shape_cast %scan3A_124#6 : vector<16xf32> to vector<16xf32>
      tpu.vector_store %arg18[%swap3A_176], %swap3A_179 {strides = array<i32>} : memref<2816xf32, #tpu.memory_space<vmem>>, vector<16xf32>,
      %mul3A_180 = arith.constant 16 : i32
      %mul3A_181 = arith.muli %add3A_173, %mul3A_180 : i32
      %swap3A_182 = arith.index_cast %mul3A_181 : i32 to index
      %swap3A_183 = tpu.vector_load %arg19[%swap3A_182] {strides = array<i32>} : memref<2816xf32, #tpu.memory_space<vmem>>, vector<16xf32>,
      %swap3A_184 = vector.shape_cast %swap3A_183 : vector<16xf32> to vector<16xf32>
      %swap3A_185 = vector.shape_cast %scan3A_124#7 : vector<16xf32> to vector<16xf32>
      tpu.vector_store %arg19[%swap3A_182], %swap3A_185 {strides = array<i32>} : memref<2816xf32, #tpu.memory_space<vmem>>, vector<16xf32>,
      %mul3A_186 = arith.constant 16 : i32
      %mul3A_187 = arith.muli %add3A_173, %mul3A_186 : i32
      %swap3A_188 = arith.index_cast %mul3A_187 : i32 to index
      %swap3A_189 = tpu.vector_load %arg20[%swap3A_188] {strides = array<i32>} : memref<2816xf32, #tpu.memory_space<vmem>>, vector<16xf32>,
      %swap3A_190 = vector.shape_cast %swap3A_189 : vector<16xf32> to vector<16xf32>
      %swap3A_191 = vector.shape_cast %scan3A_124#8 : vector<16xf32> to vector<16xf32>
      tpu.vector_store %arg20[%swap3A_188], %swap3A_191 {strides = array<i32>} : memref<2816xf32, #tpu.memory_space<vmem>>, vector<16xf32>,
      %add3A_192 = arith.constant 0 : i32
      %add3A_193 = arith.addi %mul3A_69, %add3A_192 : i32
      %add3A_194 = arith.constant 3 : i32
      %add3A_195 = arith.addi %add3A_193, %add3A_194 : i32
      %mul3A_196 = arith.constant 16 : i32
      %mul3A_197 = arith.muli %add3A_195, %mul3A_196 : i32
      %swap3A_198 = arith.index_cast %mul3A_197 : i32 to index
      %swap3A_199 = tpu.vector_load %arg18[%swap3A_198] {strides = array<i32>} : memref<2816xf32, #tpu.memory_space<vmem>>, vector<16xf32>,
      %swap3A_200 = vector.shape_cast %swap3A_199 : vector<16xf32> to vector<16xf32>
      %swap3A_201 = vector.shape_cast %scan3A_124#9 : vector<16xf32> to vector<16xf32>
      tpu.vector_store %arg18[%swap3A_198], %swap3A_201 {strides = array<i32>} : memref<2816xf32, #tpu.memory_space<vmem>>, vector<16xf32>,
      %mul3A_202 = arith.constant 16 : i32
      %mul3A_203 = arith.muli %add3A_195, %mul3A_202 : i32
      %swap3A_204 = arith.index_cast %mul3A_203 : i32 to index
      %swap3A_205 = tpu.vector_load %arg19[%swap3A_204] {strides = array<i32>} : memref<2816xf32, #tpu.memory_space<vmem>>, vector<16xf32>,
      %swap3A_206 = vector.shape_cast %swap3A_205 : vector<16xf32> to vector<16xf32>
      %swap3A_207 = vector.shape_cast %scan3A_124#10 : vector<16xf32> to vector<16xf32>
      tpu.vector_store %arg19[%swap3A_204], %swap3A_207 {strides = array<i32>} : memref<2816xf32, #tpu.memory_space<vmem>>, vector<16xf32>,
      %mul3A_208 = arith.constant 16 : i32
      %mul3A_209 = arith.muli %add3A_195, %mul3A_208 : i32
      %swap3A_210 = arith.index_cast %mul3A_209 : i32 to index
      %swap3A_211 = tpu.vector_load %arg20[%swap3A_210] {strides = array<i32>} : memref<2816xf32, #tpu.memory_space<vmem>>, vector<16xf32>,
      %swap3A_212 = vector.shape_cast %swap3A_211 : vector<16xf32> to vector<16xf32>
      %swap3A_213 = vector.shape_cast %scan3A_124#11 : vector<16xf32> to vector<16xf32>
      tpu.vector_store %arg20[%swap3A_210], %swap3A_213 {strides = array<i32>} : memref<2816xf32, #tpu.memory_space<vmem>>, vector<16xf32>,
      %slice3A_214 = vector.extract_strided_slice %get3A_71 {offsets = [4], sizes = [1], strides = [1]} : vector<16xf32> to vector<1xf32>
      %squeeze3A_215 = vector.extract %slice3A_214[0] : f32 from vector<1xf32>
      %slice3A_216 = vector.extract_strided_slice %get3A_71 {offsets = [5], sizes = [1], strides = [1]} : vector<16xf32> to vector<1xf32>
      %squeeze3A_217 = vector.extract %slice3A_216[0] : f32 from vector<1xf32>
      %slice3A_218 = vector.extract_strided_slice %get3A_71 {offsets = [6], sizes = [1], strides = [1]} : vector<16xf32> to vector<1xf32>
      %squeeze3A_219 = vector.extract %slice3A_218[0] : f32 from vector<1xf32>
      %slice3A_220 = vector.extract_strided_slice %get3A_71 {offsets = [7], sizes = [1], strides = [1]} : vector<16xf32> to vector<1xf32>
      %squeeze3A_221 = vector.extract %slice3A_220[0] : f32 from vector<1xf32>
      %slice3A_222 = vector.extract_strided_slice %get3A_74 {offsets = [4], sizes = [1], strides = [1]} : vector<16xf32> to vector<1xf32>
      %squeeze3A_223 = vector.extract %slice3A_222[0] : f32 from vector<1xf32>
      %slice3A_224 = vector.extract_strided_slice %get3A_74 {offsets = [5], sizes = [1], strides = [1]} : vector<16xf32> to vector<1xf32>
      %squeeze3A_225 = vector.extract %slice3A_224[0] : f32 from vector<1xf32>
      %slice3A_226 = vector.extract_strided_slice %get3A_74 {offsets = [6], sizes = [1], strides = [1]} : vector<16xf32> to vector<1xf32>
      %squeeze3A_227 = vector.extract %slice3A_226[0] : f32 from vector<1xf32>
      %slice3A_228 = vector.extract_strided_slice %get3A_74 {offsets = [7], sizes = [1], strides = [1]} : vector<16xf32> to vector<1xf32>
      %squeeze3A_229 = vector.extract %slice3A_228[0] : f32 from vector<1xf32>
      %slice3A_230 = vector.extract_strided_slice %get3A_77 {offsets = [4], sizes = [1], strides = [1]} : vector<16xf32> to vector<1xf32>
      %squeeze3A_231 = vector.extract %slice3A_230[0] : f32 from vector<1xf32>
      %slice3A_232 = vector.extract_strided_slice %get3A_77 {offsets = [5], sizes = [1], strides = [1]} : vector<16xf32> to vector<1xf32>
      %squeeze3A_233 = vector.extract %slice3A_232[0] : f32 from vector<1xf32>
      %slice3A_234 = vector.extract_strided_slice %get3A_77 {offsets = [6], sizes = [1], strides = [1]} : vector<16xf32> to vector<1xf32>
      %squeeze3A_235 = vector.extract %slice3A_234[0] : f32 from vector<1xf32>
      %slice3A_236 = vector.extract_strided_slice %get3A_77 {offsets = [7], sizes = [1], strides = [1]} : vector<16xf32> to vector<1xf32>
      %squeeze3A_237 = vector.extract %slice3A_236[0] : f32 from vector<1xf32>
      %mul3A_238 = arith.mulf %squeeze3A_215, %squeeze3A_215 : f32
      %mul3A_239 = arith.mulf %squeeze3A_223, %squeeze3A_223 : f32
      %add3A_240 = arith.addf %mul3A_238, %mul3A_239 : f32
      %mul3A_241 = arith.mulf %squeeze3A_231, %squeeze3A_231 : f32
      %add3A_242 = arith.addf %add3A_240, %mul3A_241 : f32
      %mul3A_243 = arith.mulf %squeeze3A_217, %squeeze3A_217 : f32
      %mul3A_244 = arith.mulf %squeeze3A_225, %squeeze3A_225 : f32
      %add3A_245 = arith.addf %mul3A_243, %mul3A_244 : f32
      %mul3A_246 = arith.mulf %squeeze3A_233, %squeeze3A_233 : f32
      %add3A_247 = arith.addf %add3A_245, %mul3A_246 : f32
      %mul3A_248 = arith.mulf %squeeze3A_219, %squeeze3A_219 : f32
      %mul3A_249 = arith.mulf %squeeze3A_227, %squeeze3A_227 : f32
      %add3A_250 = arith.addf %mul3A_248, %mul3A_249 : f32
      %mul3A_251 = arith.mulf %squeeze3A_235, %squeeze3A_235 : f32
      %add3A_252 = arith.addf %add3A_250, %mul3A_251 : f32
      %mul3A_253 = arith.mulf %squeeze3A_221, %squeeze3A_221 : f32
      %mul3A_254 = arith.mulf %squeeze3A_229, %squeeze3A_229 : f32
      %add3A_255 = arith.addf %mul3A_253, %mul3A_254 : f32
      %mul3A_256 = arith.mulf %squeeze3A_237, %squeeze3A_237 : f32
      %add3A_257 = arith.addf %add3A_255, %mul3A_256 : f32
      %scan3A_258 = arith.constant 0 : i32
      %scan3A_259 = arith.constant 256 : i32
      %scan3A_260 = arith.addi %scan3A_258, %scan3A_259 : i32
      %scan3A_261 = arith.constant 1 : i32
      %scan3A_262:12 = scf.for %scan3A_628 = %scan3A_258 to %scan3A_260 step %scan3A_261 iter_args(%scan3A_629 = %broadcast_in_dim3A_38, %scan3A_630 = %broadcast_in_dim3A_38, %scan3A_631 = %broadcast_in_dim3A_38, %scan3A_632 = %broadcast_in_dim3A_38, %scan3A_633 = %broadcast_in_dim3A_38, %scan3A_634 = %broadcast_in_dim3A_38, %scan3A_635 = %broadcast_in_dim3A_38, %scan3A_636 = %broadcast_in_dim3A_38, %scan3A_637 = %broadcast_in_dim3A_38, %scan3A_638 = %broadcast_in_dim3A_38, %scan3A_639 = %broadcast_in_dim3A_38, %scan3A_640 = %broadcast_in_dim3A_38) -> (vector<16xf32>, vector<16xf32>, vector<16xf32>, vector<16xf32>, vector<16xf32>, vector<16xf32>, vector<16xf32>, vector<16xf32>, vector<16xf32>, vector<16xf32>, vector<16xf32>, vector<16xf32>)  : i32 {
        %mul3A_641 = arith.constant 16 : i32
        %mul3A_642 = arith.muli %scan3A_628, %mul3A_641 : i32
        %get3A_643 = arith.index_cast %mul3A_642 : i32 to index
        %get3A_644 = tpu.vector_load %arg13[%get3A_643] {strides = array<i32>} : memref<4096xf32, #tpu.memory_space<vmem>>, vector<16xf32>,
        %get3A_645 = vector.shape_cast %get3A_644 : vector<16xf32> to vector<16xf32>
        %get3A_646 = arith.index_cast %mul3A_642 : i32 to index
        %get3A_647 = tpu.vector_load %arg14[%get3A_646] {strides = array<i32>} : memref<4096xf32, #tpu.memory_space<vmem>>, vector<16xf32>,
        %get3A_648 = vector.shape_cast %get3A_647 : vector<16xf32> to vector<16xf32>
        %get3A_649 = arith.index_cast %mul3A_642 : i32 to index
        %get3A_650 = tpu.vector_load %arg15[%get3A_649] {strides = array<i32>} : memref<4096xf32, #tpu.memory_space<vmem>>, vector<16xf32>,
        %get3A_651 = vector.shape_cast %get3A_650 : vector<16xf32> to vector<16xf32>
        %get3A_652 = arith.index_cast %mul3A_642 : i32 to index
        %get3A_653 = tpu.vector_load %arg16[%get3A_652] {strides = array<i32>} : memref<4096xf32, #tpu.memory_space<vmem>>, vector<16xf32>,
        %get3A_654 = vector.shape_cast %get3A_653 : vector<16xf32> to vector<16xf32>
        %get3A_655 = arith.index_cast %mul3A_642 : i32 to index
        %get3A_656 = tpu.vector_load %arg17[%get3A_655] {strides = array<i32>} : memref<4096xf32, #tpu.memory_space<vmem>>, vector<16xf32>,
        %get3A_657 = vector.shape_cast %get3A_656 : vector<16xf32> to vector<16xf32>
        %add3A_658 = vector.broadcast %add3A_242 : f32 to vector<16xf32>
        %add3A_659 = arith.addf %get3A_654, %add3A_658 : vector<16xf32>
        %mul3A_660 = vector.broadcast %squeeze3A_215 : f32 to vector<16xf32>
        %mul3A_661 = arith.mulf %get3A_645, %mul3A_660 : vector<16xf32>
        %add3A_662 = arith.addf %add3A_659, %mul3A_661 : vector<16xf32>
        %mul3A_663 = vector.broadcast %squeeze3A_223 : f32 to vector<16xf32>
        %mul3A_664 = arith.mulf %get3A_648, %mul3A_663 : vector<16xf32>
        %add3A_665 = arith.addf %add3A_662, %mul3A_664 : vector<16xf32>
        %mul3A_666 = vector.broadcast %squeeze3A_231 : f32 to vector<16xf32>
        %mul3A_667 = arith.mulf %get3A_651, %mul3A_666 : vector<16xf32>
        %add3A_668 = arith.addf %add3A_665, %mul3A_667 : vector<16xf32>
        %max3A = arith.maximumf %scan3A_629, %add3A_668 : vector<16xf32>
        %min3A = arith.minimumf %scan3A_629, %add3A_668 : vector<16xf32>
        %max3A_669 = arith.maximumf %scan3A_630, %max3A : vector<16xf32>
        %min3A_670 = arith.minimumf %scan3A_630, %max3A : vector<16xf32>
        %min3A_671 = arith.minimumf %scan3A_631, %max3A_669 : vector<16xf32>
        %min3A_672 = arith.minimumf %get3A_657, %add3A_668 : vector<16xf32>
        %add3A_673 = vector.broadcast %add3A_247 : f32 to vector<16xf32>
        %add3A_674 = arith.addf %get3A_654, %add3A_673 : vector<16xf32>
        %mul3A_675 = vector.broadcast %squeeze3A_217 : f32 to vector<16xf32>
        %mul3A_676 = arith.mulf %get3A_645, %mul3A_675 : vector<16xf32>
        %add3A_677 = arith.addf %add3A_674, %mul3A_676 : vector<16xf32>
        %mul3A_678 = vector.broadcast %squeeze3A_225 : f32 to vector<16xf32>
        %mul3A_679 = arith.mulf %get3A_648, %mul3A_678 : vector<16xf32>
        %add3A_680 = arith.addf %add3A_677, %mul3A_679 : vector<16xf32>
        %mul3A_681 = vector.broadcast %squeeze3A_233 : f32 to vector<16xf32>
        %mul3A_682 = arith.mulf %get3A_651, %mul3A_681 : vector<16xf32>
        %add3A_683 = arith.addf %add3A_680, %mul3A_682 : vector<16xf32>
        %max3A_684 = arith.maximumf %scan3A_632, %add3A_683 : vector<16xf32>
        %min3A_685 = arith.minimumf %scan3A_632, %add3A_683 : vector<16xf32>
        %max3A_686 = arith.maximumf %scan3A_633, %max3A_684 : vector<16xf32>
        %min3A_687 = arith.minimumf %scan3A_633, %max3A_684 : vector<16xf32>
        %min3A_688 = arith.minimumf %scan3A_634, %max3A_686 : vector<16xf32>
        %min3A_689 = arith.minimumf %min3A_672, %add3A_683 : vector<16xf32>
        %add3A_690 = vector.broadcast %add3A_252 : f32 to vector<16xf32>
        %add3A_691 = arith.addf %get3A_654, %add3A_690 : vector<16xf32>
        %mul3A_692 = vector.broadcast %squeeze3A_219 : f32 to vector<16xf32>
        %mul3A_693 = arith.mulf %get3A_645, %mul3A_692 : vector<16xf32>
        %add3A_694 = arith.addf %add3A_691, %mul3A_693 : vector<16xf32>
        %mul3A_695 = vector.broadcast %squeeze3A_227 : f32 to vector<16xf32>
        %mul3A_696 = arith.mulf %get3A_648, %mul3A_695 : vector<16xf32>
        %add3A_697 = arith.addf %add3A_694, %mul3A_696 : vector<16xf32>
        %mul3A_698 = vector.broadcast %squeeze3A_235 : f32 to vector<16xf32>
        %mul3A_699 = arith.mulf %get3A_651, %mul3A_698 : vector<16xf32>
        %add3A_700 = arith.addf %add3A_697, %mul3A_699 : vector<16xf32>
        %max3A_701 = arith.maximumf %scan3A_635, %add3A_700 : vector<16xf32>
        %min3A_702 = arith.minimumf %scan3A_635, %add3A_700 : vector<16xf32>
        %max3A_703 = arith.maximumf %scan3A_636, %max3A_701 : vector<16xf32>
        %min3A_704 = arith.minimumf %scan3A_636, %max3A_701 : vector<16xf32>
        %min3A_705 = arith.minimumf %scan3A_637, %max3A_703 : vector<16xf32>
        %min3A_706 = arith.minimumf %min3A_689, %add3A_700 : vector<16xf32>
        %add3A_707 = vector.broadcast %add3A_257 : f32 to vector<16xf32>
        %add3A_708 = arith.addf %get3A_654, %add3A_707 : vector<16xf32>
        %mul3A_709 = vector.broadcast %squeeze3A_221 : f32 to vector<16xf32>
        %mul3A_710 = arith.mulf %get3A_645, %mul3A_709 : vector<16xf32>
        %add3A_711 = arith.addf %add3A_708, %mul3A_710 : vector<16xf32>
        %mul3A_712 = vector.broadcast %squeeze3A_229 : f32 to vector<16xf32>
        %mul3A_713 = arith.mulf %get3A_648, %mul3A_712 : vector<16xf32>
        %add3A_714 = arith.addf %add3A_711, %mul3A_713 : vector<16xf32>
        %mul3A_715 = vector.broadcast %squeeze3A_237 : f32 to vector<16xf32>
        %mul3A_716 = arith.mulf %get3A_651, %mul3A_715 : vector<16xf32>
        %add3A_717 = arith.addf %add3A_714, %mul3A_716 : vector<16xf32>
        %max3A_718 = arith.maximumf %scan3A_638, %add3A_717 : vector<16xf32>
        %min3A_719 = arith.minimumf %scan3A_638, %add3A_717 : vector<16xf32>
        %max3A_720 = arith.maximumf %scan3A_639, %max3A_718 : vector<16xf32>
        %min3A_721 = arith.minimumf %scan3A_639, %max3A_718 : vector<16xf32>
        %min3A_722 = arith.minimumf %scan3A_640, %max3A_720 : vector<16xf32>
        %min3A_723 = arith.minimumf %min3A_706, %add3A_717 : vector<16xf32>
        %swap3A_724 = arith.index_cast %mul3A_642 : i32 to index
        %swap3A_725 = tpu.vector_load %arg17[%swap3A_724] {strides = array<i32>} : memref<4096xf32, #tpu.memory_space<vmem>>, vector<16xf32>,
        %swap3A_726 = vector.shape_cast %swap3A_725 : vector<16xf32> to vector<16xf32>
        %swap3A_727 = vector.shape_cast %min3A_723 : vector<16xf32> to vector<16xf32>
        tpu.vector_store %arg17[%swap3A_724], %swap3A_727 {strides = array<i32>} : memref<4096xf32, #tpu.memory_space<vmem>>, vector<16xf32>,
        scf.yield %min3A, %min3A_670, %min3A_671, %min3A_685, %min3A_687, %min3A_688, %min3A_702, %min3A_704, %min3A_705, %min3A_719, %min3A_721, %min3A_722 : vector<16xf32>, vector<16xf32>, vector<16xf32>, vector<16xf32>, vector<16xf32>, vector<16xf32>, vector<16xf32>, vector<16xf32>, vector<16xf32>, vector<16xf32>, vector<16xf32>, vector<16xf32>
      }
      %scan3A_263 = arith.constant 256 : i32
      %add3A_264 = arith.constant 4 : i32
      %add3A_265 = arith.addi %mul3A_69, %add3A_264 : i32
      %add3A_266 = arith.constant 0 : i32
      %add3A_267 = arith.addi %add3A_265, %add3A_266 : i32
      %mul3A_268 = arith.constant 16 : i32
      %mul3A_269 = arith.muli %add3A_267, %mul3A_268 : i32
      %swap3A_270 = arith.index_cast %mul3A_269 : i32 to index
      %swap3A_271 = tpu.vector_load %arg18[%swap3A_270] {strides = array<i32>} : memref<2816xf32, #tpu.memory_space<vmem>>, vector<16xf32>,
      %swap3A_272 = vector.shape_cast %swap3A_271 : vector<16xf32> to vector<16xf32>
      %swap3A_273 = vector.shape_cast %scan3A_262#0 : vector<16xf32> to vector<16xf32>
      tpu.vector_store %arg18[%swap3A_270], %swap3A_273 {strides = array<i32>} : memref<2816xf32, #tpu.memory_space<vmem>>, vector<16xf32>,
      %mul3A_274 = arith.constant 16 : i32
      %mul3A_275 = arith.muli %add3A_267, %mul3A_274 : i32
      %swap3A_276 = arith.index_cast %mul3A_275 : i32 to index
      %swap3A_277 = tpu.vector_load %arg19[%swap3A_276] {strides = array<i32>} : memref<2816xf32, #tpu.memory_space<vmem>>, vector<16xf32>,
      %swap3A_278 = vector.shape_cast %swap3A_277 : vector<16xf32> to vector<16xf32>
      %swap3A_279 = vector.shape_cast %scan3A_262#1 : vector<16xf32> to vector<16xf32>
      tpu.vector_store %arg19[%swap3A_276], %swap3A_279 {strides = array<i32>} : memref<2816xf32, #tpu.memory_space<vmem>>, vector<16xf32>,
      %mul3A_280 = arith.constant 16 : i32
      %mul3A_281 = arith.muli %add3A_267, %mul3A_280 : i32
      %swap3A_282 = arith.index_cast %mul3A_281 : i32 to index
      %swap3A_283 = tpu.vector_load %arg20[%swap3A_282] {strides = array<i32>} : memref<2816xf32, #tpu.memory_space<vmem>>, vector<16xf32>,
      %swap3A_284 = vector.shape_cast %swap3A_283 : vector<16xf32> to vector<16xf32>
      %swap3A_285 = vector.shape_cast %scan3A_262#2 : vector<16xf32> to vector<16xf32>
      tpu.vector_store %arg20[%swap3A_282], %swap3A_285 {strides = array<i32>} : memref<2816xf32, #tpu.memory_space<vmem>>, vector<16xf32>,
      %add3A_286 = arith.constant 4 : i32
      %add3A_287 = arith.addi %mul3A_69, %add3A_286 : i32
      %add3A_288 = arith.constant 1 : i32
      %add3A_289 = arith.addi %add3A_287, %add3A_288 : i32
      %mul3A_290 = arith.constant 16 : i32
      %mul3A_291 = arith.muli %add3A_289, %mul3A_290 : i32
      %swap3A_292 = arith.index_cast %mul3A_291 : i32 to index
      %swap3A_293 = tpu.vector_load %arg18[%swap3A_292] {strides = array<i32>} : memref<2816xf32, #tpu.memory_space<vmem>>, vector<16xf32>,
      %swap3A_294 = vector.shape_cast %swap3A_293 : vector<16xf32> to vector<16xf32>
      %swap3A_295 = vector.shape_cast %scan3A_262#3 : vector<16xf32> to vector<16xf32>
      tpu.vector_store %arg18[%swap3A_292], %swap3A_295 {strides = array<i32>} : memref<2816xf32, #tpu.memory_space<vmem>>, vector<16xf32>,
      %mul3A_296 = arith.constant 16 : i32
      %mul3A_297 = arith.muli %add3A_289, %mul3A_296 : i32
      %swap3A_298 = arith.index_cast %mul3A_297 : i32 to index
      %swap3A_299 = tpu.vector_load %arg19[%swap3A_298] {strides = array<i32>} : memref<2816xf32, #tpu.memory_space<vmem>>, vector<16xf32>,
      %swap3A_300 = vector.shape_cast %swap3A_299 : vector<16xf32> to vector<16xf32>
      %swap3A_301 = vector.shape_cast %scan3A_262#4 : vector<16xf32> to vector<16xf32>
      tpu.vector_store %arg19[%swap3A_298], %swap3A_301 {strides = array<i32>} : memref<2816xf32, #tpu.memory_space<vmem>>, vector<16xf32>,
      %mul3A_302 = arith.constant 16 : i32
      %mul3A_303 = arith.muli %add3A_289, %mul3A_302 : i32
      %swap3A_304 = arith.index_cast %mul3A_303 : i32 to index
      %swap3A_305 = tpu.vector_load %arg20[%swap3A_304] {strides = array<i32>} : memref<2816xf32, #tpu.memory_space<vmem>>, vector<16xf32>,
      %swap3A_306 = vector.shape_cast %swap3A_305 : vector<16xf32> to vector<16xf32>
      %swap3A_307 = vector.shape_cast %scan3A_262#5 : vector<16xf32> to vector<16xf32>
      tpu.vector_store %arg20[%swap3A_304], %swap3A_307 {strides = array<i32>} : memref<2816xf32, #tpu.memory_space<vmem>>, vector<16xf32>,
      %add3A_308 = arith.constant 4 : i32
      %add3A_309 = arith.addi %mul3A_69, %add3A_308 : i32
      %add3A_310 = arith.constant 2 : i32
      %add3A_311 = arith.addi %add3A_309, %add3A_310 : i32
      %mul3A_312 = arith.constant 16 : i32
      %mul3A_313 = arith.muli %add3A_311, %mul3A_312 : i32
      %swap3A_314 = arith.index_cast %mul3A_313 : i32 to index
      %swap3A_315 = tpu.vector_load %arg18[%swap3A_314] {strides = array<i32>} : memref<2816xf32, #tpu.memory_space<vmem>>, vector<16xf32>,
      %swap3A_316 = vector.shape_cast %swap3A_315 : vector<16xf32> to vector<16xf32>
      %swap3A_317 = vector.shape_cast %scan3A_262#6 : vector<16xf32> to vector<16xf32>
      tpu.vector_store %arg18[%swap3A_314], %swap3A_317 {strides = array<i32>} : memref<2816xf32, #tpu.memory_space<vmem>>, vector<16xf32>,
      %mul3A_318 = arith.constant 16 : i32
      %mul3A_319 = arith.muli %add3A_311, %mul3A_318 : i32
      %swap3A_320 = arith.index_cast %mul3A_319 : i32 to index
      %swap3A_321 = tpu.vector_load %arg19[%swap3A_320] {strides = array<i32>} : memref<2816xf32, #tpu.memory_space<vmem>>, vector<16xf32>,
      %swap3A_322 = vector.shape_cast %swap3A_321 : vector<16xf32> to vector<16xf32>
      %swap3A_323 = vector.shape_cast %scan3A_262#7 : vector<16xf32> to vector<16xf32>
      tpu.vector_store %arg19[%swap3A_320], %swap3A_323 {strides = array<i32>} : memref<2816xf32, #tpu.memory_space<vmem>>, vector<16xf32>,
      %mul3A_324 = arith.constant 16 : i32
      %mul3A_325 = arith.muli %add3A_311, %mul3A_324 : i32
      %swap3A_326 = arith.index_cast %mul3A_325 : i32 to index
      %swap3A_327 = tpu.vector_load %arg20[%swap3A_326] {strides = array<i32>} : memref<2816xf32, #tpu.memory_space<vmem>>, vector<16xf32>,
      %swap3A_328 = vector.shape_cast %swap3A_327 : vector<16xf32> to vector<16xf32>
      %swap3A_329 = vector.shape_cast %scan3A_262#8 : vector<16xf32> to vector<16xf32>
      tpu.vector_store %arg20[%swap3A_326], %swap3A_329 {strides = array<i32>} : memref<2816xf32, #tpu.memory_space<vmem>>, vector<16xf32>,
      %add3A_330 = arith.constant 4 : i32
      %add3A_331 = arith.addi %mul3A_69, %add3A_330 : i32
      %add3A_332 = arith.constant 3 : i32
      %add3A_333 = arith.addi %add3A_331, %add3A_332 : i32
      %mul3A_334 = arith.constant 16 : i32
      %mul3A_335 = arith.muli %add3A_333, %mul3A_334 : i32
      %swap3A_336 = arith.index_cast %mul3A_335 : i32 to index
      %swap3A_337 = tpu.vector_load %arg18[%swap3A_336] {strides = array<i32>} : memref<2816xf32, #tpu.memory_space<vmem>>, vector<16xf32>,
      %swap3A_338 = vector.shape_cast %swap3A_337 : vector<16xf32> to vector<16xf32>
      %swap3A_339 = vector.shape_cast %scan3A_262#9 : vector<16xf32> to vector<16xf32>
      tpu.vector_store %arg18[%swap3A_336], %swap3A_339 {strides = array<i32>} : memref<2816xf32, #tpu.memory_space<vmem>>, vector<16xf32>,
      %mul3A_340 = arith.constant 16 : i32
      %mul3A_341 = arith.muli %add3A_333, %mul3A_340 : i32
      %swap3A_342 = arith.index_cast %mul3A_341 : i32 to index
      %swap3A_343 = tpu.vector_load %arg19[%swap3A_342] {strides = array<i32>} : memref<2816xf32, #tpu.memory_space<vmem>>, vector<16xf32>,
      %swap3A_344 = vector.shape_cast %swap3A_343 : vector<16xf32> to vector<16xf32>
      %swap3A_345 = vector.shape_cast %scan3A_262#10 : vector<16xf32> to vector<16xf32>
      tpu.vector_store %arg19[%swap3A_342], %swap3A_345 {strides = array<i32>} : memref<2816xf32, #tpu.memory_space<vmem>>, vector<16xf32>,
      %mul3A_346 = arith.constant 16 : i32
      %mul3A_347 = arith.muli %add3A_333, %mul3A_346 : i32
      %swap3A_348 = arith.index_cast %mul3A_347 : i32 to index
      %swap3A_349 = tpu.vector_load %arg20[%swap3A_348] {strides = array<i32>} : memref<2816xf32, #tpu.memory_space<vmem>>, vector<16xf32>,
      %swap3A_350 = vector.shape_cast %swap3A_349 : vector<16xf32> to vector<16xf32>
      %swap3A_351 = vector.shape_cast %scan3A_262#11 : vector<16xf32> to vector<16xf32>
      tpu.vector_store %arg20[%swap3A_348], %swap3A_351 {strides = array<i32>} : memref<2816xf32, #tpu.memory_space<vmem>>, vector<16xf32>,
      %slice3A_352 = vector.extract_strided_slice %get3A_71 {offsets = [8], sizes = [1], strides = [1]} : vector<16xf32> to vector<1xf32>
      %squeeze3A_353 = vector.extract %slice3A_352[0] : f32 from vector<1xf32>
      %slice3A_354 = vector.extract_strided_slice %get3A_71 {offsets = [9], sizes = [1], strides = [1]} : vector<16xf32> to vector<1xf32>
      %squeeze3A_355 = vector.extract %slice3A_354[0] : f32 from vector<1xf32>
      %slice3A_356 = vector.extract_strided_slice %get3A_71 {offsets = [10], sizes = [1], strides = [1]} : vector<16xf32> to vector<1xf32>
      %squeeze3A_357 = vector.extract %slice3A_356[0] : f32 from vector<1xf32>
      %slice3A_358 = vector.extract_strided_slice %get3A_71 {offsets = [11], sizes = [1], strides = [1]} : vector<16xf32> to vector<1xf32>
      %squeeze3A_359 = vector.extract %slice3A_358[0] : f32 from vector<1xf32>
      %slice3A_360 = vector.extract_strided_slice %get3A_74 {offsets = [8], sizes = [1], strides = [1]} : vector<16xf32> to vector<1xf32>
      %squeeze3A_361 = vector.extract %slice3A_360[0] : f32 from vector<1xf32>
      %slice3A_362 = vector.extract_strided_slice %get3A_74 {offsets = [9], sizes = [1], strides = [1]} : vector<16xf32> to vector<1xf32>
      %squeeze3A_363 = vector.extract %slice3A_362[0] : f32 from vector<1xf32>
      %slice3A_364 = vector.extract_strided_slice %get3A_74 {offsets = [10], sizes = [1], strides = [1]} : vector<16xf32> to vector<1xf32>
      %squeeze3A_365 = vector.extract %slice3A_364[0] : f32 from vector<1xf32>
      %slice3A_366 = vector.extract_strided_slice %get3A_74 {offsets = [11], sizes = [1], strides = [1]} : vector<16xf32> to vector<1xf32>
      %squeeze3A_367 = vector.extract %slice3A_366[0] : f32 from vector<1xf32>
      %slice3A_368 = vector.extract_strided_slice %get3A_77 {offsets = [8], sizes = [1], strides = [1]} : vector<16xf32> to vector<1xf32>
      %squeeze3A_369 = vector.extract %slice3A_368[0] : f32 from vector<1xf32>
      %slice3A_370 = vector.extract_strided_slice %get3A_77 {offsets = [9], sizes = [1], strides = [1]} : vector<16xf32> to vector<1xf32>
      %squeeze3A_371 = vector.extract %slice3A_370[0] : f32 from vector<1xf32>
      %slice3A_372 = vector.extract_strided_slice %get3A_77 {offsets = [10], sizes = [1], strides = [1]} : vector<16xf32> to vector<1xf32>
      %squeeze3A_373 = vector.extract %slice3A_372[0] : f32 from vector<1xf32>
      %slice3A_374 = vector.extract_strided_slice %get3A_77 {offsets = [11], sizes = [1], strides = [1]} : vector<16xf32> to vector<1xf32>
      %squeeze3A_375 = vector.extract %slice3A_374[0] : f32 from vector<1xf32>
      %mul3A_376 = arith.mulf %squeeze3A_353, %squeeze3A_353 : f32
      %mul3A_377 = arith.mulf %squeeze3A_361, %squeeze3A_361 : f32
      %add3A_378 = arith.addf %mul3A_376, %mul3A_377 : f32
      %mul3A_379 = arith.mulf %squeeze3A_369, %squeeze3A_369 : f32
      %add3A_380 = arith.addf %add3A_378, %mul3A_379 : f32
      %mul3A_381 = arith.mulf %squeeze3A_355, %squeeze3A_355 : f32
      %mul3A_382 = arith.mulf %squeeze3A_363, %squeeze3A_363 : f32
      %add3A_383 = arith.addf %mul3A_381, %mul3A_382 : f32
      %mul3A_384 = arith.mulf %squeeze3A_371, %squeeze3A_371 : f32
      %add3A_385 = arith.addf %add3A_383, %mul3A_384 : f32
      %mul3A_386 = arith.mulf %squeeze3A_357, %squeeze3A_357 : f32
      %mul3A_387 = arith.mulf %squeeze3A_365, %squeeze3A_365 : f32
      %add3A_388 = arith.addf %mul3A_386, %mul3A_387 : f32
      %mul3A_389 = arith.mulf %squeeze3A_373, %squeeze3A_373 : f32
      %add3A_390 = arith.addf %add3A_388, %mul3A_389 : f32
      %mul3A_391 = arith.mulf %squeeze3A_359, %squeeze3A_359 : f32
      %mul3A_392 = arith.mulf %squeeze3A_367, %squeeze3A_367 : f32
      %add3A_393 = arith.addf %mul3A_391, %mul3A_392 : f32
      %mul3A_394 = arith.mulf %squeeze3A_375, %squeeze3A_375 : f32
      %add3A_395 = arith.addf %add3A_393, %mul3A_394 : f32
      %scan3A_396 = arith.constant 0 : i32
      %scan3A_397 = arith.constant 256 : i32
      %scan3A_398 = arith.addi %scan3A_396, %scan3A_397 : i32
      %scan3A_399 = arith.constant 1 : i32
      %scan3A_400:12 = scf.for %scan3A_628 = %scan3A_396 to %scan3A_398 step %scan3A_399 iter_args(%scan3A_629 = %broadcast_in_dim3A_38, %scan3A_630 = %broadcast_in_dim3A_38, %scan3A_631 = %broadcast_in_dim3A_38, %scan3A_632 = %broadcast_in_dim3A_38, %scan3A_633 = %broadcast_in_dim3A_38, %scan3A_634 = %broadcast_in_dim3A_38, %scan3A_635 = %broadcast_in_dim3A_38, %scan3A_636 = %broadcast_in_dim3A_38, %scan3A_637 = %broadcast_in_dim3A_38, %scan3A_638 = %broadcast_in_dim3A_38, %scan3A_639 = %broadcast_in_dim3A_38, %scan3A_640 = %broadcast_in_dim3A_38) -> (vector<16xf32>, vector<16xf32>, vector<16xf32>, vector<16xf32>, vector<16xf32>, vector<16xf32>, vector<16xf32>, vector<16xf32>, vector<16xf32>, vector<16xf32>, vector<16xf32>, vector<16xf32>)  : i32 {
        %mul3A_641 = arith.constant 16 : i32
        %mul3A_642 = arith.muli %scan3A_628, %mul3A_641 : i32
        %get3A_643 = arith.index_cast %mul3A_642 : i32 to index
        %get3A_644 = tpu.vector_load %arg13[%get3A_643] {strides = array<i32>} : memref<4096xf32, #tpu.memory_space<vmem>>, vector<16xf32>,
        %get3A_645 = vector.shape_cast %get3A_644 : vector<16xf32> to vector<16xf32>
        %get3A_646 = arith.index_cast %mul3A_642 : i32 to index
        %get3A_647 = tpu.vector_load %arg14[%get3A_646] {strides = array<i32>} : memref<4096xf32, #tpu.memory_space<vmem>>, vector<16xf32>,
        %get3A_648 = vector.shape_cast %get3A_647 : vector<16xf32> to vector<16xf32>
        %get3A_649 = arith.index_cast %mul3A_642 : i32 to index
        %get3A_650 = tpu.vector_load %arg15[%get3A_649] {strides = array<i32>} : memref<4096xf32, #tpu.memory_space<vmem>>, vector<16xf32>,
        %get3A_651 = vector.shape_cast %get3A_650 : vector<16xf32> to vector<16xf32>
        %get3A_652 = arith.index_cast %mul3A_642 : i32 to index
        %get3A_653 = tpu.vector_load %arg16[%get3A_652] {strides = array<i32>} : memref<4096xf32, #tpu.memory_space<vmem>>, vector<16xf32>,
        %get3A_654 = vector.shape_cast %get3A_653 : vector<16xf32> to vector<16xf32>
        %get3A_655 = arith.index_cast %mul3A_642 : i32 to index
        %get3A_656 = tpu.vector_load %arg17[%get3A_655] {strides = array<i32>} : memref<4096xf32, #tpu.memory_space<vmem>>, vector<16xf32>,
        %get3A_657 = vector.shape_cast %get3A_656 : vector<16xf32> to vector<16xf32>
        %add3A_658 = vector.broadcast %add3A_380 : f32 to vector<16xf32>
        %add3A_659 = arith.addf %get3A_654, %add3A_658 : vector<16xf32>
        %mul3A_660 = vector.broadcast %squeeze3A_353 : f32 to vector<16xf32>
        %mul3A_661 = arith.mulf %get3A_645, %mul3A_660 : vector<16xf32>
        %add3A_662 = arith.addf %add3A_659, %mul3A_661 : vector<16xf32>
        %mul3A_663 = vector.broadcast %squeeze3A_361 : f32 to vector<16xf32>
        %mul3A_664 = arith.mulf %get3A_648, %mul3A_663 : vector<16xf32>
        %add3A_665 = arith.addf %add3A_662, %mul3A_664 : vector<16xf32>
        %mul3A_666 = vector.broadcast %squeeze3A_369 : f32 to vector<16xf32>
        %mul3A_667 = arith.mulf %get3A_651, %mul3A_666 : vector<16xf32>
        %add3A_668 = arith.addf %add3A_665, %mul3A_667 : vector<16xf32>
        %max3A = arith.maximumf %scan3A_629, %add3A_668 : vector<16xf32>
        %min3A = arith.minimumf %scan3A_629, %add3A_668 : vector<16xf32>
        %max3A_669 = arith.maximumf %scan3A_630, %max3A : vector<16xf32>
        %min3A_670 = arith.minimumf %scan3A_630, %max3A : vector<16xf32>
        %min3A_671 = arith.minimumf %scan3A_631, %max3A_669 : vector<16xf32>
        %min3A_672 = arith.minimumf %get3A_657, %add3A_668 : vector<16xf32>
        %add3A_673 = vector.broadcast %add3A_385 : f32 to vector<16xf32>
        %add3A_674 = arith.addf %get3A_654, %add3A_673 : vector<16xf32>
        %mul3A_675 = vector.broadcast %squeeze3A_355 : f32 to vector<16xf32>
        %mul3A_676 = arith.mulf %get3A_645, %mul3A_675 : vector<16xf32>
        %add3A_677 = arith.addf %add3A_674, %mul3A_676 : vector<16xf32>
        %mul3A_678 = vector.broadcast %squeeze3A_363 : f32 to vector<16xf32>
        %mul3A_679 = arith.mulf %get3A_648, %mul3A_678 : vector<16xf32>
        %add3A_680 = arith.addf %add3A_677, %mul3A_679 : vector<16xf32>
        %mul3A_681 = vector.broadcast %squeeze3A_371 : f32 to vector<16xf32>
        %mul3A_682 = arith.mulf %get3A_651, %mul3A_681 : vector<16xf32>
        %add3A_683 = arith.addf %add3A_680, %mul3A_682 : vector<16xf32>
        %max3A_684 = arith.maximumf %scan3A_632, %add3A_683 : vector<16xf32>
        %min3A_685 = arith.minimumf %scan3A_632, %add3A_683 : vector<16xf32>
        %max3A_686 = arith.maximumf %scan3A_633, %max3A_684 : vector<16xf32>
        %min3A_687 = arith.minimumf %scan3A_633, %max3A_684 : vector<16xf32>
        %min3A_688 = arith.minimumf %scan3A_634, %max3A_686 : vector<16xf32>
        %min3A_689 = arith.minimumf %min3A_672, %add3A_683 : vector<16xf32>
        %add3A_690 = vector.broadcast %add3A_390 : f32 to vector<16xf32>
        %add3A_691 = arith.addf %get3A_654, %add3A_690 : vector<16xf32>
        %mul3A_692 = vector.broadcast %squeeze3A_357 : f32 to vector<16xf32>
        %mul3A_693 = arith.mulf %get3A_645, %mul3A_692 : vector<16xf32>
        %add3A_694 = arith.addf %add3A_691, %mul3A_693 : vector<16xf32>
        %mul3A_695 = vector.broadcast %squeeze3A_365 : f32 to vector<16xf32>
        %mul3A_696 = arith.mulf %get3A_648, %mul3A_695 : vector<16xf32>
        %add3A_697 = arith.addf %add3A_694, %mul3A_696 : vector<16xf32>
        %mul3A_698 = vector.broadcast %squeeze3A_373 : f32 to vector<16xf32>
        %mul3A_699 = arith.mulf %get3A_651, %mul3A_698 : vector<16xf32>
        %add3A_700 = arith.addf %add3A_697, %mul3A_699 : vector<16xf32>
        %max3A_701 = arith.maximumf %scan3A_635, %add3A_700 : vector<16xf32>
        %min3A_702 = arith.minimumf %scan3A_635, %add3A_700 : vector<16xf32>
        %max3A_703 = arith.maximumf %scan3A_636, %max3A_701 : vector<16xf32>
        %min3A_704 = arith.minimumf %scan3A_636, %max3A_701 : vector<16xf32>
        %min3A_705 = arith.minimumf %scan3A_637, %max3A_703 : vector<16xf32>
        %min3A_706 = arith.minimumf %min3A_689, %add3A_700 : vector<16xf32>
        %add3A_707 = vector.broadcast %add3A_395 : f32 to vector<16xf32>
        %add3A_708 = arith.addf %get3A_654, %add3A_707 : vector<16xf32>
        %mul3A_709 = vector.broadcast %squeeze3A_359 : f32 to vector<16xf32>
        %mul3A_710 = arith.mulf %get3A_645, %mul3A_709 : vector<16xf32>
        %add3A_711 = arith.addf %add3A_708, %mul3A_710 : vector<16xf32>
        %mul3A_712 = vector.broadcast %squeeze3A_367 : f32 to vector<16xf32>
        %mul3A_713 = arith.mulf %get3A_648, %mul3A_712 : vector<16xf32>
        %add3A_714 = arith.addf %add3A_711, %mul3A_713 : vector<16xf32>
        %mul3A_715 = vector.broadcast %squeeze3A_375 : f32 to vector<16xf32>
        %mul3A_716 = arith.mulf %get3A_651, %mul3A_715 : vector<16xf32>
        %add3A_717 = arith.addf %add3A_714, %mul3A_716 : vector<16xf32>
        %max3A_718 = arith.maximumf %scan3A_638, %add3A_717 : vector<16xf32>
        %min3A_719 = arith.minimumf %scan3A_638, %add3A_717 : vector<16xf32>
        %max3A_720 = arith.maximumf %scan3A_639, %max3A_718 : vector<16xf32>
        %min3A_721 = arith.minimumf %scan3A_639, %max3A_718 : vector<16xf32>
        %min3A_722 = arith.minimumf %scan3A_640, %max3A_720 : vector<16xf32>
        %min3A_723 = arith.minimumf %min3A_706, %add3A_717 : vector<16xf32>
        %swap3A_724 = arith.index_cast %mul3A_642 : i32 to index
        %swap3A_725 = tpu.vector_load %arg17[%swap3A_724] {strides = array<i32>} : memref<4096xf32, #tpu.memory_space<vmem>>, vector<16xf32>,
        %swap3A_726 = vector.shape_cast %swap3A_725 : vector<16xf32> to vector<16xf32>
        %swap3A_727 = vector.shape_cast %min3A_723 : vector<16xf32> to vector<16xf32>
        tpu.vector_store %arg17[%swap3A_724], %swap3A_727 {strides = array<i32>} : memref<4096xf32, #tpu.memory_space<vmem>>, vector<16xf32>,
        scf.yield %min3A, %min3A_670, %min3A_671, %min3A_685, %min3A_687, %min3A_688, %min3A_702, %min3A_704, %min3A_705, %min3A_719, %min3A_721, %min3A_722 : vector<16xf32>, vector<16xf32>, vector<16xf32>, vector<16xf32>, vector<16xf32>, vector<16xf32>, vector<16xf32>, vector<16xf32>, vector<16xf32>, vector<16xf32>, vector<16xf32>, vector<16xf32>
      }
      %scan3A_401 = arith.constant 256 : i32
      %add3A_402 = arith.constant 8 : i32
      %add3A_403 = arith.addi %mul3A_69, %add3A_402 : i32
      %add3A_404 = arith.constant 0 : i32
      %add3A_405 = arith.addi %add3A_403, %add3A_404 : i32
      %mul3A_406 = arith.constant 16 : i32
      %mul3A_407 = arith.muli %add3A_405, %mul3A_406 : i32
      %swap3A_408 = arith.index_cast %mul3A_407 : i32 to index
      %swap3A_409 = tpu.vector_load %arg18[%swap3A_408] {strides = array<i32>} : memref<2816xf32, #tpu.memory_space<vmem>>, vector<16xf32>,
      %swap3A_410 = vector.shape_cast %swap3A_409 : vector<16xf32> to vector<16xf32>
      %swap3A_411 = vector.shape_cast %scan3A_400#0 : vector<16xf32> to vector<16xf32>
      tpu.vector_store %arg18[%swap3A_408], %swap3A_411 {strides = array<i32>} : memref<2816xf32, #tpu.memory_space<vmem>>, vector<16xf32>,
      %mul3A_412 = arith.constant 16 : i32
      %mul3A_413 = arith.muli %add3A_405, %mul3A_412 : i32
      %swap3A_414 = arith.index_cast %mul3A_413 : i32 to index
      %swap3A_415 = tpu.vector_load %arg19[%swap3A_414] {strides = array<i32>} : memref<2816xf32, #tpu.memory_space<vmem>>, vector<16xf32>,
      %swap3A_416 = vector.shape_cast %swap3A_415 : vector<16xf32> to vector<16xf32>
      %swap3A_417 = vector.shape_cast %scan3A_400#1 : vector<16xf32> to vector<16xf32>
      tpu.vector_store %arg19[%swap3A_414], %swap3A_417 {strides = array<i32>} : memref<2816xf32, #tpu.memory_space<vmem>>, vector<16xf32>,
      %mul3A_418 = arith.constant 16 : i32
      %mul3A_419 = arith.muli %add3A_405, %mul3A_418 : i32
      %swap3A_420 = arith.index_cast %mul3A_419 : i32 to index
      %swap3A_421 = tpu.vector_load %arg20[%swap3A_420] {strides = array<i32>} : memref<2816xf32, #tpu.memory_space<vmem>>, vector<16xf32>,
      %swap3A_422 = vector.shape_cast %swap3A_421 : vector<16xf32> to vector<16xf32>
      %swap3A_423 = vector.shape_cast %scan3A_400#2 : vector<16xf32> to vector<16xf32>
      tpu.vector_store %arg20[%swap3A_420], %swap3A_423 {strides = array<i32>} : memref<2816xf32, #tpu.memory_space<vmem>>, vector<16xf32>,
      %add3A_424 = arith.constant 8 : i32
      %add3A_425 = arith.addi %mul3A_69, %add3A_424 : i32
      %add3A_426 = arith.constant 1 : i32
      %add3A_427 = arith.addi %add3A_425, %add3A_426 : i32
      %mul3A_428 = arith.constant 16 : i32
      %mul3A_429 = arith.muli %add3A_427, %mul3A_428 : i32
      %swap3A_430 = arith.index_cast %mul3A_429 : i32 to index
      %swap3A_431 = tpu.vector_load %arg18[%swap3A_430] {strides = array<i32>} : memref<2816xf32, #tpu.memory_space<vmem>>, vector<16xf32>,
      %swap3A_432 = vector.shape_cast %swap3A_431 : vector<16xf32> to vector<16xf32>
      %swap3A_433 = vector.shape_cast %scan3A_400#3 : vector<16xf32> to vector<16xf32>
      tpu.vector_store %arg18[%swap3A_430], %swap3A_433 {strides = array<i32>} : memref<2816xf32, #tpu.memory_space<vmem>>, vector<16xf32>,
      %mul3A_434 = arith.constant 16 : i32
      %mul3A_435 = arith.muli %add3A_427, %mul3A_434 : i32
      %swap3A_436 = arith.index_cast %mul3A_435 : i32 to index
      %swap3A_437 = tpu.vector_load %arg19[%swap3A_436] {strides = array<i32>} : memref<2816xf32, #tpu.memory_space<vmem>>, vector<16xf32>,
      %swap3A_438 = vector.shape_cast %swap3A_437 : vector<16xf32> to vector<16xf32>
      %swap3A_439 = vector.shape_cast %scan3A_400#4 : vector<16xf32> to vector<16xf32>
      tpu.vector_store %arg19[%swap3A_436], %swap3A_439 {strides = array<i32>} : memref<2816xf32, #tpu.memory_space<vmem>>, vector<16xf32>,
      %mul3A_440 = arith.constant 16 : i32
      %mul3A_441 = arith.muli %add3A_427, %mul3A_440 : i32
      %swap3A_442 = arith.index_cast %mul3A_441 : i32 to index
      %swap3A_443 = tpu.vector_load %arg20[%swap3A_442] {strides = array<i32>} : memref<2816xf32, #tpu.memory_space<vmem>>, vector<16xf32>,
      %swap3A_444 = vector.shape_cast %swap3A_443 : vector<16xf32> to vector<16xf32>
      %swap3A_445 = vector.shape_cast %scan3A_400#5 : vector<16xf32> to vector<16xf32>
      tpu.vector_store %arg20[%swap3A_442], %swap3A_445 {strides = array<i32>} : memref<2816xf32, #tpu.memory_space<vmem>>, vector<16xf32>,
      %add3A_446 = arith.constant 8 : i32
      %add3A_447 = arith.addi %mul3A_69, %add3A_446 : i32
      %add3A_448 = arith.constant 2 : i32
      %add3A_449 = arith.addi %add3A_447, %add3A_448 : i32
      %mul3A_450 = arith.constant 16 : i32
      %mul3A_451 = arith.muli %add3A_449, %mul3A_450 : i32
      %swap3A_452 = arith.index_cast %mul3A_451 : i32 to index
      %swap3A_453 = tpu.vector_load %arg18[%swap3A_452] {strides = array<i32>} : memref<2816xf32, #tpu.memory_space<vmem>>, vector<16xf32>,
      %swap3A_454 = vector.shape_cast %swap3A_453 : vector<16xf32> to vector<16xf32>
      %swap3A_455 = vector.shape_cast %scan3A_400#6 : vector<16xf32> to vector<16xf32>
      tpu.vector_store %arg18[%swap3A_452], %swap3A_455 {strides = array<i32>} : memref<2816xf32, #tpu.memory_space<vmem>>, vector<16xf32>,
      %mul3A_456 = arith.constant 16 : i32
      %mul3A_457 = arith.muli %add3A_449, %mul3A_456 : i32
      %swap3A_458 = arith.index_cast %mul3A_457 : i32 to index
      %swap3A_459 = tpu.vector_load %arg19[%swap3A_458] {strides = array<i32>} : memref<2816xf32, #tpu.memory_space<vmem>>, vector<16xf32>,
      %swap3A_460 = vector.shape_cast %swap3A_459 : vector<16xf32> to vector<16xf32>
      %swap3A_461 = vector.shape_cast %scan3A_400#7 : vector<16xf32> to vector<16xf32>
      tpu.vector_store %arg19[%swap3A_458], %swap3A_461 {strides = array<i32>} : memref<2816xf32, #tpu.memory_space<vmem>>, vector<16xf32>,
      %mul3A_462 = arith.constant 16 : i32
      %mul3A_463 = arith.muli %add3A_449, %mul3A_462 : i32
      %swap3A_464 = arith.index_cast %mul3A_463 : i32 to index
      %swap3A_465 = tpu.vector_load %arg20[%swap3A_464] {strides = array<i32>} : memref<2816xf32, #tpu.memory_space<vmem>>, vector<16xf32>,
      %swap3A_466 = vector.shape_cast %swap3A_465 : vector<16xf32> to vector<16xf32>
      %swap3A_467 = vector.shape_cast %scan3A_400#8 : vector<16xf32> to vector<16xf32>
      tpu.vector_store %arg20[%swap3A_464], %swap3A_467 {strides = array<i32>} : memref<2816xf32, #tpu.memory_space<vmem>>, vector<16xf32>,
      %add3A_468 = arith.constant 8 : i32
      %add3A_469 = arith.addi %mul3A_69, %add3A_468 : i32
      %add3A_470 = arith.constant 3 : i32
      %add3A_471 = arith.addi %add3A_469, %add3A_470 : i32
      %mul3A_472 = arith.constant 16 : i32
      %mul3A_473 = arith.muli %add3A_471, %mul3A_472 : i32
      %swap3A_474 = arith.index_cast %mul3A_473 : i32 to index
      %swap3A_475 = tpu.vector_load %arg18[%swap3A_474] {strides = array<i32>} : memref<2816xf32, #tpu.memory_space<vmem>>, vector<16xf32>,
      %swap3A_476 = vector.shape_cast %swap3A_475 : vector<16xf32> to vector<16xf32>
      %swap3A_477 = vector.shape_cast %scan3A_400#9 : vector<16xf32> to vector<16xf32>
      tpu.vector_store %arg18[%swap3A_474], %swap3A_477 {strides = array<i32>} : memref<2816xf32, #tpu.memory_space<vmem>>, vector<16xf32>,
      %mul3A_478 = arith.constant 16 : i32
      %mul3A_479 = arith.muli %add3A_471, %mul3A_478 : i32
      %swap3A_480 = arith.index_cast %mul3A_479 : i32 to index
      %swap3A_481 = tpu.vector_load %arg19[%swap3A_480] {strides = array<i32>} : memref<2816xf32, #tpu.memory_space<vmem>>, vector<16xf32>,
      %swap3A_482 = vector.shape_cast %swap3A_481 : vector<16xf32> to vector<16xf32>
      %swap3A_483 = vector.shape_cast %scan3A_400#10 : vector<16xf32> to vector<16xf32>
      tpu.vector_store %arg19[%swap3A_480], %swap3A_483 {strides = array<i32>} : memref<2816xf32, #tpu.memory_space<vmem>>, vector<16xf32>,
      %mul3A_484 = arith.constant 16 : i32
      %mul3A_485 = arith.muli %add3A_471, %mul3A_484 : i32
      %swap3A_486 = arith.index_cast %mul3A_485 : i32 to index
      %swap3A_487 = tpu.vector_load %arg20[%swap3A_486] {strides = array<i32>} : memref<2816xf32, #tpu.memory_space<vmem>>, vector<16xf32>,
      %swap3A_488 = vector.shape_cast %swap3A_487 : vector<16xf32> to vector<16xf32>
      %swap3A_489 = vector.shape_cast %scan3A_400#11 : vector<16xf32> to vector<16xf32>
      tpu.vector_store %arg20[%swap3A_486], %swap3A_489 {strides = array<i32>} : memref<2816xf32, #tpu.memory_space<vmem>>, vector<16xf32>,
      %slice3A_490 = vector.extract_strided_slice %get3A_71 {offsets = [12], sizes = [1], strides = [1]} : vector<16xf32> to vector<1xf32>
      %squeeze3A_491 = vector.extract %slice3A_490[0] : f32 from vector<1xf32>
      %slice3A_492 = vector.extract_strided_slice %get3A_71 {offsets = [13], sizes = [1], strides = [1]} : vector<16xf32> to vector<1xf32>
      %squeeze3A_493 = vector.extract %slice3A_492[0] : f32 from vector<1xf32>
      %slice3A_494 = vector.extract_strided_slice %get3A_71 {offsets = [14], sizes = [1], strides = [1]} : vector<16xf32> to vector<1xf32>
      %squeeze3A_495 = vector.extract %slice3A_494[0] : f32 from vector<1xf32>
      %slice3A_496 = vector.extract_strided_slice %get3A_71 {offsets = [15], sizes = [1], strides = [1]} : vector<16xf32> to vector<1xf32>
      %squeeze3A_497 = vector.extract %slice3A_496[0] : f32 from vector<1xf32>
      %slice3A_498 = vector.extract_strided_slice %get3A_74 {offsets = [12], sizes = [1], strides = [1]} : vector<16xf32> to vector<1xf32>
      %squeeze3A_499 = vector.extract %slice3A_498[0] : f32 from vector<1xf32>
      %slice3A_500 = vector.extract_strided_slice %get3A_74 {offsets = [13], sizes = [1], strides = [1]} : vector<16xf32> to vector<1xf32>
      %squeeze3A_501 = vector.extract %slice3A_500[0] : f32 from vector<1xf32>
      %slice3A_502 = vector.extract_strided_slice %get3A_74 {offsets = [14], sizes = [1], strides = [1]} : vector<16xf32> to vector<1xf32>
      %squeeze3A_503 = vector.extract %slice3A_502[0] : f32 from vector<1xf32>
      %slice3A_504 = vector.extract_strided_slice %get3A_74 {offsets = [15], sizes = [1], strides = [1]} : vector<16xf32> to vector<1xf32>
      %squeeze3A_505 = vector.extract %slice3A_504[0] : f32 from vector<1xf32>
      %slice3A_506 = vector.extract_strided_slice %get3A_77 {offsets = [12], sizes = [1], strides = [1]} : vector<16xf32> to vector<1xf32>
      %squeeze3A_507 = vector.extract %slice3A_506[0] : f32 from vector<1xf32>
      %slice3A_508 = vector.extract_strided_slice %get3A_77 {offsets = [13], sizes = [1], strides = [1]} : vector<16xf32> to vector<1xf32>
      %squeeze3A_509 = vector.extract %slice3A_508[0] : f32 from vector<1xf32>
      %slice3A_510 = vector.extract_strided_slice %get3A_77 {offsets = [14], sizes = [1], strides = [1]} : vector<16xf32> to vector<1xf32>
      %squeeze3A_511 = vector.extract %slice3A_510[0] : f32 from vector<1xf32>
      %slice3A_512 = vector.extract_strided_slice %get3A_77 {offsets = [15], sizes = [1], strides = [1]} : vector<16xf32> to vector<1xf32>
      %squeeze3A_513 = vector.extract %slice3A_512[0] : f32 from vector<1xf32>
      %mul3A_514 = arith.mulf %squeeze3A_491, %squeeze3A_491 : f32
      %mul3A_515 = arith.mulf %squeeze3A_499, %squeeze3A_499 : f32
      %add3A_516 = arith.addf %mul3A_514, %mul3A_515 : f32
      %mul3A_517 = arith.mulf %squeeze3A_507, %squeeze3A_507 : f32
      %add3A_518 = arith.addf %add3A_516, %mul3A_517 : f32
      %mul3A_519 = arith.mulf %squeeze3A_493, %squeeze3A_493 : f32
      %mul3A_520 = arith.mulf %squeeze3A_501, %squeeze3A_501 : f32
      %add3A_521 = arith.addf %mul3A_519, %mul3A_520 : f32
      %mul3A_522 = arith.mulf %squeeze3A_509, %squeeze3A_509 : f32
      %add3A_523 = arith.addf %add3A_521, %mul3A_522 : f32
      %mul3A_524 = arith.mulf %squeeze3A_495, %squeeze3A_495 : f32
      %mul3A_525 = arith.mulf %squeeze3A_503, %squeeze3A_503 : f32
      %add3A_526 = arith.addf %mul3A_524, %mul3A_525 : f32
      %mul3A_527 = arith.mulf %squeeze3A_511, %squeeze3A_511 : f32
      %add3A_528 = arith.addf %add3A_526, %mul3A_527 : f32
      %mul3A_529 = arith.mulf %squeeze3A_497, %squeeze3A_497 : f32
      %mul3A_530 = arith.mulf %squeeze3A_505, %squeeze3A_505 : f32
      %add3A_531 = arith.addf %mul3A_529, %mul3A_530 : f32
      %mul3A_532 = arith.mulf %squeeze3A_513, %squeeze3A_513 : f32
      %add3A_533 = arith.addf %add3A_531, %mul3A_532 : f32
      %scan3A_534 = arith.constant 0 : i32
      %scan3A_535 = arith.constant 256 : i32
      %scan3A_536 = arith.addi %scan3A_534, %scan3A_535 : i32
      %scan3A_537 = arith.constant 1 : i32
      %scan3A_538:12 = scf.for %scan3A_628 = %scan3A_534 to %scan3A_536 step %scan3A_537 iter_args(%scan3A_629 = %broadcast_in_dim3A_38, %scan3A_630 = %broadcast_in_dim3A_38, %scan3A_631 = %broadcast_in_dim3A_38, %scan3A_632 = %broadcast_in_dim3A_38, %scan3A_633 = %broadcast_in_dim3A_38, %scan3A_634 = %broadcast_in_dim3A_38, %scan3A_635 = %broadcast_in_dim3A_38, %scan3A_636 = %broadcast_in_dim3A_38, %scan3A_637 = %broadcast_in_dim3A_38, %scan3A_638 = %broadcast_in_dim3A_38, %scan3A_639 = %broadcast_in_dim3A_38, %scan3A_640 = %broadcast_in_dim3A_38) -> (vector<16xf32>, vector<16xf32>, vector<16xf32>, vector<16xf32>, vector<16xf32>, vector<16xf32>, vector<16xf32>, vector<16xf32>, vector<16xf32>, vector<16xf32>, vector<16xf32>, vector<16xf32>)  : i32 {
        %mul3A_641 = arith.constant 16 : i32
        %mul3A_642 = arith.muli %scan3A_628, %mul3A_641 : i32
        %get3A_643 = arith.index_cast %mul3A_642 : i32 to index
        %get3A_644 = tpu.vector_load %arg13[%get3A_643] {strides = array<i32>} : memref<4096xf32, #tpu.memory_space<vmem>>, vector<16xf32>,
        %get3A_645 = vector.shape_cast %get3A_644 : vector<16xf32> to vector<16xf32>
        %get3A_646 = arith.index_cast %mul3A_642 : i32 to index
        %get3A_647 = tpu.vector_load %arg14[%get3A_646] {strides = array<i32>} : memref<4096xf32, #tpu.memory_space<vmem>>, vector<16xf32>,
        %get3A_648 = vector.shape_cast %get3A_647 : vector<16xf32> to vector<16xf32>
        %get3A_649 = arith.index_cast %mul3A_642 : i32 to index
        %get3A_650 = tpu.vector_load %arg15[%get3A_649] {strides = array<i32>} : memref<4096xf32, #tpu.memory_space<vmem>>, vector<16xf32>,
        %get3A_651 = vector.shape_cast %get3A_650 : vector<16xf32> to vector<16xf32>
        %get3A_652 = arith.index_cast %mul3A_642 : i32 to index
        %get3A_653 = tpu.vector_load %arg16[%get3A_652] {strides = array<i32>} : memref<4096xf32, #tpu.memory_space<vmem>>, vector<16xf32>,
        %get3A_654 = vector.shape_cast %get3A_653 : vector<16xf32> to vector<16xf32>
        %get3A_655 = arith.index_cast %mul3A_642 : i32 to index
        %get3A_656 = tpu.vector_load %arg17[%get3A_655] {strides = array<i32>} : memref<4096xf32, #tpu.memory_space<vmem>>, vector<16xf32>,
        %get3A_657 = vector.shape_cast %get3A_656 : vector<16xf32> to vector<16xf32>
        %add3A_658 = vector.broadcast %add3A_518 : f32 to vector<16xf32>
        %add3A_659 = arith.addf %get3A_654, %add3A_658 : vector<16xf32>
        %mul3A_660 = vector.broadcast %squeeze3A_491 : f32 to vector<16xf32>
        %mul3A_661 = arith.mulf %get3A_645, %mul3A_660 : vector<16xf32>
        %add3A_662 = arith.addf %add3A_659, %mul3A_661 : vector<16xf32>
        %mul3A_663 = vector.broadcast %squeeze3A_499 : f32 to vector<16xf32>
        %mul3A_664 = arith.mulf %get3A_648, %mul3A_663 : vector<16xf32>
        %add3A_665 = arith.addf %add3A_662, %mul3A_664 : vector<16xf32>
        %mul3A_666 = vector.broadcast %squeeze3A_507 : f32 to vector<16xf32>
        %mul3A_667 = arith.mulf %get3A_651, %mul3A_666 : vector<16xf32>
        %add3A_668 = arith.addf %add3A_665, %mul3A_667 : vector<16xf32>
        %max3A = arith.maximumf %scan3A_629, %add3A_668 : vector<16xf32>
        %min3A = arith.minimumf %scan3A_629, %add3A_668 : vector<16xf32>
        %max3A_669 = arith.maximumf %scan3A_630, %max3A : vector<16xf32>
        %min3A_670 = arith.minimumf %scan3A_630, %max3A : vector<16xf32>
        %min3A_671 = arith.minimumf %scan3A_631, %max3A_669 : vector<16xf32>
        %min3A_672 = arith.minimumf %get3A_657, %add3A_668 : vector<16xf32>
        %add3A_673 = vector.broadcast %add3A_523 : f32 to vector<16xf32>
        %add3A_674 = arith.addf %get3A_654, %add3A_673 : vector<16xf32>
        %mul3A_675 = vector.broadcast %squeeze3A_493 : f32 to vector<16xf32>
        %mul3A_676 = arith.mulf %get3A_645, %mul3A_675 : vector<16xf32>
        %add3A_677 = arith.addf %add3A_674, %mul3A_676 : vector<16xf32>
        %mul3A_678 = vector.broadcast %squeeze3A_501 : f32 to vector<16xf32>
        %mul3A_679 = arith.mulf %get3A_648, %mul3A_678 : vector<16xf32>
        %add3A_680 = arith.addf %add3A_677, %mul3A_679 : vector<16xf32>
        %mul3A_681 = vector.broadcast %squeeze3A_509 : f32 to vector<16xf32>
        %mul3A_682 = arith.mulf %get3A_651, %mul3A_681 : vector<16xf32>
        %add3A_683 = arith.addf %add3A_680, %mul3A_682 : vector<16xf32>
        %max3A_684 = arith.maximumf %scan3A_632, %add3A_683 : vector<16xf32>
        %min3A_685 = arith.minimumf %scan3A_632, %add3A_683 : vector<16xf32>
        %max3A_686 = arith.maximumf %scan3A_633, %max3A_684 : vector<16xf32>
        %min3A_687 = arith.minimumf %scan3A_633, %max3A_684 : vector<16xf32>
        %min3A_688 = arith.minimumf %scan3A_634, %max3A_686 : vector<16xf32>
        %min3A_689 = arith.minimumf %min3A_672, %add3A_683 : vector<16xf32>
        %add3A_690 = vector.broadcast %add3A_528 : f32 to vector<16xf32>
        %add3A_691 = arith.addf %get3A_654, %add3A_690 : vector<16xf32>
        %mul3A_692 = vector.broadcast %squeeze3A_495 : f32 to vector<16xf32>
        %mul3A_693 = arith.mulf %get3A_645, %mul3A_692 : vector<16xf32>
        %add3A_694 = arith.addf %add3A_691, %mul3A_693 : vector<16xf32>
        %mul3A_695 = vector.broadcast %squeeze3A_503 : f32 to vector<16xf32>
        %mul3A_696 = arith.mulf %get3A_648, %mul3A_695 : vector<16xf32>
        %add3A_697 = arith.addf %add3A_694, %mul3A_696 : vector<16xf32>
        %mul3A_698 = vector.broadcast %squeeze3A_511 : f32 to vector<16xf32>
        %mul3A_699 = arith.mulf %get3A_651, %mul3A_698 : vector<16xf32>
        %add3A_700 = arith.addf %add3A_697, %mul3A_699 : vector<16xf32>
        %max3A_701 = arith.maximumf %scan3A_635, %add3A_700 : vector<16xf32>
        %min3A_702 = arith.minimumf %scan3A_635, %add3A_700 : vector<16xf32>
        %max3A_703 = arith.maximumf %scan3A_636, %max3A_701 : vector<16xf32>
        %min3A_704 = arith.minimumf %scan3A_636, %max3A_701 : vector<16xf32>
        %min3A_705 = arith.minimumf %scan3A_637, %max3A_703 : vector<16xf32>
        %min3A_706 = arith.minimumf %min3A_689, %add3A_700 : vector<16xf32>
        %add3A_707 = vector.broadcast %add3A_533 : f32 to vector<16xf32>
        %add3A_708 = arith.addf %get3A_654, %add3A_707 : vector<16xf32>
        %mul3A_709 = vector.broadcast %squeeze3A_497 : f32 to vector<16xf32>
        %mul3A_710 = arith.mulf %get3A_645, %mul3A_709 : vector<16xf32>
        %add3A_711 = arith.addf %add3A_708, %mul3A_710 : vector<16xf32>
        %mul3A_712 = vector.broadcast %squeeze3A_505 : f32 to vector<16xf32>
        %mul3A_713 = arith.mulf %get3A_648, %mul3A_712 : vector<16xf32>
        %add3A_714 = arith.addf %add3A_711, %mul3A_713 : vector<16xf32>
        %mul3A_715 = vector.broadcast %squeeze3A_513 : f32 to vector<16xf32>
        %mul3A_716 = arith.mulf %get3A_651, %mul3A_715 : vector<16xf32>
        %add3A_717 = arith.addf %add3A_714, %mul3A_716 : vector<16xf32>
        %max3A_718 = arith.maximumf %scan3A_638, %add3A_717 : vector<16xf32>
        %min3A_719 = arith.minimumf %scan3A_638, %add3A_717 : vector<16xf32>
        %max3A_720 = arith.maximumf %scan3A_639, %max3A_718 : vector<16xf32>
        %min3A_721 = arith.minimumf %scan3A_639, %max3A_718 : vector<16xf32>
        %min3A_722 = arith.minimumf %scan3A_640, %max3A_720 : vector<16xf32>
        %min3A_723 = arith.minimumf %min3A_706, %add3A_717 : vector<16xf32>
        %swap3A_724 = arith.index_cast %mul3A_642 : i32 to index
        %swap3A_725 = tpu.vector_load %arg17[%swap3A_724] {strides = array<i32>} : memref<4096xf32, #tpu.memory_space<vmem>>, vector<16xf32>,
        %swap3A_726 = vector.shape_cast %swap3A_725 : vector<16xf32> to vector<16xf32>
        %swap3A_727 = vector.shape_cast %min3A_723 : vector<16xf32> to vector<16xf32>
        tpu.vector_store %arg17[%swap3A_724], %swap3A_727 {strides = array<i32>} : memref<4096xf32, #tpu.memory_space<vmem>>, vector<16xf32>,
        scf.yield %min3A, %min3A_670, %min3A_671, %min3A_685, %min3A_687, %min3A_688, %min3A_702, %min3A_704, %min3A_705, %min3A_719, %min3A_721, %min3A_722 : vector<16xf32>, vector<16xf32>, vector<16xf32>, vector<16xf32>, vector<16xf32>, vector<16xf32>, vector<16xf32>, vector<16xf32>, vector<16xf32>, vector<16xf32>, vector<16xf32>, vector<16xf32>
      }
      %scan3A_539 = arith.constant 256 : i32
      %add3A_540 = arith.constant 12 : i32
      %add3A_541 = arith.addi %mul3A_69, %add3A_540 : i32
      %add3A_542 = arith.constant 0 : i32
      %add3A_543 = arith.addi %add3A_541, %add3A_542 : i32
      %mul3A_544 = arith.constant 16 : i32
      %mul3A_545 = arith.muli %add3A_543, %mul3A_544 : i32
      %swap3A_546 = arith.index_cast %mul3A_545 : i32 to index
      %swap3A_547 = tpu.vector_load %arg18[%swap3A_546] {strides = array<i32>} : memref<2816xf32, #tpu.memory_space<vmem>>, vector<16xf32>,
      %swap3A_548 = vector.shape_cast %swap3A_547 : vector<16xf32> to vector<16xf32>
      %swap3A_549 = vector.shape_cast %scan3A_538#0 : vector<16xf32> to vector<16xf32>
      tpu.vector_store %arg18[%swap3A_546], %swap3A_549 {strides = array<i32>} : memref<2816xf32, #tpu.memory_space<vmem>>, vector<16xf32>,
      %mul3A_550 = arith.constant 16 : i32
      %mul3A_551 = arith.muli %add3A_543, %mul3A_550 : i32
      %swap3A_552 = arith.index_cast %mul3A_551 : i32 to index
      %swap3A_553 = tpu.vector_load %arg19[%swap3A_552] {strides = array<i32>} : memref<2816xf32, #tpu.memory_space<vmem>>, vector<16xf32>,
      %swap3A_554 = vector.shape_cast %swap3A_553 : vector<16xf32> to vector<16xf32>
      %swap3A_555 = vector.shape_cast %scan3A_538#1 : vector<16xf32> to vector<16xf32>
      tpu.vector_store %arg19[%swap3A_552], %swap3A_555 {strides = array<i32>} : memref<2816xf32, #tpu.memory_space<vmem>>, vector<16xf32>,
      %mul3A_556 = arith.constant 16 : i32
      %mul3A_557 = arith.muli %add3A_543, %mul3A_556 : i32
      %swap3A_558 = arith.index_cast %mul3A_557 : i32 to index
      %swap3A_559 = tpu.vector_load %arg20[%swap3A_558] {strides = array<i32>} : memref<2816xf32, #tpu.memory_space<vmem>>, vector<16xf32>,
      %swap3A_560 = vector.shape_cast %swap3A_559 : vector<16xf32> to vector<16xf32>
      %swap3A_561 = vector.shape_cast %scan3A_538#2 : vector<16xf32> to vector<16xf32>
      tpu.vector_store %arg20[%swap3A_558], %swap3A_561 {strides = array<i32>} : memref<2816xf32, #tpu.memory_space<vmem>>, vector<16xf32>,
      %add3A_562 = arith.constant 12 : i32
      %add3A_563 = arith.addi %mul3A_69, %add3A_562 : i32
      %add3A_564 = arith.constant 1 : i32
      %add3A_565 = arith.addi %add3A_563, %add3A_564 : i32
      %mul3A_566 = arith.constant 16 : i32
      %mul3A_567 = arith.muli %add3A_565, %mul3A_566 : i32
      %swap3A_568 = arith.index_cast %mul3A_567 : i32 to index
      %swap3A_569 = tpu.vector_load %arg18[%swap3A_568] {strides = array<i32>} : memref<2816xf32, #tpu.memory_space<vmem>>, vector<16xf32>,
      %swap3A_570 = vector.shape_cast %swap3A_569 : vector<16xf32> to vector<16xf32>
      %swap3A_571 = vector.shape_cast %scan3A_538#3 : vector<16xf32> to vector<16xf32>
      tpu.vector_store %arg18[%swap3A_568], %swap3A_571 {strides = array<i32>} : memref<2816xf32, #tpu.memory_space<vmem>>, vector<16xf32>,
      %mul3A_572 = arith.constant 16 : i32
      %mul3A_573 = arith.muli %add3A_565, %mul3A_572 : i32
      %swap3A_574 = arith.index_cast %mul3A_573 : i32 to index
      %swap3A_575 = tpu.vector_load %arg19[%swap3A_574] {strides = array<i32>} : memref<2816xf32, #tpu.memory_space<vmem>>, vector<16xf32>,
      %swap3A_576 = vector.shape_cast %swap3A_575 : vector<16xf32> to vector<16xf32>
      %swap3A_577 = vector.shape_cast %scan3A_538#4 : vector<16xf32> to vector<16xf32>
      tpu.vector_store %arg19[%swap3A_574], %swap3A_577 {strides = array<i32>} : memref<2816xf32, #tpu.memory_space<vmem>>, vector<16xf32>,
      %mul3A_578 = arith.constant 16 : i32
      %mul3A_579 = arith.muli %add3A_565, %mul3A_578 : i32
      %swap3A_580 = arith.index_cast %mul3A_579 : i32 to index
      %swap3A_581 = tpu.vector_load %arg20[%swap3A_580] {strides = array<i32>} : memref<2816xf32, #tpu.memory_space<vmem>>, vector<16xf32>,
      %swap3A_582 = vector.shape_cast %swap3A_581 : vector<16xf32> to vector<16xf32>
      %swap3A_583 = vector.shape_cast %scan3A_538#5 : vector<16xf32> to vector<16xf32>
      tpu.vector_store %arg20[%swap3A_580], %swap3A_583 {strides = array<i32>} : memref<2816xf32, #tpu.memory_space<vmem>>, vector<16xf32>,
      %add3A_584 = arith.constant 12 : i32
      %add3A_585 = arith.addi %mul3A_69, %add3A_584 : i32
      %add3A_586 = arith.constant 2 : i32
      %add3A_587 = arith.addi %add3A_585, %add3A_586 : i32
      %mul3A_588 = arith.constant 16 : i32
      %mul3A_589 = arith.muli %add3A_587, %mul3A_588 : i32
      %swap3A_590 = arith.index_cast %mul3A_589 : i32 to index
      %swap3A_591 = tpu.vector_load %arg18[%swap3A_590] {strides = array<i32>} : memref<2816xf32, #tpu.memory_space<vmem>>, vector<16xf32>,
      %swap3A_592 = vector.shape_cast %swap3A_591 : vector<16xf32> to vector<16xf32>
      %swap3A_593 = vector.shape_cast %scan3A_538#6 : vector<16xf32> to vector<16xf32>
      tpu.vector_store %arg18[%swap3A_590], %swap3A_593 {strides = array<i32>} : memref<2816xf32, #tpu.memory_space<vmem>>, vector<16xf32>,
      %mul3A_594 = arith.constant 16 : i32
      %mul3A_595 = arith.muli %add3A_587, %mul3A_594 : i32
      %swap3A_596 = arith.index_cast %mul3A_595 : i32 to index
      %swap3A_597 = tpu.vector_load %arg19[%swap3A_596] {strides = array<i32>} : memref<2816xf32, #tpu.memory_space<vmem>>, vector<16xf32>,
      %swap3A_598 = vector.shape_cast %swap3A_597 : vector<16xf32> to vector<16xf32>
      %swap3A_599 = vector.shape_cast %scan3A_538#7 : vector<16xf32> to vector<16xf32>
      tpu.vector_store %arg19[%swap3A_596], %swap3A_599 {strides = array<i32>} : memref<2816xf32, #tpu.memory_space<vmem>>, vector<16xf32>,
      %mul3A_600 = arith.constant 16 : i32
      %mul3A_601 = arith.muli %add3A_587, %mul3A_600 : i32
      %swap3A_602 = arith.index_cast %mul3A_601 : i32 to index
      %swap3A_603 = tpu.vector_load %arg20[%swap3A_602] {strides = array<i32>} : memref<2816xf32, #tpu.memory_space<vmem>>, vector<16xf32>,
      %swap3A_604 = vector.shape_cast %swap3A_603 : vector<16xf32> to vector<16xf32>
      %swap3A_605 = vector.shape_cast %scan3A_538#8 : vector<16xf32> to vector<16xf32>
      tpu.vector_store %arg20[%swap3A_602], %swap3A_605 {strides = array<i32>} : memref<2816xf32, #tpu.memory_space<vmem>>, vector<16xf32>,
      %add3A_606 = arith.constant 12 : i32
      %add3A_607 = arith.addi %mul3A_69, %add3A_606 : i32
      %add3A_608 = arith.constant 3 : i32
      %add3A_609 = arith.addi %add3A_607, %add3A_608 : i32
      %mul3A_610 = arith.constant 16 : i32
      %mul3A_611 = arith.muli %add3A_609, %mul3A_610 : i32
      %swap3A_612 = arith.index_cast %mul3A_611 : i32 to index
      %swap3A_613 = tpu.vector_load %arg18[%swap3A_612] {strides = array<i32>} : memref<2816xf32, #tpu.memory_space<vmem>>, vector<16xf32>,
      %swap3A_614 = vector.shape_cast %swap3A_613 : vector<16xf32> to vector<16xf32>
      %swap3A_615 = vector.shape_cast %scan3A_538#9 : vector<16xf32> to vector<16xf32>
      tpu.vector_store %arg18[%swap3A_612], %swap3A_615 {strides = array<i32>} : memref<2816xf32, #tpu.memory_space<vmem>>, vector<16xf32>,
      %mul3A_616 = arith.constant 16 : i32
      %mul3A_617 = arith.muli %add3A_609, %mul3A_616 : i32
      %swap3A_618 = arith.index_cast %mul3A_617 : i32 to index
      %swap3A_619 = tpu.vector_load %arg19[%swap3A_618] {strides = array<i32>} : memref<2816xf32, #tpu.memory_space<vmem>>, vector<16xf32>,
      %swap3A_620 = vector.shape_cast %swap3A_619 : vector<16xf32> to vector<16xf32>
      %swap3A_621 = vector.shape_cast %scan3A_538#10 : vector<16xf32> to vector<16xf32>
      tpu.vector_store %arg19[%swap3A_618], %swap3A_621 {strides = array<i32>} : memref<2816xf32, #tpu.memory_space<vmem>>, vector<16xf32>,
      %mul3A_622 = arith.constant 16 : i32
      %mul3A_623 = arith.muli %add3A_609, %mul3A_622 : i32
      %swap3A_624 = arith.index_cast %mul3A_623 : i32 to index
      %swap3A_625 = tpu.vector_load %arg20[%swap3A_624] {strides = array<i32>} : memref<2816xf32, #tpu.memory_space<vmem>>, vector<16xf32>,
      %swap3A_626 = vector.shape_cast %swap3A_625 : vector<16xf32> to vector<16xf32>
      %swap3A_627 = vector.shape_cast %scan3A_538#11 : vector<16xf32> to vector<16xf32>
      tpu.vector_store %arg20[%swap3A_624], %swap3A_627 {strides = array<i32>} : memref<2816xf32, #tpu.memory_space<vmem>>, vector<16xf32>,
    }
    %scan3A_49 = arith.constant 11 : i32
    %scan3A_50 = arith.constant 0.000000e+00 : f32
    %scan3A_51 = arith.constant 0 : i32
    %scan3A_52 = arith.constant 176 : i32
    %scan3A_53 = arith.addi %scan3A_51, %scan3A_52 : i32
    %scan3A_54 = arith.constant 1 : i32
    %scan3A_55 = scf.for %scan3A_67 = %scan3A_51 to %scan3A_53 step %scan3A_54 iter_args(%scan3A_68 = %scan3A_50) -> (f32)  : i32 {
      %mul3A_69 = arith.constant 16 : i32
      %mul3A_70 = arith.muli %scan3A_67, %mul3A_69 : i32
      %get3A = arith.index_cast %mul3A_70 : i32 to index
      %get3A_71 = tpu.vector_load %arg18[%get3A] {strides = array<i32>} : memref<2816xf32, #tpu.memory_space<vmem>>, vector<16xf32>,
      %get3A_72 = vector.shape_cast %get3A_71 : vector<16xf32> to vector<16xf32>
      %mul3A_73 = arith.constant 16 : i32
      %mul3A_74 = arith.muli %scan3A_67, %mul3A_73 : i32
      %get3A_75 = arith.index_cast %mul3A_74 : i32 to index
      %get3A_76 = tpu.vector_load %arg19[%get3A_75] {strides = array<i32>} : memref<2816xf32, #tpu.memory_space<vmem>>, vector<16xf32>,
      %get3A_77 = vector.shape_cast %get3A_76 : vector<16xf32> to vector<16xf32>
      %mul3A_78 = arith.constant 16 : i32
      %mul3A_79 = arith.muli %scan3A_67, %mul3A_78 : i32
      %get3A_80 = arith.index_cast %mul3A_79 : i32 to index
      %get3A_81 = tpu.vector_load %arg20[%get3A_80] {strides = array<i32>} : memref<2816xf32, #tpu.memory_space<vmem>>, vector<16xf32>,
      %get3A_82 = vector.shape_cast %get3A_81 : vector<16xf32> to vector<16xf32>
      %slice3A = vector.extract_strided_slice %get3A_72 {offsets = [0], sizes = [1], strides = [1]} : vector<16xf32> to vector<1xf32>
      %squeeze3A = vector.extract %slice3A[0] : f32 from vector<1xf32>
      %max3A = arith.constant 3.000000e+38 : f32
      %max3A_83 = arith.maximumf %max3A, %squeeze3A : f32
      %min3A = arith.constant 3.000000e+38 : f32
      %min3A_84 = arith.minimumf %min3A, %squeeze3A : f32
      %max3A_85 = arith.constant 3.000000e+38 : f32
      %max3A_86 = arith.maximumf %max3A_85, %max3A_83 : f32
      %min3A_87 = arith.constant 3.000000e+38 : f32
      %min3A_88 = arith.minimumf %min3A_87, %max3A_83 : f32
      %min3A_89 = arith.constant 3.000000e+38 : f32
      %min3A_90 = arith.minimumf %min3A_89, %max3A_86 : f32
      %slice3A_91 = vector.extract_strided_slice %get3A_72 {offsets = [1], sizes = [1], strides = [1]} : vector<16xf32> to vector<1xf32>
      %squeeze3A_92 = vector.extract %slice3A_91[0] : f32 from vector<1xf32>
      %max3A_93 = arith.maximumf %min3A_84, %squeeze3A_92 : f32
      %min3A_94 = arith.minimumf %min3A_84, %squeeze3A_92 : f32
      %max3A_95 = arith.maximumf %min3A_88, %max3A_93 : f32
      %min3A_96 = arith.minimumf %min3A_88, %max3A_93 : f32
      %min3A_97 = arith.minimumf %min3A_90, %max3A_95 : f32
      %slice3A_98 = vector.extract_strided_slice %get3A_72 {offsets = [2], sizes = [1], strides = [1]} : vector<16xf32> to vector<1xf32>
      %squeeze3A_99 = vector.extract %slice3A_98[0] : f32 from vector<1xf32>
      %max3A_100 = arith.maximumf %min3A_94, %squeeze3A_99 : f32
      %min3A_101 = arith.minimumf %min3A_94, %squeeze3A_99 : f32
      %max3A_102 = arith.maximumf %min3A_96, %max3A_100 : f32
      %min3A_103 = arith.minimumf %min3A_96, %max3A_100 : f32
      %min3A_104 = arith.minimumf %min3A_97, %max3A_102 : f32
      %slice3A_105 = vector.extract_strided_slice %get3A_72 {offsets = [3], sizes = [1], strides = [1]} : vector<16xf32> to vector<1xf32>
      %squeeze3A_106 = vector.extract %slice3A_105[0] : f32 from vector<1xf32>
      %max3A_107 = arith.maximumf %min3A_101, %squeeze3A_106 : f32
      %min3A_108 = arith.minimumf %min3A_101, %squeeze3A_106 : f32
      %max3A_109 = arith.maximumf %min3A_103, %max3A_107 : f32
      %min3A_110 = arith.minimumf %min3A_103, %max3A_107 : f32
      %min3A_111 = arith.minimumf %min3A_104, %max3A_109 : f32
      %slice3A_112 = vector.extract_strided_slice %get3A_72 {offsets = [4], sizes = [1], strides = [1]} : vector<16xf32> to vector<1xf32>
      %squeeze3A_113 = vector.extract %slice3A_112[0] : f32 from vector<1xf32>
      %max3A_114 = arith.maximumf %min3A_108, %squeeze3A_113 : f32
      %min3A_115 = arith.minimumf %min3A_108, %squeeze3A_113 : f32
      %max3A_116 = arith.maximumf %min3A_110, %max3A_114 : f32
      %min3A_117 = arith.minimumf %min3A_110, %max3A_114 : f32
      %min3A_118 = arith.minimumf %min3A_111, %max3A_116 : f32
      %slice3A_119 = vector.extract_strided_slice %get3A_72 {offsets = [5], sizes = [1], strides = [1]} : vector<16xf32> to vector<1xf32>
      %squeeze3A_120 = vector.extract %slice3A_119[0] : f32 from vector<1xf32>
      %max3A_121 = arith.maximumf %min3A_115, %squeeze3A_120 : f32
      %min3A_122 = arith.minimumf %min3A_115, %squeeze3A_120 : f32
      %max3A_123 = arith.maximumf %min3A_117, %max3A_121 : f32
      %min3A_124 = arith.minimumf %min3A_117, %max3A_121 : f32
      %min3A_125 = arith.minimumf %min3A_118, %max3A_123 : f32
      %slice3A_126 = vector.extract_strided_slice %get3A_72 {offsets = [6], sizes = [1], strides = [1]} : vector<16xf32> to vector<1xf32>
      %squeeze3A_127 = vector.extract %slice3A_126[0] : f32 from vector<1xf32>
      %max3A_128 = arith.maximumf %min3A_122, %squeeze3A_127 : f32
      %min3A_129 = arith.minimumf %min3A_122, %squeeze3A_127 : f32
      %max3A_130 = arith.maximumf %min3A_124, %max3A_128 : f32
      %min3A_131 = arith.minimumf %min3A_124, %max3A_128 : f32
      %min3A_132 = arith.minimumf %min3A_125, %max3A_130 : f32
      %slice3A_133 = vector.extract_strided_slice %get3A_72 {offsets = [7], sizes = [1], strides = [1]} : vector<16xf32> to vector<1xf32>
      %squeeze3A_134 = vector.extract %slice3A_133[0] : f32 from vector<1xf32>
      %max3A_135 = arith.maximumf %min3A_129, %squeeze3A_134 : f32
      %min3A_136 = arith.minimumf %min3A_129, %squeeze3A_134 : f32
      %max3A_137 = arith.maximumf %min3A_131, %max3A_135 : f32
      %min3A_138 = arith.minimumf %min3A_131, %max3A_135 : f32
      %min3A_139 = arith.minimumf %min3A_132, %max3A_137 : f32
      %slice3A_140 = vector.extract_strided_slice %get3A_72 {offsets = [8], sizes = [1], strides = [1]} : vector<16xf32> to vector<1xf32>
      %squeeze3A_141 = vector.extract %slice3A_140[0] : f32 from vector<1xf32>
      %max3A_142 = arith.maximumf %min3A_136, %squeeze3A_141 : f32
      %min3A_143 = arith.minimumf %min3A_136, %squeeze3A_141 : f32
      %max3A_144 = arith.maximumf %min3A_138, %max3A_142 : f32
      %min3A_145 = arith.minimumf %min3A_138, %max3A_142 : f32
      %min3A_146 = arith.minimumf %min3A_139, %max3A_144 : f32
      %slice3A_147 = vector.extract_strided_slice %get3A_72 {offsets = [9], sizes = [1], strides = [1]} : vector<16xf32> to vector<1xf32>
      %squeeze3A_148 = vector.extract %slice3A_147[0] : f32 from vector<1xf32>
      %max3A_149 = arith.maximumf %min3A_143, %squeeze3A_148 : f32
      %min3A_150 = arith.minimumf %min3A_143, %squeeze3A_148 : f32
      %max3A_151 = arith.maximumf %min3A_145, %max3A_149 : f32
      %min3A_152 = arith.minimumf %min3A_145, %max3A_149 : f32
      %min3A_153 = arith.minimumf %min3A_146, %max3A_151 : f32
      %slice3A_154 = vector.extract_strided_slice %get3A_72 {offsets = [10], sizes = [1], strides = [1]} : vector<16xf32> to vector<1xf32>
      %squeeze3A_155 = vector.extract %slice3A_154[0] : f32 from vector<1xf32>
      %max3A_156 = arith.maximumf %min3A_150, %squeeze3A_155 : f32
      %min3A_157 = arith.minimumf %min3A_150, %squeeze3A_155 : f32
      %max3A_158 = arith.maximumf %min3A_152, %max3A_156 : f32
      %min3A_159 = arith.minimumf %min3A_152, %max3A_156 : f32
      %min3A_160 = arith.minimumf %min3A_153, %max3A_158 : f32
      %slice3A_161 = vector.extract_strided_slice %get3A_72 {offsets = [11], sizes = [1], strides = [1]} : vector<16xf32> to vector<1xf32>
      %squeeze3A_162 = vector.extract %slice3A_161[0] : f32 from vector<1xf32>
      %max3A_163 = arith.maximumf %min3A_157, %squeeze3A_162 : f32
      %min3A_164 = arith.minimumf %min3A_157, %squeeze3A_162 : f32
      %max3A_165 = arith.maximumf %min3A_159, %max3A_163 : f32
      %min3A_166 = arith.minimumf %min3A_159, %max3A_163 : f32
      %min3A_167 = arith.minimumf %min3A_160, %max3A_165 : f32
      %slice3A_168 = vector.extract_strided_slice %get3A_72 {offsets = [12], sizes = [1], strides = [1]} : vector<16xf32> to vector<1xf32>
      %squeeze3A_169 = vector.extract %slice3A_168[0] : f32 from vector<1xf32>
      %max3A_170 = arith.maximumf %min3A_164, %squeeze3A_169 : f32
      %min3A_171 = arith.minimumf %min3A_164, %squeeze3A_169 : f32
      %max3A_172 = arith.maximumf %min3A_166, %max3A_170 : f32
      %min3A_173 = arith.minimumf %min3A_166, %max3A_170 : f32
      %min3A_174 = arith.minimumf %min3A_167, %max3A_172 : f32
      %slice3A_175 = vector.extract_strided_slice %get3A_72 {offsets = [13], sizes = [1], strides = [1]} : vector<16xf32> to vector<1xf32>
      %squeeze3A_176 = vector.extract %slice3A_175[0] : f32 from vector<1xf32>
      %max3A_177 = arith.maximumf %min3A_171, %squeeze3A_176 : f32
      %min3A_178 = arith.minimumf %min3A_171, %squeeze3A_176 : f32
      %max3A_179 = arith.maximumf %min3A_173, %max3A_177 : f32
      %min3A_180 = arith.minimumf %min3A_173, %max3A_177 : f32
      %min3A_181 = arith.minimumf %min3A_174, %max3A_179 : f32
      %slice3A_182 = vector.extract_strided_slice %get3A_72 {offsets = [14], sizes = [1], strides = [1]} : vector<16xf32> to vector<1xf32>
      %squeeze3A_183 = vector.extract %slice3A_182[0] : f32 from vector<1xf32>
      %max3A_184 = arith.maximumf %min3A_178, %squeeze3A_183 : f32
      %min3A_185 = arith.minimumf %min3A_178, %squeeze3A_183 : f32
      %max3A_186 = arith.maximumf %min3A_180, %max3A_184 : f32
      %min3A_187 = arith.minimumf %min3A_180, %max3A_184 : f32
      %min3A_188 = arith.minimumf %min3A_181, %max3A_186 : f32
      %slice3A_189 = vector.extract_strided_slice %get3A_72 {offsets = [15], sizes = [1], strides = [1]} : vector<16xf32> to vector<1xf32>
      %squeeze3A_190 = vector.extract %slice3A_189[0] : f32 from vector<1xf32>
      %max3A_191 = arith.maximumf %min3A_185, %squeeze3A_190 : f32
      %min3A_192 = arith.minimumf %min3A_185, %squeeze3A_190 : f32
      %max3A_193 = arith.maximumf %min3A_187, %max3A_191 : f32
      %min3A_194 = arith.minimumf %min3A_187, %max3A_191 : f32
      %min3A_195 = arith.minimumf %min3A_188, %max3A_193 : f32
      %slice3A_196 = vector.extract_strided_slice %get3A_77 {offsets = [0], sizes = [1], strides = [1]} : vector<16xf32> to vector<1xf32>
      %squeeze3A_197 = vector.extract %slice3A_196[0] : f32 from vector<1xf32>
      %max3A_198 = arith.constant 3.000000e+38 : f32
      %max3A_199 = arith.maximumf %max3A_198, %squeeze3A_197 : f32
      %min3A_200 = arith.constant 3.000000e+38 : f32
      %min3A_201 = arith.minimumf %min3A_200, %squeeze3A_197 : f32
      %max3A_202 = arith.constant 3.000000e+38 : f32
      %max3A_203 = arith.maximumf %max3A_202, %max3A_199 : f32
      %min3A_204 = arith.constant 3.000000e+38 : f32
      %min3A_205 = arith.minimumf %min3A_204, %max3A_199 : f32
      %min3A_206 = arith.constant 3.000000e+38 : f32
      %min3A_207 = arith.minimumf %min3A_206, %max3A_203 : f32
      %slice3A_208 = vector.extract_strided_slice %get3A_77 {offsets = [1], sizes = [1], strides = [1]} : vector<16xf32> to vector<1xf32>
      %squeeze3A_209 = vector.extract %slice3A_208[0] : f32 from vector<1xf32>
      %max3A_210 = arith.maximumf %min3A_201, %squeeze3A_209 : f32
      %min3A_211 = arith.minimumf %min3A_201, %squeeze3A_209 : f32
      %max3A_212 = arith.maximumf %min3A_205, %max3A_210 : f32
      %min3A_213 = arith.minimumf %min3A_205, %max3A_210 : f32
      %min3A_214 = arith.minimumf %min3A_207, %max3A_212 : f32
      %slice3A_215 = vector.extract_strided_slice %get3A_77 {offsets = [2], sizes = [1], strides = [1]} : vector<16xf32> to vector<1xf32>
      %squeeze3A_216 = vector.extract %slice3A_215[0] : f32 from vector<1xf32>
      %max3A_217 = arith.maximumf %min3A_211, %squeeze3A_216 : f32
      %min3A_218 = arith.minimumf %min3A_211, %squeeze3A_216 : f32
      %max3A_219 = arith.maximumf %min3A_213, %max3A_217 : f32
      %min3A_220 = arith.minimumf %min3A_213, %max3A_217 : f32
      %min3A_221 = arith.minimumf %min3A_214, %max3A_219 : f32
      %slice3A_222 = vector.extract_strided_slice %get3A_77 {offsets = [3], sizes = [1], strides = [1]} : vector<16xf32> to vector<1xf32>
      %squeeze3A_223 = vector.extract %slice3A_222[0] : f32 from vector<1xf32>
      %max3A_224 = arith.maximumf %min3A_218, %squeeze3A_223 : f32
      %min3A_225 = arith.minimumf %min3A_218, %squeeze3A_223 : f32
      %max3A_226 = arith.maximumf %min3A_220, %max3A_224 : f32
      %min3A_227 = arith.minimumf %min3A_220, %max3A_224 : f32
      %min3A_228 = arith.minimumf %min3A_221, %max3A_226 : f32
      %slice3A_229 = vector.extract_strided_slice %get3A_77 {offsets = [4], sizes = [1], strides = [1]} : vector<16xf32> to vector<1xf32>
      %squeeze3A_230 = vector.extract %slice3A_229[0] : f32 from vector<1xf32>
      %max3A_231 = arith.maximumf %min3A_225, %squeeze3A_230 : f32
      %min3A_232 = arith.minimumf %min3A_225, %squeeze3A_230 : f32
      %max3A_233 = arith.maximumf %min3A_227, %max3A_231 : f32
      %min3A_234 = arith.minimumf %min3A_227, %max3A_231 : f32
      %min3A_235 = arith.minimumf %min3A_228, %max3A_233 : f32
      %slice3A_236 = vector.extract_strided_slice %get3A_77 {offsets = [5], sizes = [1], strides = [1]} : vector<16xf32> to vector<1xf32>
      %squeeze3A_237 = vector.extract %slice3A_236[0] : f32 from vector<1xf32>
      %max3A_238 = arith.maximumf %min3A_232, %squeeze3A_237 : f32
      %min3A_239 = arith.minimumf %min3A_232, %squeeze3A_237 : f32
      %max3A_240 = arith.maximumf %min3A_234, %max3A_238 : f32
      %min3A_241 = arith.minimumf %min3A_234, %max3A_238 : f32
      %min3A_242 = arith.minimumf %min3A_235, %max3A_240 : f32
      %slice3A_243 = vector.extract_strided_slice %get3A_77 {offsets = [6], sizes = [1], strides = [1]} : vector<16xf32> to vector<1xf32>
      %squeeze3A_244 = vector.extract %slice3A_243[0] : f32 from vector<1xf32>
      %max3A_245 = arith.maximumf %min3A_239, %squeeze3A_244 : f32
      %min3A_246 = arith.minimumf %min3A_239, %squeeze3A_244 : f32
      %max3A_247 = arith.maximumf %min3A_241, %max3A_245 : f32
      %min3A_248 = arith.minimumf %min3A_241, %max3A_245 : f32
      %min3A_249 = arith.minimumf %min3A_242, %max3A_247 : f32
      %slice3A_250 = vector.extract_strided_slice %get3A_77 {offsets = [7], sizes = [1], strides = [1]} : vector<16xf32> to vector<1xf32>
      %squeeze3A_251 = vector.extract %slice3A_250[0] : f32 from vector<1xf32>
      %max3A_252 = arith.maximumf %min3A_246, %squeeze3A_251 : f32
      %min3A_253 = arith.minimumf %min3A_246, %squeeze3A_251 : f32
      %max3A_254 = arith.maximumf %min3A_248, %max3A_252 : f32
      %min3A_255 = arith.minimumf %min3A_248, %max3A_252 : f32
      %min3A_256 = arith.minimumf %min3A_249, %max3A_254 : f32
      %slice3A_257 = vector.extract_strided_slice %get3A_77 {offsets = [8], sizes = [1], strides = [1]} : vector<16xf32> to vector<1xf32>
      %squeeze3A_258 = vector.extract %slice3A_257[0] : f32 from vector<1xf32>
      %max3A_259 = arith.maximumf %min3A_253, %squeeze3A_258 : f32
      %min3A_260 = arith.minimumf %min3A_253, %squeeze3A_258 : f32
      %max3A_261 = arith.maximumf %min3A_255, %max3A_259 : f32
      %min3A_262 = arith.minimumf %min3A_255, %max3A_259 : f32
      %min3A_263 = arith.minimumf %min3A_256, %max3A_261 : f32
      %slice3A_264 = vector.extract_strided_slice %get3A_77 {offsets = [9], sizes = [1], strides = [1]} : vector<16xf32> to vector<1xf32>
      %squeeze3A_265 = vector.extract %slice3A_264[0] : f32 from vector<1xf32>
      %max3A_266 = arith.maximumf %min3A_260, %squeeze3A_265 : f32
      %min3A_267 = arith.minimumf %min3A_260, %squeeze3A_265 : f32
      %max3A_268 = arith.maximumf %min3A_262, %max3A_266 : f32
      %min3A_269 = arith.minimumf %min3A_262, %max3A_266 : f32
      %min3A_270 = arith.minimumf %min3A_263, %max3A_268 : f32
      %slice3A_271 = vector.extract_strided_slice %get3A_77 {offsets = [10], sizes = [1], strides = [1]} : vector<16xf32> to vector<1xf32>
      %squeeze3A_272 = vector.extract %slice3A_271[0] : f32 from vector<1xf32>
      %max3A_273 = arith.maximumf %min3A_267, %squeeze3A_272 : f32
      %min3A_274 = arith.minimumf %min3A_267, %squeeze3A_272 : f32
      %max3A_275 = arith.maximumf %min3A_269, %max3A_273 : f32
      %min3A_276 = arith.minimumf %min3A_269, %max3A_273 : f32
      %min3A_277 = arith.minimumf %min3A_270, %max3A_275 : f32
      %slice3A_278 = vector.extract_strided_slice %get3A_77 {offsets = [11], sizes = [1], strides = [1]} : vector<16xf32> to vector<1xf32>
      %squeeze3A_279 = vector.extract %slice3A_278[0] : f32 from vector<1xf32>
      %max3A_280 = arith.maximumf %min3A_274, %squeeze3A_279 : f32
      %min3A_281 = arith.minimumf %min3A_274, %squeeze3A_279 : f32
      %max3A_282 = arith.maximumf %min3A_276, %max3A_280 : f32
      %min3A_283 = arith.minimumf %min3A_276, %max3A_280 : f32
      %min3A_284 = arith.minimumf %min3A_277, %max3A_282 : f32
      %slice3A_285 = vector.extract_strided_slice %get3A_77 {offsets = [12], sizes = [1], strides = [1]} : vector<16xf32> to vector<1xf32>
      %squeeze3A_286 = vector.extract %slice3A_285[0] : f32 from vector<1xf32>
      %max3A_287 = arith.maximumf %min3A_281, %squeeze3A_286 : f32
      %min3A_288 = arith.minimumf %min3A_281, %squeeze3A_286 : f32
      %max3A_289 = arith.maximumf %min3A_283, %max3A_287 : f32
      %min3A_290 = arith.minimumf %min3A_283, %max3A_287 : f32
      %min3A_291 = arith.minimumf %min3A_284, %max3A_289 : f32
      %slice3A_292 = vector.extract_strided_slice %get3A_77 {offsets = [13], sizes = [1], strides = [1]} : vector<16xf32> to vector<1xf32>
      %squeeze3A_293 = vector.extract %slice3A_292[0] : f32 from vector<1xf32>
      %max3A_294 = arith.maximumf %min3A_288, %squeeze3A_293 : f32
      %min3A_295 = arith.minimumf %min3A_288, %squeeze3A_293 : f32
      %max3A_296 = arith.maximumf %min3A_290, %max3A_294 : f32
      %min3A_297 = arith.minimumf %min3A_290, %max3A_294 : f32
      %min3A_298 = arith.minimumf %min3A_291, %max3A_296 : f32
      %slice3A_299 = vector.extract_strided_slice %get3A_77 {offsets = [14], sizes = [1], strides = [1]} : vector<16xf32> to vector<1xf32>
      %squeeze3A_300 = vector.extract %slice3A_299[0] : f32 from vector<1xf32>
      %max3A_301 = arith.maximumf %min3A_295, %squeeze3A_300 : f32
      %min3A_302 = arith.minimumf %min3A_295, %squeeze3A_300 : f32
      %max3A_303 = arith.maximumf %min3A_297, %max3A_301 : f32
      %min3A_304 = arith.minimumf %min3A_297, %max3A_301 : f32
      %min3A_305 = arith.minimumf %min3A_298, %max3A_303 : f32
      %slice3A_306 = vector.extract_strided_slice %get3A_77 {offsets = [15], sizes = [1], strides = [1]} : vector<16xf32> to vector<1xf32>
      %squeeze3A_307 = vector.extract %slice3A_306[0] : f32 from vector<1xf32>
      %max3A_308 = arith.maximumf %min3A_302, %squeeze3A_307 : f32
      %min3A_309 = arith.minimumf %min3A_302, %squeeze3A_307 : f32
      %max3A_310 = arith.maximumf %min3A_304, %max3A_308 : f32
      %min3A_311 = arith.minimumf %min3A_304, %max3A_308 : f32
      %min3A_312 = arith.minimumf %min3A_305, %max3A_310 : f32
      %slice3A_313 = vector.extract_strided_slice %get3A_82 {offsets = [0], sizes = [1], strides = [1]} : vector<16xf32> to vector<1xf32>
      %squeeze3A_314 = vector.extract %slice3A_313[0] : f32 from vector<1xf32>
      %max3A_315 = arith.constant 3.000000e+38 : f32
      %max3A_316 = arith.maximumf %max3A_315, %squeeze3A_314 : f32
      %min3A_317 = arith.constant 3.000000e+38 : f32
      %min3A_318 = arith.minimumf %min3A_317, %squeeze3A_314 : f32
      %max3A_319 = arith.constant 3.000000e+38 : f32
      %max3A_320 = arith.maximumf %max3A_319, %max3A_316 : f32
      %min3A_321 = arith.constant 3.000000e+38 : f32
      %min3A_322 = arith.minimumf %min3A_321, %max3A_316 : f32
      %min3A_323 = arith.constant 3.000000e+38 : f32
      %min3A_324 = arith.minimumf %min3A_323, %max3A_320 : f32
      %slice3A_325 = vector.extract_strided_slice %get3A_82 {offsets = [1], sizes = [1], strides = [1]} : vector<16xf32> to vector<1xf32>
      %squeeze3A_326 = vector.extract %slice3A_325[0] : f32 from vector<1xf32>
      %max3A_327 = arith.maximumf %min3A_318, %squeeze3A_326 : f32
      %min3A_328 = arith.minimumf %min3A_318, %squeeze3A_326 : f32
      %max3A_329 = arith.maximumf %min3A_322, %max3A_327 : f32
      %min3A_330 = arith.minimumf %min3A_322, %max3A_327 : f32
      %min3A_331 = arith.minimumf %min3A_324, %max3A_329 : f32
      %slice3A_332 = vector.extract_strided_slice %get3A_82 {offsets = [2], sizes = [1], strides = [1]} : vector<16xf32> to vector<1xf32>
      %squeeze3A_333 = vector.extract %slice3A_332[0] : f32 from vector<1xf32>
      %max3A_334 = arith.maximumf %min3A_328, %squeeze3A_333 : f32
      %min3A_335 = arith.minimumf %min3A_328, %squeeze3A_333 : f32
      %max3A_336 = arith.maximumf %min3A_330, %max3A_334 : f32
      %min3A_337 = arith.minimumf %min3A_330, %max3A_334 : f32
      %min3A_338 = arith.minimumf %min3A_331, %max3A_336 : f32
      %slice3A_339 = vector.extract_strided_slice %get3A_82 {offsets = [3], sizes = [1], strides = [1]} : vector<16xf32> to vector<1xf32>
      %squeeze3A_340 = vector.extract %slice3A_339[0] : f32 from vector<1xf32>
      %max3A_341 = arith.maximumf %min3A_335, %squeeze3A_340 : f32
      %min3A_342 = arith.minimumf %min3A_335, %squeeze3A_340 : f32
      %max3A_343 = arith.maximumf %min3A_337, %max3A_341 : f32
      %min3A_344 = arith.minimumf %min3A_337, %max3A_341 : f32
      %min3A_345 = arith.minimumf %min3A_338, %max3A_343 : f32
      %slice3A_346 = vector.extract_strided_slice %get3A_82 {offsets = [4], sizes = [1], strides = [1]} : vector<16xf32> to vector<1xf32>
      %squeeze3A_347 = vector.extract %slice3A_346[0] : f32 from vector<1xf32>
      %max3A_348 = arith.maximumf %min3A_342, %squeeze3A_347 : f32
      %min3A_349 = arith.minimumf %min3A_342, %squeeze3A_347 : f32
      %max3A_350 = arith.maximumf %min3A_344, %max3A_348 : f32
      %min3A_351 = arith.minimumf %min3A_344, %max3A_348 : f32
      %min3A_352 = arith.minimumf %min3A_345, %max3A_350 : f32
      %slice3A_353 = vector.extract_strided_slice %get3A_82 {offsets = [5], sizes = [1], strides = [1]} : vector<16xf32> to vector<1xf32>
      %squeeze3A_354 = vector.extract %slice3A_353[0] : f32 from vector<1xf32>
      %max3A_355 = arith.maximumf %min3A_349, %squeeze3A_354 : f32
      %min3A_356 = arith.minimumf %min3A_349, %squeeze3A_354 : f32
      %max3A_357 = arith.maximumf %min3A_351, %max3A_355 : f32
      %min3A_358 = arith.minimumf %min3A_351, %max3A_355 : f32
      %min3A_359 = arith.minimumf %min3A_352, %max3A_357 : f32
      %slice3A_360 = vector.extract_strided_slice %get3A_82 {offsets = [6], sizes = [1], strides = [1]} : vector<16xf32> to vector<1xf32>
      %squeeze3A_361 = vector.extract %slice3A_360[0] : f32 from vector<1xf32>
      %max3A_362 = arith.maximumf %min3A_356, %squeeze3A_361 : f32
      %min3A_363 = arith.minimumf %min3A_356, %squeeze3A_361 : f32
      %max3A_364 = arith.maximumf %min3A_358, %max3A_362 : f32
      %min3A_365 = arith.minimumf %min3A_358, %max3A_362 : f32
      %min3A_366 = arith.minimumf %min3A_359, %max3A_364 : f32
      %slice3A_367 = vector.extract_strided_slice %get3A_82 {offsets = [7], sizes = [1], strides = [1]} : vector<16xf32> to vector<1xf32>
      %squeeze3A_368 = vector.extract %slice3A_367[0] : f32 from vector<1xf32>
      %max3A_369 = arith.maximumf %min3A_363, %squeeze3A_368 : f32
      %min3A_370 = arith.minimumf %min3A_363, %squeeze3A_368 : f32
      %max3A_371 = arith.maximumf %min3A_365, %max3A_369 : f32
      %min3A_372 = arith.minimumf %min3A_365, %max3A_369 : f32
      %min3A_373 = arith.minimumf %min3A_366, %max3A_371 : f32
      %slice3A_374 = vector.extract_strided_slice %get3A_82 {offsets = [8], sizes = [1], strides = [1]} : vector<16xf32> to vector<1xf32>
      %squeeze3A_375 = vector.extract %slice3A_374[0] : f32 from vector<1xf32>
      %max3A_376 = arith.maximumf %min3A_370, %squeeze3A_375 : f32
      %min3A_377 = arith.minimumf %min3A_370, %squeeze3A_375 : f32
      %max3A_378 = arith.maximumf %min3A_372, %max3A_376 : f32
      %min3A_379 = arith.minimumf %min3A_372, %max3A_376 : f32
      %min3A_380 = arith.minimumf %min3A_373, %max3A_378 : f32
      %slice3A_381 = vector.extract_strided_slice %get3A_82 {offsets = [9], sizes = [1], strides = [1]} : vector<16xf32> to vector<1xf32>
      %squeeze3A_382 = vector.extract %slice3A_381[0] : f32 from vector<1xf32>
      %max3A_383 = arith.maximumf %min3A_377, %squeeze3A_382 : f32
      %min3A_384 = arith.minimumf %min3A_377, %squeeze3A_382 : f32
      %max3A_385 = arith.maximumf %min3A_379, %max3A_383 : f32
      %min3A_386 = arith.minimumf %min3A_379, %max3A_383 : f32
      %min3A_387 = arith.minimumf %min3A_380, %max3A_385 : f32
      %slice3A_388 = vector.extract_strided_slice %get3A_82 {offsets = [10], sizes = [1], strides = [1]} : vector<16xf32> to vector<1xf32>
      %squeeze3A_389 = vector.extract %slice3A_388[0] : f32 from vector<1xf32>
      %max3A_390 = arith.maximumf %min3A_384, %squeeze3A_389 : f32
      %min3A_391 = arith.minimumf %min3A_384, %squeeze3A_389 : f32
      %max3A_392 = arith.maximumf %min3A_386, %max3A_390 : f32
      %min3A_393 = arith.minimumf %min3A_386, %max3A_390 : f32
      %min3A_394 = arith.minimumf %min3A_387, %max3A_392 : f32
      %slice3A_395 = vector.extract_strided_slice %get3A_82 {offsets = [11], sizes = [1], strides = [1]} : vector<16xf32> to vector<1xf32>
      %squeeze3A_396 = vector.extract %slice3A_395[0] : f32 from vector<1xf32>
      %max3A_397 = arith.maximumf %min3A_391, %squeeze3A_396 : f32
      %min3A_398 = arith.minimumf %min3A_391, %squeeze3A_396 : f32
      %max3A_399 = arith.maximumf %min3A_393, %max3A_397 : f32
      %min3A_400 = arith.minimumf %min3A_393, %max3A_397 : f32
      %min3A_401 = arith.minimumf %min3A_394, %max3A_399 : f32
      %slice3A_402 = vector.extract_strided_slice %get3A_82 {offsets = [12], sizes = [1], strides = [1]} : vector<16xf32> to vector<1xf32>
      %squeeze3A_403 = vector.extract %slice3A_402[0] : f32 from vector<1xf32>
      %max3A_404 = arith.maximumf %min3A_398, %squeeze3A_403 : f32
      %min3A_405 = arith.minimumf %min3A_398, %squeeze3A_403 : f32
      %max3A_406 = arith.maximumf %min3A_400, %max3A_404 : f32
      %min3A_407 = arith.minimumf %min3A_400, %max3A_404 : f32
      %min3A_408 = arith.minimumf %min3A_401, %max3A_406 : f32
      %slice3A_409 = vector.extract_strided_slice %get3A_82 {offsets = [13], sizes = [1], strides = [1]} : vector<16xf32> to vector<1xf32>
      %squeeze3A_410 = vector.extract %slice3A_409[0] : f32 from vector<1xf32>
      %max3A_411 = arith.maximumf %min3A_405, %squeeze3A_410 : f32
      %min3A_412 = arith.minimumf %min3A_405, %squeeze3A_410 : f32
      %max3A_413 = arith.maximumf %min3A_407, %max3A_411 : f32
      %min3A_414 = arith.minimumf %min3A_407, %max3A_411 : f32
      %min3A_415 = arith.minimumf %min3A_408, %max3A_413 : f32
      %slice3A_416 = vector.extract_strided_slice %get3A_82 {offsets = [14], sizes = [1], strides = [1]} : vector<16xf32> to vector<1xf32>
      %squeeze3A_417 = vector.extract %slice3A_416[0] : f32 from vector<1xf32>
      %max3A_418 = arith.maximumf %min3A_412, %squeeze3A_417 : f32
      %min3A_419 = arith.minimumf %min3A_412, %squeeze3A_417 : f32
      %max3A_420 = arith.maximumf %min3A_414, %max3A_418 : f32
      %min3A_421 = arith.minimumf %min3A_414, %max3A_418 : f32
      %min3A_422 = arith.minimumf %min3A_415, %max3A_420 : f32
      %slice3A_423 = vector.extract_strided_slice %get3A_82 {offsets = [15], sizes = [1], strides = [1]} : vector<16xf32> to vector<1xf32>
      %squeeze3A_424 = vector.extract %slice3A_423[0] : f32 from vector<1xf32>
      %max3A_425 = arith.maximumf %min3A_419, %squeeze3A_424 : f32
      %min3A_426 = arith.minimumf %min3A_419, %squeeze3A_424 : f32
      %max3A_427 = arith.maximumf %min3A_421, %max3A_425 : f32
      %min3A_428 = arith.minimumf %min3A_421, %max3A_425 : f32
      %min3A_429 = arith.minimumf %min3A_422, %max3A_427 : f32
      %max3A_430 = arith.maximumf %min3A_192, %min3A_309 : f32
      %min3A_431 = arith.minimumf %min3A_192, %min3A_309 : f32
      %max3A_432 = arith.maximumf %min3A_194, %max3A_430 : f32
      %min3A_433 = arith.minimumf %min3A_194, %max3A_430 : f32
      %min3A_434 = arith.minimumf %min3A_195, %max3A_432 : f32
      %max3A_435 = arith.maximumf %min3A_431, %min3A_311 : f32
      %min3A_436 = arith.minimumf %min3A_431, %min3A_311 : f32
      %max3A_437 = arith.maximumf %min3A_433, %max3A_435 : f32
      %min3A_438 = arith.minimumf %min3A_433, %max3A_435 : f32
      %min3A_439 = arith.minimumf %min3A_434, %max3A_437 : f32
      %max3A_440 = arith.maximumf %min3A_436, %min3A_312 : f32
      %min3A_441 = arith.minimumf %min3A_436, %min3A_312 : f32
      %max3A_442 = arith.maximumf %min3A_438, %max3A_440 : f32
      %min3A_443 = arith.minimumf %min3A_438, %max3A_440 : f32
      %min3A_444 = arith.minimumf %min3A_439, %max3A_442 : f32
      %max3A_445 = arith.maximumf %min3A_441, %min3A_426 : f32
      %min3A_446 = arith.minimumf %min3A_441, %min3A_426 : f32
      %max3A_447 = arith.maximumf %min3A_443, %max3A_445 : f32
      %min3A_448 = arith.minimumf %min3A_443, %max3A_445 : f32
      %min3A_449 = arith.minimumf %min3A_444, %max3A_447 : f32
      %max3A_450 = arith.maximumf %min3A_446, %min3A_428 : f32
      %min3A_451 = arith.minimumf %min3A_446, %min3A_428 : f32
      %max3A_452 = arith.maximumf %min3A_448, %max3A_450 : f32
      %min3A_453 = arith.minimumf %min3A_448, %max3A_450 : f32
      %min3A_454 = arith.minimumf %min3A_449, %max3A_452 : f32
      %max3A_455 = arith.maximumf %min3A_451, %min3A_429 : f32
      %min3A_456 = arith.minimumf %min3A_451, %min3A_429 : f32
      %max3A_457 = arith.maximumf %min3A_453, %max3A_455 : f32
      %min3A_458 = arith.minimumf %min3A_453, %max3A_455 : f32
      %min3A_459 = arith.minimumf %min3A_454, %max3A_457 : f32
      %add3A_460 = arith.addf %min3A_456, %min3A_458 : f32
      %add3A_461 = arith.addf %add3A_460, %min3A_459 : f32
      %add3A_462 = arith.addf %scan3A_68, %add3A_461 : f32
      scf.yield %add3A_462 : f32
    }
    %scan3A_56 = arith.constant 176 : i32
    "tpu.region"() ({
      %run_scoped3A = tpu.sem_alloc : memref<!tpu.dma_semaphore, #tpu.memory_space<semaphore_mem>>
      %dma_start3A = arith.constant 0 : i32
      %dma_start3A_67 = tpu.memref_slice %arg8[%add3A, %dma_start3A] : memref<32x4096xf32, #tpu.memory_space<hbm>> -> memref<1x4096xf32, #tpu.memory_space<hbm>>
      %dma_start3A_68 = tpu.memref_squeeze %dma_start3A_67 : memref<1x4096xf32, #tpu.memory_space<hbm>> -> memref<4096xf32, #tpu.memory_space<hbm>>
      %dma_start3A_69 = arith.constant 0 : i32
      %dma_start3A_70 = tpu.memref_slice %arg8[%add3A, %dma_start3A_69] : memref<32x4096xf32, #tpu.memory_space<hbm>> -> memref<1x4096xf32, #tpu.memory_space<hbm>>
      %dma_start3A_71 = tpu.memref_squeeze %dma_start3A_70 : memref<1x4096xf32, #tpu.memory_space<hbm>> -> memref<4096xf32, #tpu.memory_space<hbm>>
      tpu.enqueue_dma source(%arg17 : memref<4096xf32, #tpu.memory_space<vmem>>) target(%dma_start3A_71 : memref<4096xf32, #tpu.memory_space<hbm>>) target_semaphore(%run_scoped3A : memref<!tpu.dma_semaphore, #tpu.memory_space<semaphore_mem>>)
      %dma_wait3A = arith.constant 0 : i32
      %dma_wait3A_72 = tpu.memref_slice %arg8[%add3A, %dma_wait3A] : memref<32x4096xf32, #tpu.memory_space<hbm>> -> memref<1x4096xf32, #tpu.memory_space<hbm>>
      %dma_wait3A_73 = tpu.memref_squeeze %dma_wait3A_72 : memref<1x4096xf32, #tpu.memory_space<hbm>> -> memref<4096xf32, #tpu.memory_space<hbm>>
      %dma_wait3A_74 = arith.constant 0 : i32
      %dma_wait3A_75 = tpu.memref_slice %arg8[%add3A, %dma_wait3A_74] : memref<32x4096xf32, #tpu.memory_space<hbm>> -> memref<1x4096xf32, #tpu.memory_space<hbm>>
      %dma_wait3A_76 = tpu.memref_squeeze %dma_wait3A_75 : memref<1x4096xf32, #tpu.memory_space<hbm>> -> memref<4096xf32, #tpu.memory_space<hbm>>
      tpu.wait_dma2 semaphore(%run_scoped3A : memref<!tpu.dma_semaphore, #tpu.memory_space<semaphore_mem>>) src(%arg17 : memref<4096xf32, #tpu.memory_space<vmem>>) dst(%dma_wait3A_76 : memref<4096xf32, #tpu.memory_space<hbm>>)
      tpu.yield
    }) : () -> ()
    %iota3A = tpu.iota {dimensions = array<i32: 0>} : vector<16xi32>
    %eq3A_57 = arith.constant 0 : i32
    %eq3A_58 = vector.broadcast %eq3A_57 : i32 to vector<16xi32>
    %eq3A_59 = arith.cmpi eq, %iota3A, %eq3A_58 : vector<16xi32>
    %jit3A_60 = arith.constant 0.000000e+00 : f32
    %broadcast_in_dim3A_61 = vector.broadcast %scan3A_55 : f32 to vector<16xf32>
    %broadcast_in_dim3A_62 = vector.broadcast %jit3A_60 : f32 to vector<16xf32>
    %select_n3A_63 = arith.select %eq3A_59, %broadcast_in_dim3A_61, %broadcast_in_dim3A_62 : vector<16xi1>, vector<16xf32>
    %swap3A = arith.constant 0 : index
    %swap3A_64 = tpu.vector_load %arg21[%swap3A] {strides = array<i32>} : memref<16xf32, #tpu.memory_space<vmem>>, vector<16xf32>,
    %swap3A_65 = vector.shape_cast %swap3A_64 : vector<16xf32> to vector<16xf32>
    %swap3A_66 = vector.shape_cast %select_n3A_63 : vector<16xf32> to vector<16xf32>
    tpu.vector_store %arg21[%swap3A], %swap3A_66 {strides = array<i32>} : memref<16xf32, #tpu.memory_space<vmem>>, vector<16xf32>,
    "tpu.region"() ({
      %run_scoped3A = tpu.sem_alloc : memref<!tpu.dma_semaphore, #tpu.memory_space<semaphore_mem>>
      %dma_start3A = arith.constant 0 : i32
      %dma_start3A_67 = tpu.memref_slice %arg9[%add3A, %dma_start3A] : memref<32x16xf32, #tpu.memory_space<hbm>> -> memref<1x16xf32, #tpu.memory_space<hbm>>
      %dma_start3A_68 = tpu.memref_squeeze %dma_start3A_67 : memref<1x16xf32, #tpu.memory_space<hbm>> -> memref<16xf32, #tpu.memory_space<hbm>>
      %dma_start3A_69 = arith.constant 0 : i32
      %dma_start3A_70 = tpu.memref_slice %arg9[%add3A, %dma_start3A_69] : memref<32x16xf32, #tpu.memory_space<hbm>> -> memref<1x16xf32, #tpu.memory_space<hbm>>
      %dma_start3A_71 = tpu.memref_squeeze %dma_start3A_70 : memref<1x16xf32, #tpu.memory_space<hbm>> -> memref<16xf32, #tpu.memory_space<hbm>>
      tpu.enqueue_dma source(%arg21 : memref<16xf32, #tpu.memory_space<vmem>>) target(%dma_start3A_71 : memref<16xf32, #tpu.memory_space<hbm>>) target_semaphore(%run_scoped3A : memref<!tpu.dma_semaphore, #tpu.memory_space<semaphore_mem>>)
      %dma_wait3A = arith.constant 0 : i32
      %dma_wait3A_72 = tpu.memref_slice %arg9[%add3A, %dma_wait3A] : memref<32x16xf32, #tpu.memory_space<hbm>> -> memref<1x16xf32, #tpu.memory_space<hbm>>
      %dma_wait3A_73 = tpu.memref_squeeze %dma_wait3A_72 : memref<1x16xf32, #tpu.memory_space<hbm>> -> memref<16xf32, #tpu.memory_space<hbm>>
      %dma_wait3A_74 = arith.constant 0 : i32
      %dma_wait3A_75 = tpu.memref_slice %arg9[%add3A, %dma_wait3A_74] : memref<32x16xf32, #tpu.memory_space<hbm>> -> memref<1x16xf32, #tpu.memory_space<hbm>>
      %dma_wait3A_76 = tpu.memref_squeeze %dma_wait3A_75 : memref<1x16xf32, #tpu.memory_space<hbm>> -> memref<16xf32, #tpu.memory_space<hbm>>
      tpu.wait_dma2 semaphore(%run_scoped3A : memref<!tpu.dma_semaphore, #tpu.memory_space<semaphore_mem>>) src(%arg21 : memref<16xf32, #tpu.memory_space<vmem>>) dst(%dma_wait3A_76 : memref<16xf32, #tpu.memory_space<hbm>>)
      tpu.yield
    }) : () -> ()
    return
  }
}

module attributes {stable_mosaic.version = 14 : i64} {
  func.func @_prep_kernel(%arg0: memref<32x8xf32, #tpu.memory_space<vmem>>, %arg1: memref<32x8xf32, #tpu.memory_space<vmem>>, %arg2: memref<32x8xf32, #tpu.memory_space<vmem>>, %arg3: memref<32x8xf32, #tpu.memory_space<vmem>>, %arg4: memref<32x8xf32, #tpu.memory_space<vmem>>, %arg5: memref<32x8xf32, #tpu.memory_space<vmem>>, %arg6: memref<32x8xf32, #tpu.memory_space<vmem>>, %arg7: memref<32x8xf32, #tpu.memory_space<vmem>>, %arg8: memref<24x2562xf32, #tpu.memory_space<vmem>>, %arg9: memref<24x2562xf32, #tpu.memory_space<vmem>>, %arg10: memref<32x512xf32, #tpu.memory_space<vmem>>, %arg11: memref<32x512xf32, #tpu.memory_space<vmem>>, %arg12: memref<32x512xf32, #tpu.memory_space<vmem>>, %arg13: memref<32x512xf32, #tpu.memory_space<vmem>>, %arg14: memref<1x128xf32, #tpu.memory_space<vmem>>) attributes {dimension_semantics = [], scalar_prefetch = 0 : i64, scratch_operands = 0 : i64, tpu.core_type = #tpu.core_type<tc>} {
    %get3A = arith.constant 0 : index
    %get3A_0 = arith.constant 0 : index
    %get3A_1 = vector.load %arg0[%get3A, %get3A_0] : memref<32x8xf32, #tpu.memory_space<vmem>>, vector<32x8xf32>
    %get3A_2 = arith.constant 0 : index
    %get3A_3 = arith.constant 0 : index
    %get3A_4 = vector.load %arg1[%get3A_2, %get3A_3] : memref<32x8xf32, #tpu.memory_space<vmem>>, vector<32x8xf32>
    %get3A_5 = arith.constant 0 : index
    %get3A_6 = arith.constant 0 : index
    %get3A_7 = vector.load %arg2[%get3A_5, %get3A_6] : memref<32x8xf32, #tpu.memory_space<vmem>>, vector<32x8xf32>
    %cos3A = math.cos %get3A_1 : vector<32x8xf32>
    %sin3A = math.sin %get3A_1 : vector<32x8xf32>
    %cos3A_8 = math.cos %get3A_4 : vector<32x8xf32>
    %sin3A_9 = math.sin %get3A_4 : vector<32x8xf32>
    %cos3A_10 = math.cos %get3A_7 : vector<32x8xf32>
    %sin3A_11 = math.sin %get3A_7 : vector<32x8xf32>
    %mul3A = arith.mulf %cos3A_8, %cos3A_10 : vector<32x8xf32>
    %neg3A = arith.constant 0.000000e+00 : f32
    %neg3A_12 = vector.broadcast %neg3A : f32 to vector<32x8xf32>
    %neg3A_13 = arith.subf %neg3A_12, %cos3A_8 : vector<32x8xf32>
    %mul3A_14 = arith.mulf %neg3A_13, %sin3A_11 : vector<32x8xf32>
    %mul3A_15 = arith.mulf %sin3A, %sin3A_9 : vector<32x8xf32>
    %mul3A_16 = arith.mulf %mul3A_15, %cos3A_10 : vector<32x8xf32>
    %mul3A_17 = arith.mulf %cos3A, %sin3A_11 : vector<32x8xf32>
    %add3A = arith.addf %mul3A_16, %mul3A_17 : vector<32x8xf32>
    %neg3A_18 = arith.constant 0.000000e+00 : f32
    %neg3A_19 = vector.broadcast %neg3A_18 : f32 to vector<32x8xf32>
    %neg3A_20 = arith.subf %neg3A_19, %sin3A : vector<32x8xf32>
    %mul3A_21 = arith.mulf %neg3A_20, %sin3A_9 : vector<32x8xf32>
    %mul3A_22 = arith.mulf %mul3A_21, %sin3A_11 : vector<32x8xf32>
    %mul3A_23 = arith.mulf %cos3A, %cos3A_10 : vector<32x8xf32>
    %add3A_24 = arith.addf %mul3A_22, %mul3A_23 : vector<32x8xf32>
    %neg3A_25 = arith.constant 0.000000e+00 : f32
    %neg3A_26 = vector.broadcast %neg3A_25 : f32 to vector<32x8xf32>
    %neg3A_27 = arith.subf %neg3A_26, %sin3A : vector<32x8xf32>
    %mul3A_28 = arith.mulf %neg3A_27, %cos3A_8 : vector<32x8xf32>
    %neg3A_29 = arith.constant 0.000000e+00 : f32
    %neg3A_30 = vector.broadcast %neg3A_29 : f32 to vector<32x8xf32>
    %neg3A_31 = arith.subf %neg3A_30, %cos3A : vector<32x8xf32>
    %mul3A_32 = arith.mulf %neg3A_31, %sin3A_9 : vector<32x8xf32>
    %mul3A_33 = arith.mulf %mul3A_32, %cos3A_10 : vector<32x8xf32>
    %mul3A_34 = arith.mulf %sin3A, %sin3A_11 : vector<32x8xf32>
    %add3A_35 = arith.addf %mul3A_33, %mul3A_34 : vector<32x8xf32>
    %mul3A_36 = arith.mulf %cos3A, %sin3A_9 : vector<32x8xf32>
    %mul3A_37 = arith.mulf %mul3A_36, %sin3A_11 : vector<32x8xf32>
    %mul3A_38 = arith.mulf %sin3A, %cos3A_10 : vector<32x8xf32>
    %add3A_39 = arith.addf %mul3A_37, %mul3A_38 : vector<32x8xf32>
    %mul3A_40 = arith.mulf %cos3A, %cos3A_8 : vector<32x8xf32>
    %get3A_41 = arith.constant 0 : index
    %get3A_42 = arith.constant 0 : index
    %get3A_43 = vector.load %arg6[%get3A_41, %get3A_42] : memref<32x8xf32, #tpu.memory_space<vmem>>, vector<32x8xf32>
    %get3A_44 = arith.constant 0 : index
    %get3A_45 = arith.constant 0 : index
    %get3A_46 = vector.load %arg7[%get3A_44, %get3A_45] : memref<32x8xf32, #tpu.memory_space<vmem>>, vector<32x8xf32>
    %mul3A_47 = arith.mulf %get3A_43, %get3A_46 : vector<32x8xf32>
    %get3A_48 = arith.constant 0 : index
    %get3A_49 = arith.constant 0 : index
    %get3A_50 = vector.load %arg3[%get3A_48, %get3A_49] : memref<32x8xf32, #tpu.memory_space<vmem>>, vector<32x8xf32>
    %mul3A_51 = arith.mulf %get3A_43, %get3A_50 : vector<32x8xf32>
    %reduce_sum3A = arith.constant dense<0.000000e+00> : vector<32xf32>
    %reduce_sum3A_52 = vector.multi_reduction <add>, %mul3A_51, %reduce_sum3A [1] : vector<32x8xf32> to vector<32xf32>
    %broadcast_in_dim3A = vector.shape_cast %reduce_sum3A_52 : vector<32xf32> to vector<32x1xf32>
    %get3A_53 = arith.constant 0 : index
    %get3A_54 = arith.constant 0 : index
    %get3A_55 = vector.load %arg4[%get3A_53, %get3A_54] : memref<32x8xf32, #tpu.memory_space<vmem>>, vector<32x8xf32>
    %mul3A_56 = arith.mulf %get3A_43, %get3A_55 : vector<32x8xf32>
    %reduce_sum3A_57 = arith.constant dense<0.000000e+00> : vector<32xf32>
    %reduce_sum3A_58 = vector.multi_reduction <add>, %mul3A_56, %reduce_sum3A_57 [1] : vector<32x8xf32> to vector<32xf32>
    %broadcast_in_dim3A_59 = vector.shape_cast %reduce_sum3A_58 : vector<32xf32> to vector<32x1xf32>
    %get3A_60 = arith.constant 0 : index
    %get3A_61 = arith.constant 0 : index
    %get3A_62 = vector.load %arg5[%get3A_60, %get3A_61] : memref<32x8xf32, #tpu.memory_space<vmem>>, vector<32x8xf32>
    %mul3A_63 = arith.mulf %get3A_43, %get3A_62 : vector<32x8xf32>
    %reduce_sum3A_64 = arith.constant dense<0.000000e+00> : vector<32xf32>
    %reduce_sum3A_65 = vector.multi_reduction <add>, %mul3A_63, %reduce_sum3A_64 [1] : vector<32x8xf32> to vector<32xf32>
    %broadcast_in_dim3A_66 = vector.shape_cast %reduce_sum3A_65 : vector<32xf32> to vector<32x1xf32>
    %mul3A_67 = arith.mulf %mul3A_47, %mul3A : vector<32x8xf32>
    %mul3A_68 = arith.mulf %mul3A_47, %mul3A_14 : vector<32x8xf32>
    %mul3A_69 = arith.mulf %mul3A_47, %sin3A_9 : vector<32x8xf32>
    %concatenate3A = tpu.concatenate %mul3A_67, %mul3A_68, %mul3A_69 in 1 : vector<32x8xf32>, vector<32x8xf32>, vector<32x8xf32> -> vector<32x24xf32>
    %mul3A_70 = arith.mulf %mul3A_47, %add3A : vector<32x8xf32>
    %mul3A_71 = arith.mulf %mul3A_47, %add3A_24 : vector<32x8xf32>
    %mul3A_72 = arith.mulf %mul3A_47, %mul3A_28 : vector<32x8xf32>
    %concatenate3A_73 = tpu.concatenate %mul3A_70, %mul3A_71, %mul3A_72 in 1 : vector<32x8xf32>, vector<32x8xf32>, vector<32x8xf32> -> vector<32x24xf32>
    %mul3A_74 = arith.mulf %mul3A_47, %add3A_35 : vector<32x8xf32>
    %mul3A_75 = arith.mulf %mul3A_47, %add3A_39 : vector<32x8xf32>
    %mul3A_76 = arith.mulf %mul3A_47, %mul3A_40 : vector<32x8xf32>
    %concatenate3A_77 = tpu.concatenate %mul3A_74, %mul3A_75, %mul3A_76 in 1 : vector<32x8xf32>, vector<32x8xf32>, vector<32x8xf32> -> vector<32x24xf32>
    %get3A_78 = arith.constant 0 : index
    %get3A_79 = arith.constant 0 : index
    %get3A_80 = vector.load %arg8[%get3A_78, %get3A_79] : memref<24x2562xf32, #tpu.memory_space<vmem>>, vector<24x2562xf32>
    %get3A_81 = arith.constant 0 : index
    %get3A_82 = arith.constant 0 : index
    %get3A_83 = vector.load %arg9[%get3A_81, %get3A_82] : memref<24x2562xf32, #tpu.memory_space<vmem>>, vector<24x2562xf32>
    %add3A_84 = arith.addf %get3A_80, %get3A_83 : vector<24x2562xf32>
    %reduce_sum3A_85 = arith.constant dense<0.000000e+00> : vector<24xf32>
    %reduce_sum3A_86 = vector.multi_reduction <add>, %add3A_84, %reduce_sum3A_85 [1] : vector<24x2562xf32> to vector<24xf32>
    %broadcast_in_dim3A_87 = vector.shape_cast %reduce_sum3A_86 : vector<24xf32> to vector<24x1xf32>
    %div3A = arith.constant 2.562000e+03 : f32
    %div3A_88 = vector.broadcast %div3A : f32 to vector<24x1xf32>
    %div3A_89 = arith.divf %broadcast_in_dim3A_87, %div3A_88 : vector<24x1xf32>
    %slice3A = vector.extract_strided_slice %add3A_84 {offsets = [0, 0], sizes = [24, 512], strides = [1, 1]} : vector<24x2562xf32> to vector<24x512xf32>
    %dot_general3A = arith.constant dense<0.000000e+00> : vector<32x512xf32>
    %dot_general3A_90 = tpu.matmul %concatenate3A, %slice3A, %dot_general3A {dimension_numbers = #tpu.dot_dimension_numbers<[1], [0], [0], [1], [0, 0, 1, 1], [], []>, transpose_lhs_hint = false} : vector<32x24xf32>, vector<24x512xf32>, vector<32x512xf32> -> vector<32x512xf32>
    %add3A_91 = vector.broadcast %broadcast_in_dim3A : vector<32x1xf32> to vector<32x512xf32>
    %add3A_92 = arith.addf %dot_general3A_90, %add3A_91 : vector<32x512xf32>
    %dot_general3A_93 = arith.constant dense<0.000000e+00> : vector<32x512xf32>
    %dot_general3A_94 = tpu.matmul %concatenate3A_73, %slice3A, %dot_general3A_93 {dimension_numbers = #tpu.dot_dimension_numbers<[1], [0], [0], [1], [0, 0, 1, 1], [], []>, transpose_lhs_hint = false} : vector<32x24xf32>, vector<24x512xf32>, vector<32x512xf32> -> vector<32x512xf32>
    %add3A_95 = vector.broadcast %broadcast_in_dim3A_59 : vector<32x1xf32> to vector<32x512xf32>
    %add3A_96 = arith.addf %dot_general3A_94, %add3A_95 : vector<32x512xf32>
    %dot_general3A_97 = arith.constant dense<0.000000e+00> : vector<32x512xf32>
    %dot_general3A_98 = tpu.matmul %concatenate3A_77, %slice3A, %dot_general3A_97 {dimension_numbers = #tpu.dot_dimension_numbers<[1], [0], [0], [1], [0, 0, 1, 1], [], []>, transpose_lhs_hint = false} : vector<32x24xf32>, vector<24x512xf32>, vector<32x512xf32> -> vector<32x512xf32>
    %add3A_99 = vector.broadcast %broadcast_in_dim3A_66 : vector<32x1xf32> to vector<32x512xf32>
    %add3A_100 = arith.addf %dot_general3A_98, %add3A_99 : vector<32x512xf32>
    %iota3A = tpu.iota {dimensions = array<i32: 1>} : vector<32x512xi32>
    %ge3A = arith.constant 500 : i32
    %ge3A_101 = vector.broadcast %ge3A : i32 to vector<32x512xi32>
    %ge3A_102 = arith.cmpi sge, %iota3A, %ge3A_101 : vector<32x512xi32>
    %jit3A = arith.constant 3.000000e+04 : f32
    %broadcast_in_dim3A_103 = vector.broadcast %jit3A : f32 to vector<32x512xf32>
    %select_n3A = arith.select %ge3A_102, %broadcast_in_dim3A_103, %add3A_92 : vector<32x512xi1>, vector<32x512xf32>
    %jit3A_104 = arith.constant 3.000000e+04 : f32
    %broadcast_in_dim3A_105 = vector.broadcast %jit3A_104 : f32 to vector<32x512xf32>
    %select_n3A_106 = arith.select %ge3A_102, %broadcast_in_dim3A_105, %add3A_96 : vector<32x512xi1>, vector<32x512xf32>
    %jit3A_107 = arith.constant 3.000000e+04 : f32
    %broadcast_in_dim3A_108 = vector.broadcast %jit3A_107 : f32 to vector<32x512xf32>
    %select_n3A_109 = arith.select %ge3A_102, %broadcast_in_dim3A_108, %add3A_100 : vector<32x512xi1>, vector<32x512xf32>
    %swap3A = arith.constant 0 : index
    %swap3A_110 = arith.constant 0 : index
    %swap3A_111 = vector.load %arg10[%swap3A, %swap3A_110] : memref<32x512xf32, #tpu.memory_space<vmem>>, vector<32x512xf32>
    tpu.vector_store %arg10[%swap3A, %swap3A_110], %select_n3A {strides = array<i32>} : memref<32x512xf32, #tpu.memory_space<vmem>>, vector<32x512xf32>,
    %swap3A_112 = arith.constant 0 : index
    %swap3A_113 = arith.constant 0 : index
    %swap3A_114 = vector.load %arg11[%swap3A_112, %swap3A_113] : memref<32x512xf32, #tpu.memory_space<vmem>>, vector<32x512xf32>
    tpu.vector_store %arg11[%swap3A_112, %swap3A_113], %select_n3A_106 {strides = array<i32>} : memref<32x512xf32, #tpu.memory_space<vmem>>, vector<32x512xf32>,
    %swap3A_115 = arith.constant 0 : index
    %swap3A_116 = arith.constant 0 : index
    %swap3A_117 = vector.load %arg12[%swap3A_115, %swap3A_116] : memref<32x512xf32, #tpu.memory_space<vmem>>, vector<32x512xf32>
    tpu.vector_store %arg12[%swap3A_115, %swap3A_116], %select_n3A_109 {strides = array<i32>} : memref<32x512xf32, #tpu.memory_space<vmem>>, vector<32x512xf32>,
    %mul3A_118 = arith.mulf %select_n3A, %select_n3A : vector<32x512xf32>
    %mul3A_119 = arith.mulf %select_n3A_106, %select_n3A_106 : vector<32x512xf32>
    %add3A_120 = arith.addf %mul3A_118, %mul3A_119 : vector<32x512xf32>
    %mul3A_121 = arith.mulf %select_n3A_109, %select_n3A_109 : vector<32x512xf32>
    %add3A_122 = arith.addf %add3A_120, %mul3A_121 : vector<32x512xf32>
    %swap3A_123 = arith.constant 0 : index
    %swap3A_124 = arith.constant 0 : index
    %swap3A_125 = vector.load %arg13[%swap3A_123, %swap3A_124] : memref<32x512xf32, #tpu.memory_space<vmem>>, vector<32x512xf32>
    tpu.vector_store %arg13[%swap3A_123, %swap3A_124], %add3A_122 {strides = array<i32>} : memref<32x512xf32, #tpu.memory_space<vmem>>, vector<32x512xf32>,
    %dot_general3A_126 = arith.constant dense<0.000000e+00> : vector<32x1xf32>
    %dot_general3A_127 = tpu.matmul %concatenate3A, %div3A_89, %dot_general3A_126 {dimension_numbers = #tpu.dot_dimension_numbers<[1], [0], [0], [1], [0, 0, 1, 1], [], []>, transpose_lhs_hint = false} : vector<32x24xf32>, vector<24x1xf32>, vector<32x1xf32> -> vector<32x1xf32>
    %add3A_128 = arith.addf %dot_general3A_127, %broadcast_in_dim3A : vector<32x1xf32>
    %dot_general3A_129 = arith.constant dense<0.000000e+00> : vector<32x1xf32>
    %dot_general3A_130 = tpu.matmul %concatenate3A_73, %div3A_89, %dot_general3A_129 {dimension_numbers = #tpu.dot_dimension_numbers<[1], [0], [0], [1], [0, 0, 1, 1], [], []>, transpose_lhs_hint = false} : vector<32x24xf32>, vector<24x1xf32>, vector<32x1xf32> -> vector<32x1xf32>
    %add3A_131 = arith.addf %dot_general3A_130, %broadcast_in_dim3A_59 : vector<32x1xf32>
    %dot_general3A_132 = arith.constant dense<0.000000e+00> : vector<32x1xf32>
    %dot_general3A_133 = tpu.matmul %concatenate3A_77, %div3A_89, %dot_general3A_132 {dimension_numbers = #tpu.dot_dimension_numbers<[1], [0], [0], [1], [0, 0, 1, 1], [], []>, transpose_lhs_hint = false} : vector<32x24xf32>, vector<24x1xf32>, vector<32x1xf32> -> vector<32x1xf32>
    %add3A_134 = arith.addf %dot_general3A_133, %broadcast_in_dim3A_66 : vector<32x1xf32>
    %iota3A_135 = tpu.iota {dimensions = array<i32: 0>} : vector<8x8xi32>
    %iota3A_136 = tpu.iota {dimensions = array<i32: 1>} : vector<8x8xi32>
    %ne3A = arith.cmpi ne, %iota3A_135, %iota3A_136 : vector<8x8xi32>
    %convert_element_type3A = arith.extui %ne3A : vector<8x8xi1> to vector<8x8xi32>
    %convert_element_type3A_137 = arith.sitofp %convert_element_type3A : vector<8x8xi32> to vector<8x8xf32>
    %broadcast_in_dim3A_138 = arith.constant 1.000000e+00 : f32
    %broadcast_in_dim3A_139 = vector.broadcast %broadcast_in_dim3A_138 : f32 to vector<8x1xf32>
    %slice3A_140 = vector.extract_strided_slice %add3A_128 {offsets = [0, 0], sizes = [8, 1], strides = [1, 1]} : vector<32x1xf32> to vector<8x1xf32>
    %slice3A_141 = vector.extract_strided_slice %add3A_131 {offsets = [0, 0], sizes = [8, 1], strides = [1, 1]} : vector<32x1xf32> to vector<8x1xf32>
    %slice3A_142 = vector.extract_strided_slice %add3A_134 {offsets = [0, 0], sizes = [8, 1], strides = [1, 1]} : vector<32x1xf32> to vector<8x1xf32>
    %concatenate3A_143 = tpu.concatenate %slice3A_140, %slice3A_141, %slice3A_142 in 1 : vector<8x1xf32>, vector<8x1xf32>, vector<8x1xf32> -> vector<8x3xf32>
    %dot_general3A_144 = arith.constant dense<0.000000e+00> : vector<8x8xf32>
    %dot_general3A_145 = tpu.matmul %concatenate3A_143, %concatenate3A_143, %dot_general3A_144 {dimension_numbers = #tpu.dot_dimension_numbers<[1], [1], [0], [0], [0, 0, 1, 0], [], []>, transpose_lhs_hint = false} : vector<8x3xf32>, vector<8x3xf32>, vector<8x8xf32> -> vector<8x8xf32>
    %mul3A_146 = arith.mulf %concatenate3A_143, %concatenate3A_143 : vector<8x3xf32>
    %reduce_sum3A_147 = arith.constant dense<0.000000e+00> : vector<8xf32>
    %reduce_sum3A_148 = vector.multi_reduction <add>, %mul3A_146, %reduce_sum3A_147 [1] : vector<8x3xf32> to vector<8xf32>
    %broadcast_in_dim3A_149 = vector.shape_cast %reduce_sum3A_148 : vector<8xf32> to vector<8x1xf32>
    %dot_general3A_150 = arith.constant dense<0.000000e+00> : vector<8x8xf32>
    %dot_general3A_151 = tpu.matmul %broadcast_in_dim3A_139, %broadcast_in_dim3A_149, %dot_general3A_150 {dimension_numbers = #tpu.dot_dimension_numbers<[1], [1], [0], [0], [0, 0, 1, 0], [], []>, transpose_lhs_hint = false} : vector<8x1xf32>, vector<8x1xf32>, vector<8x8xf32> -> vector<8x8xf32>
    %add3A_152 = vector.broadcast %broadcast_in_dim3A_149 : vector<8x1xf32> to vector<8x8xf32>
    %add3A_153 = arith.addf %add3A_152, %dot_general3A_151 : vector<8x8xf32>
    %mul3A_154 = arith.constant 2.000000e+00 : f32
    %mul3A_155 = vector.broadcast %mul3A_154 : f32 to vector<8x8xf32>
    %mul3A_156 = arith.mulf %mul3A_155, %dot_general3A_145 : vector<8x8xf32>
    %sub3A = arith.subf %add3A_153, %mul3A_156 : vector<8x8xf32>
    %max3A = arith.constant 0.000000e+00 : f32
    %max3A_157 = vector.broadcast %max3A : f32 to vector<8x8xf32>
    %max3A_158 = arith.maximumf %sub3A, %max3A_157 : vector<8x8xf32>
    %add3A_159 = arith.constant 9.99999996E-13 : f32
    %add3A_160 = vector.broadcast %add3A_159 : f32 to vector<8x8xf32>
    %add3A_161 = arith.addf %max3A_158, %add3A_160 : vector<8x8xf32>
    %sqrt3A = math.sqrt %add3A_161 : vector<8x8xf32>
    %sub3A_162 = arith.constant 5.000000e-01 : f32
    %sub3A_163 = vector.broadcast %sub3A_162 : f32 to vector<8x8xf32>
    %sub3A_164 = arith.subf %sub3A_163, %sqrt3A : vector<8x8xf32>
    %max3A_165 = arith.constant 0.000000e+00 : f32
    %max3A_166 = vector.broadcast %max3A_165 : f32 to vector<8x8xf32>
    %max3A_167 = arith.maximumf %sub3A_164, %max3A_166 : vector<8x8xf32>
    %mul3A_168 = arith.constant 5.000000e+00 : f32
    %mul3A_169 = vector.broadcast %mul3A_168 : f32 to vector<8x8xf32>
    %mul3A_170 = arith.mulf %mul3A_169, %max3A_167 : vector<8x8xf32>
    %exp3A = math.exp %mul3A_170 : vector<8x8xf32>
    %mul3A_171 = arith.mulf %exp3A, %convert_element_type3A_137 : vector<8x8xf32>
    %reduce_sum3A_172 = vector.shape_cast %mul3A_171 : vector<8x8xf32> to vector<1x8x8xf32>
    %reduce_sum3A_173 = arith.constant dense<0.000000e+00> : vector<1xf32>
    %reduce_sum3A_174 = vector.multi_reduction <add>, %reduce_sum3A_172, %reduce_sum3A_173 [1, 2] : vector<1x8x8xf32> to vector<1xf32>
    %reduce_sum3A_175 = vector.shape_cast %reduce_sum3A_174 : vector<1xf32> to vector<1x1x1xf32>
    %reduce_sum3A_176 = vector.extract %reduce_sum3A_175[0, 0, 0] : f32 from vector<1x1x1xf32>
    %div3A_177 = arith.constant 5.600000e+01 : f32
    %div3A_178 = arith.divf %reduce_sum3A_176, %div3A_177 : f32
    %add3A_179 = arith.constant 0.000000e+00 : f32
    %add3A_180 = arith.addf %add3A_179, %div3A_178 : f32
    %slice3A_181 = vector.extract_strided_slice %add3A_128 {offsets = [8, 0], sizes = [8, 1], strides = [1, 1]} : vector<32x1xf32> to vector<8x1xf32>
    %slice3A_182 = vector.extract_strided_slice %add3A_131 {offsets = [8, 0], sizes = [8, 1], strides = [1, 1]} : vector<32x1xf32> to vector<8x1xf32>
    %slice3A_183 = vector.extract_strided_slice %add3A_134 {offsets = [8, 0], sizes = [8, 1], strides = [1, 1]} : vector<32x1xf32> to vector<8x1xf32>
    %concatenate3A_184 = tpu.concatenate %slice3A_181, %slice3A_182, %slice3A_183 in 1 : vector<8x1xf32>, vector<8x1xf32>, vector<8x1xf32> -> vector<8x3xf32>
    %dot_general3A_185 = arith.constant dense<0.000000e+00> : vector<8x8xf32>
    %dot_general3A_186 = tpu.matmul %concatenate3A_184, %concatenate3A_184, %dot_general3A_185 {dimension_numbers = #tpu.dot_dimension_numbers<[1], [1], [0], [0], [0, 0, 1, 0], [], []>, transpose_lhs_hint = false} : vector<8x3xf32>, vector<8x3xf32>, vector<8x8xf32> -> vector<8x8xf32>
    %mul3A_187 = arith.mulf %concatenate3A_184, %concatenate3A_184 : vector<8x3xf32>
    %reduce_sum3A_188 = arith.constant dense<0.000000e+00> : vector<8xf32>
    %reduce_sum3A_189 = vector.multi_reduction <add>, %mul3A_187, %reduce_sum3A_188 [1] : vector<8x3xf32> to vector<8xf32>
    %broadcast_in_dim3A_190 = vector.shape_cast %reduce_sum3A_189 : vector<8xf32> to vector<8x1xf32>
    %dot_general3A_191 = arith.constant dense<0.000000e+00> : vector<8x8xf32>
    %dot_general3A_192 = tpu.matmul %broadcast_in_dim3A_139, %broadcast_in_dim3A_190, %dot_general3A_191 {dimension_numbers = #tpu.dot_dimension_numbers<[1], [1], [0], [0], [0, 0, 1, 0], [], []>, transpose_lhs_hint = false} : vector<8x1xf32>, vector<8x1xf32>, vector<8x8xf32> -> vector<8x8xf32>
    %add3A_193 = vector.broadcast %broadcast_in_dim3A_190 : vector<8x1xf32> to vector<8x8xf32>
    %add3A_194 = arith.addf %add3A_193, %dot_general3A_192 : vector<8x8xf32>
    %mul3A_195 = arith.constant 2.000000e+00 : f32
    %mul3A_196 = vector.broadcast %mul3A_195 : f32 to vector<8x8xf32>
    %mul3A_197 = arith.mulf %mul3A_196, %dot_general3A_186 : vector<8x8xf32>
    %sub3A_198 = arith.subf %add3A_194, %mul3A_197 : vector<8x8xf32>
    %max3A_199 = arith.constant 0.000000e+00 : f32
    %max3A_200 = vector.broadcast %max3A_199 : f32 to vector<8x8xf32>
    %max3A_201 = arith.maximumf %sub3A_198, %max3A_200 : vector<8x8xf32>
    %add3A_202 = arith.constant 9.99999996E-13 : f32
    %add3A_203 = vector.broadcast %add3A_202 : f32 to vector<8x8xf32>
    %add3A_204 = arith.addf %max3A_201, %add3A_203 : vector<8x8xf32>
    %sqrt3A_205 = math.sqrt %add3A_204 : vector<8x8xf32>
    %sub3A_206 = arith.constant 5.000000e-01 : f32
    %sub3A_207 = vector.broadcast %sub3A_206 : f32 to vector<8x8xf32>
    %sub3A_208 = arith.subf %sub3A_207, %sqrt3A_205 : vector<8x8xf32>
    %max3A_209 = arith.constant 0.000000e+00 : f32
    %max3A_210 = vector.broadcast %max3A_209 : f32 to vector<8x8xf32>
    %max3A_211 = arith.maximumf %sub3A_208, %max3A_210 : vector<8x8xf32>
    %mul3A_212 = arith.constant 5.000000e+00 : f32
    %mul3A_213 = vector.broadcast %mul3A_212 : f32 to vector<8x8xf32>
    %mul3A_214 = arith.mulf %mul3A_213, %max3A_211 : vector<8x8xf32>
    %exp3A_215 = math.exp %mul3A_214 : vector<8x8xf32>
    %mul3A_216 = arith.mulf %exp3A_215, %convert_element_type3A_137 : vector<8x8xf32>
    %reduce_sum3A_217 = vector.shape_cast %mul3A_216 : vector<8x8xf32> to vector<1x8x8xf32>
    %reduce_sum3A_218 = arith.constant dense<0.000000e+00> : vector<1xf32>
    %reduce_sum3A_219 = vector.multi_reduction <add>, %reduce_sum3A_217, %reduce_sum3A_218 [1, 2] : vector<1x8x8xf32> to vector<1xf32>
    %reduce_sum3A_220 = vector.shape_cast %reduce_sum3A_219 : vector<1xf32> to vector<1x1x1xf32>
    %reduce_sum3A_221 = vector.extract %reduce_sum3A_220[0, 0, 0] : f32 from vector<1x1x1xf32>
    %div3A_222 = arith.constant 5.600000e+01 : f32
    %div3A_223 = arith.divf %reduce_sum3A_221, %div3A_222 : f32
    %add3A_224 = arith.addf %add3A_180, %div3A_223 : f32
    %slice3A_225 = vector.extract_strided_slice %add3A_128 {offsets = [16, 0], sizes = [8, 1], strides = [1, 1]} : vector<32x1xf32> to vector<8x1xf32>
    %slice3A_226 = vector.extract_strided_slice %add3A_131 {offsets = [16, 0], sizes = [8, 1], strides = [1, 1]} : vector<32x1xf32> to vector<8x1xf32>
    %slice3A_227 = vector.extract_strided_slice %add3A_134 {offsets = [16, 0], sizes = [8, 1], strides = [1, 1]} : vector<32x1xf32> to vector<8x1xf32>
    %concatenate3A_228 = tpu.concatenate %slice3A_225, %slice3A_226, %slice3A_227 in 1 : vector<8x1xf32>, vector<8x1xf32>, vector<8x1xf32> -> vector<8x3xf32>
    %dot_general3A_229 = arith.constant dense<0.000000e+00> : vector<8x8xf32>
    %dot_general3A_230 = tpu.matmul %concatenate3A_228, %concatenate3A_228, %dot_general3A_229 {dimension_numbers = #tpu.dot_dimension_numbers<[1], [1], [0], [0], [0, 0, 1, 0], [], []>, transpose_lhs_hint = false} : vector<8x3xf32>, vector<8x3xf32>, vector<8x8xf32> -> vector<8x8xf32>
    %mul3A_231 = arith.mulf %concatenate3A_228, %concatenate3A_228 : vector<8x3xf32>
    %reduce_sum3A_232 = arith.constant dense<0.000000e+00> : vector<8xf32>
    %reduce_sum3A_233 = vector.multi_reduction <add>, %mul3A_231, %reduce_sum3A_232 [1] : vector<8x3xf32> to vector<8xf32>
    %broadcast_in_dim3A_234 = vector.shape_cast %reduce_sum3A_233 : vector<8xf32> to vector<8x1xf32>
    %dot_general3A_235 = arith.constant dense<0.000000e+00> : vector<8x8xf32>
    %dot_general3A_236 = tpu.matmul %broadcast_in_dim3A_139, %broadcast_in_dim3A_234, %dot_general3A_235 {dimension_numbers = #tpu.dot_dimension_numbers<[1], [1], [0], [0], [0, 0, 1, 0], [], []>, transpose_lhs_hint = false} : vector<8x1xf32>, vector<8x1xf32>, vector<8x8xf32> -> vector<8x8xf32>
    %add3A_237 = vector.broadcast %broadcast_in_dim3A_234 : vector<8x1xf32> to vector<8x8xf32>
    %add3A_238 = arith.addf %add3A_237, %dot_general3A_236 : vector<8x8xf32>
    %mul3A_239 = arith.constant 2.000000e+00 : f32
    %mul3A_240 = vector.broadcast %mul3A_239 : f32 to vector<8x8xf32>
    %mul3A_241 = arith.mulf %mul3A_240, %dot_general3A_230 : vector<8x8xf32>
    %sub3A_242 = arith.subf %add3A_238, %mul3A_241 : vector<8x8xf32>
    %max3A_243 = arith.constant 0.000000e+00 : f32
    %max3A_244 = vector.broadcast %max3A_243 : f32 to vector<8x8xf32>
    %max3A_245 = arith.maximumf %sub3A_242, %max3A_244 : vector<8x8xf32>
    %add3A_246 = arith.constant 9.99999996E-13 : f32
    %add3A_247 = vector.broadcast %add3A_246 : f32 to vector<8x8xf32>
    %add3A_248 = arith.addf %max3A_245, %add3A_247 : vector<8x8xf32>
    %sqrt3A_249 = math.sqrt %add3A_248 : vector<8x8xf32>
    %sub3A_250 = arith.constant 5.000000e-01 : f32
    %sub3A_251 = vector.broadcast %sub3A_250 : f32 to vector<8x8xf32>
    %sub3A_252 = arith.subf %sub3A_251, %sqrt3A_249 : vector<8x8xf32>
    %max3A_253 = arith.constant 0.000000e+00 : f32
    %max3A_254 = vector.broadcast %max3A_253 : f32 to vector<8x8xf32>
    %max3A_255 = arith.maximumf %sub3A_252, %max3A_254 : vector<8x8xf32>
    %mul3A_256 = arith.constant 5.000000e+00 : f32
    %mul3A_257 = vector.broadcast %mul3A_256 : f32 to vector<8x8xf32>
    %mul3A_258 = arith.mulf %mul3A_257, %max3A_255 : vector<8x8xf32>
    %exp3A_259 = math.exp %mul3A_258 : vector<8x8xf32>
    %mul3A_260 = arith.mulf %exp3A_259, %convert_element_type3A_137 : vector<8x8xf32>
    %reduce_sum3A_261 = vector.shape_cast %mul3A_260 : vector<8x8xf32> to vector<1x8x8xf32>
    %reduce_sum3A_262 = arith.constant dense<0.000000e+00> : vector<1xf32>
    %reduce_sum3A_263 = vector.multi_reduction <add>, %reduce_sum3A_261, %reduce_sum3A_262 [1, 2] : vector<1x8x8xf32> to vector<1xf32>
    %reduce_sum3A_264 = vector.shape_cast %reduce_sum3A_263 : vector<1xf32> to vector<1x1x1xf32>
    %reduce_sum3A_265 = vector.extract %reduce_sum3A_264[0, 0, 0] : f32 from vector<1x1x1xf32>
    %div3A_266 = arith.constant 5.600000e+01 : f32
    %div3A_267 = arith.divf %reduce_sum3A_265, %div3A_266 : f32
    %add3A_268 = arith.addf %add3A_224, %div3A_267 : f32
    %slice3A_269 = vector.extract_strided_slice %add3A_128 {offsets = [24, 0], sizes = [8, 1], strides = [1, 1]} : vector<32x1xf32> to vector<8x1xf32>
    %slice3A_270 = vector.extract_strided_slice %add3A_131 {offsets = [24, 0], sizes = [8, 1], strides = [1, 1]} : vector<32x1xf32> to vector<8x1xf32>
    %slice3A_271 = vector.extract_strided_slice %add3A_134 {offsets = [24, 0], sizes = [8, 1], strides = [1, 1]} : vector<32x1xf32> to vector<8x1xf32>
    %concatenate3A_272 = tpu.concatenate %slice3A_269, %slice3A_270, %slice3A_271 in 1 : vector<8x1xf32>, vector<8x1xf32>, vector<8x1xf32> -> vector<8x3xf32>
    %dot_general3A_273 = arith.constant dense<0.000000e+00> : vector<8x8xf32>
    %dot_general3A_274 = tpu.matmul %concatenate3A_272, %concatenate3A_272, %dot_general3A_273 {dimension_numbers = #tpu.dot_dimension_numbers<[1], [1], [0], [0], [0, 0, 1, 0], [], []>, transpose_lhs_hint = false} : vector<8x3xf32>, vector<8x3xf32>, vector<8x8xf32> -> vector<8x8xf32>
    %mul3A_275 = arith.mulf %concatenate3A_272, %concatenate3A_272 : vector<8x3xf32>
    %reduce_sum3A_276 = arith.constant dense<0.000000e+00> : vector<8xf32>
    %reduce_sum3A_277 = vector.multi_reduction <add>, %mul3A_275, %reduce_sum3A_276 [1] : vector<8x3xf32> to vector<8xf32>
    %broadcast_in_dim3A_278 = vector.shape_cast %reduce_sum3A_277 : vector<8xf32> to vector<8x1xf32>
    %dot_general3A_279 = arith.constant dense<0.000000e+00> : vector<8x8xf32>
    %dot_general3A_280 = tpu.matmul %broadcast_in_dim3A_139, %broadcast_in_dim3A_278, %dot_general3A_279 {dimension_numbers = #tpu.dot_dimension_numbers<[1], [1], [0], [0], [0, 0, 1, 0], [], []>, transpose_lhs_hint = false} : vector<8x1xf32>, vector<8x1xf32>, vector<8x8xf32> -> vector<8x8xf32>
    %add3A_281 = vector.broadcast %broadcast_in_dim3A_278 : vector<8x1xf32> to vector<8x8xf32>
    %add3A_282 = arith.addf %add3A_281, %dot_general3A_280 : vector<8x8xf32>
    %mul3A_283 = arith.constant 2.000000e+00 : f32
    %mul3A_284 = vector.broadcast %mul3A_283 : f32 to vector<8x8xf32>
    %mul3A_285 = arith.mulf %mul3A_284, %dot_general3A_274 : vector<8x8xf32>
    %sub3A_286 = arith.subf %add3A_282, %mul3A_285 : vector<8x8xf32>
    %max3A_287 = arith.constant 0.000000e+00 : f32
    %max3A_288 = vector.broadcast %max3A_287 : f32 to vector<8x8xf32>
    %max3A_289 = arith.maximumf %sub3A_286, %max3A_288 : vector<8x8xf32>
    %add3A_290 = arith.constant 9.99999996E-13 : f32
    %add3A_291 = vector.broadcast %add3A_290 : f32 to vector<8x8xf32>
    %add3A_292 = arith.addf %max3A_289, %add3A_291 : vector<8x8xf32>
    %sqrt3A_293 = math.sqrt %add3A_292 : vector<8x8xf32>
    %sub3A_294 = arith.constant 5.000000e-01 : f32
    %sub3A_295 = vector.broadcast %sub3A_294 : f32 to vector<8x8xf32>
    %sub3A_296 = arith.subf %sub3A_295, %sqrt3A_293 : vector<8x8xf32>
    %max3A_297 = arith.constant 0.000000e+00 : f32
    %max3A_298 = vector.broadcast %max3A_297 : f32 to vector<8x8xf32>
    %max3A_299 = arith.maximumf %sub3A_296, %max3A_298 : vector<8x8xf32>
    %mul3A_300 = arith.constant 5.000000e+00 : f32
    %mul3A_301 = vector.broadcast %mul3A_300 : f32 to vector<8x8xf32>
    %mul3A_302 = arith.mulf %mul3A_301, %max3A_299 : vector<8x8xf32>
    %exp3A_303 = math.exp %mul3A_302 : vector<8x8xf32>
    %mul3A_304 = arith.mulf %exp3A_303, %convert_element_type3A_137 : vector<8x8xf32>
    %reduce_sum3A_305 = vector.shape_cast %mul3A_304 : vector<8x8xf32> to vector<1x8x8xf32>
    %reduce_sum3A_306 = arith.constant dense<0.000000e+00> : vector<1xf32>
    %reduce_sum3A_307 = vector.multi_reduction <add>, %reduce_sum3A_305, %reduce_sum3A_306 [1, 2] : vector<1x8x8xf32> to vector<1xf32>
    %reduce_sum3A_308 = vector.shape_cast %reduce_sum3A_307 : vector<1xf32> to vector<1x1x1xf32>
    %reduce_sum3A_309 = vector.extract %reduce_sum3A_308[0, 0, 0] : f32 from vector<1x1x1xf32>
    %div3A_310 = arith.constant 5.600000e+01 : f32
    %div3A_311 = arith.divf %reduce_sum3A_309, %div3A_310 : f32
    %add3A_312 = arith.addf %add3A_268, %div3A_311 : f32
    %div3A_313 = arith.constant 4.000000e+00 : f32
    %div3A_314 = arith.divf %add3A_312, %div3A_313 : f32
    %iota3A_315 = tpu.iota {dimensions = array<i32: 1>} : vector<1x128xi32>
    %eq3A = arith.constant 0 : i32
    %eq3A_316 = vector.broadcast %eq3A : i32 to vector<1x128xi32>
    %eq3A_317 = arith.cmpi eq, %iota3A_315, %eq3A_316 : vector<1x128xi32>
    %jit3A_318 = arith.constant 0.000000e+00 : f32
    %broadcast_in_dim3A_319 = vector.broadcast %div3A_314 : f32 to vector<1x128xf32>
    %broadcast_in_dim3A_320 = vector.broadcast %jit3A_318 : f32 to vector<1x128xf32>
    %select_n3A_321 = arith.select %eq3A_317, %broadcast_in_dim3A_319, %broadcast_in_dim3A_320 : vector<1x128xi1>, vector<1x128xf32>
    %swap3A_322 = arith.constant 0 : index
    %swap3A_323 = arith.constant 0 : index
    %swap3A_324 = vector.load %arg14[%swap3A_322, %swap3A_323] : memref<1x128xf32, #tpu.memory_space<vmem>>, vector<1x128xf32>
    tpu.vector_store %arg14[%swap3A_322, %swap3A_323], %select_n3A_321 {strides = array<i32>} : memref<1x128xf32, #tpu.memory_space<vmem>>, vector<1x128xf32>,
    return
  }
}

module attributes {stable_mosaic.version = 14 : i64} {
  func.func @_chamfer_kernel(%arg0: i32, %arg1: i32, %arg2: memref<1x384x3xf32, #tpu.memory_space<vmem>>, %arg3: memref<1x5x4096xf32, #tpu.memory_space<vmem>>, %arg4: memref<1x1x4096xf32, #tpu.memory_space<vmem>>, %arg5: memref<1x8x128xf32, #tpu.memory_space<vmem>>, %arg6: memref<1xf32, #tpu.memory_space<smem>>) attributes {dimension_semantics = [#tpu.dimension_semantics<arbitrary>, #tpu.dimension_semantics<arbitrary>], iteration_bounds = array<i64: 4, 7>, scalar_prefetch = 0 : i64, scratch_operands = 1 : i64, tpu.core_type = #tpu.core_type<tc>, window_params = [{transform_indices = @transform_0, window_bounds = array<i64: 1, 384, 3>}, {transform_indices = @transform_1, window_bounds = array<i64: 1, 5, 4096>}, {transform_indices = @transform_2, window_bounds = array<i64: 1, 1, 4096>}, {transform_indices = @transform_3, window_bounds = array<i64: 1, 8, 128>}]} {
    %get3A = arith.constant 0 : index
    %get3A_0 = arith.constant 0 : index
    %get3A_1 = arith.constant 0 : index
    %get3A_2 = vector.load %arg2[%get3A, %get3A_0, %get3A_1] : memref<1x384x3xf32, #tpu.memory_space<vmem>>, vector<1x384x3xf32>
    %get3A_3 = vector.shape_cast %get3A_2 : vector<1x384x3xf32> to vector<384x3xf32>
    %slice3A = vector.extract_strided_slice %get3A_3 {offsets = [0, 0], sizes = [384, 1], strides = [1, 1]} : vector<384x3xf32> to vector<384x1xf32>
    %slice3A_4 = vector.extract_strided_slice %get3A_3 {offsets = [0, 1], sizes = [384, 1], strides = [1, 1]} : vector<384x3xf32> to vector<384x1xf32>
    %slice3A_5 = vector.extract_strided_slice %get3A_3 {offsets = [0, 2], sizes = [384, 1], strides = [1, 1]} : vector<384x3xf32> to vector<384x1xf32>
    %mul3A = arith.mulf %slice3A, %slice3A : vector<384x1xf32>
    %mul3A_6 = arith.mulf %slice3A_4, %slice3A_4 : vector<384x1xf32>
    %add3A = arith.addf %mul3A, %mul3A_6 : vector<384x1xf32>
    %mul3A_7 = arith.mulf %slice3A_5, %slice3A_5 : vector<384x1xf32>
    %add3A_8 = arith.addf %add3A, %mul3A_7 : vector<384x1xf32>
    %broadcast_in_dim3A = arith.constant 1.000000e+00 : f32
    %broadcast_in_dim3A_9 = vector.broadcast %broadcast_in_dim3A : f32 to vector<384x1xf32>
    %mul3A_10 = arith.constant -2.000000e+00 : f32
    %mul3A_11 = vector.broadcast %mul3A_10 : f32 to vector<384x3xf32>
    %mul3A_12 = arith.mulf %mul3A_11, %get3A_3 : vector<384x3xf32>
    %concatenate3A = tpu.concatenate %mul3A_12, %broadcast_in_dim3A_9, %add3A_8 in 1 : vector<384x3xf32>, vector<384x1xf32>, vector<384x1xf32> -> vector<384x5xf32>
    %get3A_13 = arith.constant 0 : index
    %get3A_14 = arith.constant 0 : index
    %get3A_15 = arith.constant 0 : index
    %get3A_16 = vector.load %arg3[%get3A_13, %get3A_14, %get3A_15] : memref<1x5x4096xf32, #tpu.memory_space<vmem>>, vector<1x5x4096xf32>
    %get3A_17 = vector.shape_cast %get3A_16 : vector<1x5x4096xf32> to vector<5x4096xf32>
    %dot_general3A = arith.constant dense<0.000000e+00> : vector<384x4096xf32>
    %dot_general3A_18 = tpu.matmul %concatenate3A, %get3A_17, %dot_general3A {dimension_numbers = #tpu.dot_dimension_numbers<[1], [0], [0], [1], [0, 0, 1, 1], [], []>, transpose_lhs_hint = false} : vector<384x5xf32>, vector<5x4096xf32>, vector<384x4096xf32> -> vector<384x4096xf32>
    %max3A = arith.constant 0.000000e+00 : f32
    %max3A_19 = vector.broadcast %max3A : f32 to vector<384x4096xf32>
    %max3A_20 = arith.maximumf %dot_general3A_18, %max3A_19 : vector<384x4096xf32>
    %reduce_min3A = arith.constant dense<0x7F800000> : vector<4096xf32>
    %reduce_min3A_21 = vector.multi_reduction <minimumf>, %max3A_20, %reduce_min3A [0] : vector<384x4096xf32> to vector<4096xf32>
    %broadcast_in_dim3A_22 = vector.shape_cast %reduce_min3A_21 : vector<4096xf32> to vector<1x4096xf32>
    %eq3A = arith.constant 0 : i32
    %eq3A_23 = arith.cmpi eq, %arg1, %eq3A : i32
    %convert_element_type3A = arith.extui %eq3A_23 : i1 to i32
    %cond3A = arith.constant 0 : i32
    %cond3A_24 = arith.cmpi ne, %convert_element_type3A, %cond3A : i32
    scf.if %cond3A_24 {
      %swap3A_277 = arith.constant 0 : index
      %swap3A_278 = arith.constant 0 : index
      %swap3A_279 = arith.constant 0 : index
      %swap3A_280 = vector.load %arg4[%swap3A_277, %swap3A_278, %swap3A_279] : memref<1x1x4096xf32, #tpu.memory_space<vmem>>, vector<1x1x4096xf32>
      %swap3A_281 = vector.shape_cast %swap3A_280 : vector<1x1x4096xf32> to vector<1x4096xf32>
      %swap3A_282 = vector.shape_cast %broadcast_in_dim3A_22 : vector<1x4096xf32> to vector<1x1x4096xf32>
      tpu.vector_store %arg4[%swap3A_277, %swap3A_278, %swap3A_279], %swap3A_282 {strides = array<i32>} : memref<1x1x4096xf32, #tpu.memory_space<vmem>>, vector<1x1x4096xf32>,
      %swap3A_283 = arith.constant 0.000000e+00 : f32
      %swap3A_284 = arith.constant 0 : index
      %swap3A_285 = memref.load %arg6[%swap3A_284] : memref<1xf32, #tpu.memory_space<smem>>
      memref.store %swap3A_283, %arg6[%swap3A_284] : memref<1xf32, #tpu.memory_space<smem>>
    } else {
    }
    %ne3A = arith.constant 0 : i32
    %ne3A_25 = arith.cmpi ne, %arg1, %ne3A : i32
    %convert_element_type3A_26 = arith.extui %ne3A_25 : i1 to i32
    %cond3A_27 = arith.constant 0 : i32
    %cond3A_28 = arith.cmpi ne, %convert_element_type3A_26, %cond3A_27 : i32
    scf.if %cond3A_28 {
      %get3A_277 = arith.constant 0 : index
      %get3A_278 = arith.constant 0 : index
      %get3A_279 = arith.constant 0 : index
      %get3A_280 = vector.load %arg4[%get3A_277, %get3A_278, %get3A_279] : memref<1x1x4096xf32, #tpu.memory_space<vmem>>, vector<1x1x4096xf32>
      %get3A_281 = vector.shape_cast %get3A_280 : vector<1x1x4096xf32> to vector<1x4096xf32>
      %min3A_282 = arith.minimumf %get3A_281, %broadcast_in_dim3A_22 : vector<1x4096xf32>
      %swap3A_283 = arith.constant 0 : index
      %swap3A_284 = arith.constant 0 : index
      %swap3A_285 = arith.constant 0 : index
      %swap3A_286 = vector.load %arg4[%swap3A_283, %swap3A_284, %swap3A_285] : memref<1x1x4096xf32, #tpu.memory_space<vmem>>, vector<1x1x4096xf32>
      %swap3A_287 = vector.shape_cast %swap3A_286 : vector<1x1x4096xf32> to vector<1x4096xf32>
      %swap3A_288 = vector.shape_cast %min3A_282 : vector<1x4096xf32> to vector<1x1x4096xf32>
      tpu.vector_store %arg4[%swap3A_283, %swap3A_284, %swap3A_285], %swap3A_288 {strides = array<i32>} : memref<1x1x4096xf32, #tpu.memory_space<vmem>>, vector<1x1x4096xf32>,
    } else {
    }
    %broadcast_in_dim3A_29 = arith.constant 3.000000e+38 : f32
    %broadcast_in_dim3A_30 = vector.broadcast %broadcast_in_dim3A_29 : f32 to vector<384x128xf32>
    %slice3A_31 = vector.extract_strided_slice %max3A_20 {offsets = [0, 0], sizes = [384, 128], strides = [1, 1]} : vector<384x4096xf32> to vector<384x128xf32>
    %max3A_32 = arith.maximumf %broadcast_in_dim3A_30, %slice3A_31 : vector<384x128xf32>
    %min3A = arith.minimumf %broadcast_in_dim3A_30, %slice3A_31 : vector<384x128xf32>
    %max3A_33 = arith.maximumf %broadcast_in_dim3A_30, %max3A_32 : vector<384x128xf32>
    %min3A_34 = arith.minimumf %broadcast_in_dim3A_30, %max3A_32 : vector<384x128xf32>
    %min3A_35 = arith.minimumf %broadcast_in_dim3A_30, %max3A_33 : vector<384x128xf32>
    %slice3A_36 = vector.extract_strided_slice %max3A_20 {offsets = [0, 128], sizes = [384, 128], strides = [1, 1]} : vector<384x4096xf32> to vector<384x128xf32>
    %max3A_37 = arith.maximumf %min3A, %slice3A_36 : vector<384x128xf32>
    %min3A_38 = arith.minimumf %min3A, %slice3A_36 : vector<384x128xf32>
    %max3A_39 = arith.maximumf %min3A_34, %max3A_37 : vector<384x128xf32>
    %min3A_40 = arith.minimumf %min3A_34, %max3A_37 : vector<384x128xf32>
    %min3A_41 = arith.minimumf %min3A_35, %max3A_39 : vector<384x128xf32>
    %slice3A_42 = vector.extract_strided_slice %max3A_20 {offsets = [0, 256], sizes = [384, 128], strides = [1, 1]} : vector<384x4096xf32> to vector<384x128xf32>
    %max3A_43 = arith.maximumf %min3A_38, %slice3A_42 : vector<384x128xf32>
    %min3A_44 = arith.minimumf %min3A_38, %slice3A_42 : vector<384x128xf32>
    %max3A_45 = arith.maximumf %min3A_40, %max3A_43 : vector<384x128xf32>
    %min3A_46 = arith.minimumf %min3A_40, %max3A_43 : vector<384x128xf32>
    %min3A_47 = arith.minimumf %min3A_41, %max3A_45 : vector<384x128xf32>
    %slice3A_48 = vector.extract_strided_slice %max3A_20 {offsets = [0, 384], sizes = [384, 128], strides = [1, 1]} : vector<384x4096xf32> to vector<384x128xf32>
    %max3A_49 = arith.maximumf %min3A_44, %slice3A_48 : vector<384x128xf32>
    %min3A_50 = arith.minimumf %min3A_44, %slice3A_48 : vector<384x128xf32>
    %max3A_51 = arith.maximumf %min3A_46, %max3A_49 : vector<384x128xf32>
    %min3A_52 = arith.minimumf %min3A_46, %max3A_49 : vector<384x128xf32>
    %min3A_53 = arith.minimumf %min3A_47, %max3A_51 : vector<384x128xf32>
    %slice3A_54 = vector.extract_strided_slice %max3A_20 {offsets = [0, 512], sizes = [384, 128], strides = [1, 1]} : vector<384x4096xf32> to vector<384x128xf32>
    %max3A_55 = arith.maximumf %min3A_50, %slice3A_54 : vector<384x128xf32>
    %min3A_56 = arith.minimumf %min3A_50, %slice3A_54 : vector<384x128xf32>
    %max3A_57 = arith.maximumf %min3A_52, %max3A_55 : vector<384x128xf32>
    %min3A_58 = arith.minimumf %min3A_52, %max3A_55 : vector<384x128xf32>
    %min3A_59 = arith.minimumf %min3A_53, %max3A_57 : vector<384x128xf32>
    %slice3A_60 = vector.extract_strided_slice %max3A_20 {offsets = [0, 640], sizes = [384, 128], strides = [1, 1]} : vector<384x4096xf32> to vector<384x128xf32>
    %max3A_61 = arith.maximumf %min3A_56, %slice3A_60 : vector<384x128xf32>
    %min3A_62 = arith.minimumf %min3A_56, %slice3A_60 : vector<384x128xf32>
    %max3A_63 = arith.maximumf %min3A_58, %max3A_61 : vector<384x128xf32>
    %min3A_64 = arith.minimumf %min3A_58, %max3A_61 : vector<384x128xf32>
    %min3A_65 = arith.minimumf %min3A_59, %max3A_63 : vector<384x128xf32>
    %slice3A_66 = vector.extract_strided_slice %max3A_20 {offsets = [0, 768], sizes = [384, 128], strides = [1, 1]} : vector<384x4096xf32> to vector<384x128xf32>
    %max3A_67 = arith.maximumf %min3A_62, %slice3A_66 : vector<384x128xf32>
    %min3A_68 = arith.minimumf %min3A_62, %slice3A_66 : vector<384x128xf32>
    %max3A_69 = arith.maximumf %min3A_64, %max3A_67 : vector<384x128xf32>
    %min3A_70 = arith.minimumf %min3A_64, %max3A_67 : vector<384x128xf32>
    %min3A_71 = arith.minimumf %min3A_65, %max3A_69 : vector<384x128xf32>
    %slice3A_72 = vector.extract_strided_slice %max3A_20 {offsets = [0, 896], sizes = [384, 128], strides = [1, 1]} : vector<384x4096xf32> to vector<384x128xf32>
    %max3A_73 = arith.maximumf %min3A_68, %slice3A_72 : vector<384x128xf32>
    %min3A_74 = arith.minimumf %min3A_68, %slice3A_72 : vector<384x128xf32>
    %max3A_75 = arith.maximumf %min3A_70, %max3A_73 : vector<384x128xf32>
    %min3A_76 = arith.minimumf %min3A_70, %max3A_73 : vector<384x128xf32>
    %min3A_77 = arith.minimumf %min3A_71, %max3A_75 : vector<384x128xf32>
    %slice3A_78 = vector.extract_strided_slice %max3A_20 {offsets = [0, 1024], sizes = [384, 128], strides = [1, 1]} : vector<384x4096xf32> to vector<384x128xf32>
    %max3A_79 = arith.maximumf %min3A_74, %slice3A_78 : vector<384x128xf32>
    %min3A_80 = arith.minimumf %min3A_74, %slice3A_78 : vector<384x128xf32>
    %max3A_81 = arith.maximumf %min3A_76, %max3A_79 : vector<384x128xf32>
    %min3A_82 = arith.minimumf %min3A_76, %max3A_79 : vector<384x128xf32>
    %min3A_83 = arith.minimumf %min3A_77, %max3A_81 : vector<384x128xf32>
    %slice3A_84 = vector.extract_strided_slice %max3A_20 {offsets = [0, 1152], sizes = [384, 128], strides = [1, 1]} : vector<384x4096xf32> to vector<384x128xf32>
    %max3A_85 = arith.maximumf %min3A_80, %slice3A_84 : vector<384x128xf32>
    %min3A_86 = arith.minimumf %min3A_80, %slice3A_84 : vector<384x128xf32>
    %max3A_87 = arith.maximumf %min3A_82, %max3A_85 : vector<384x128xf32>
    %min3A_88 = arith.minimumf %min3A_82, %max3A_85 : vector<384x128xf32>
    %min3A_89 = arith.minimumf %min3A_83, %max3A_87 : vector<384x128xf32>
    %slice3A_90 = vector.extract_strided_slice %max3A_20 {offsets = [0, 1280], sizes = [384, 128], strides = [1, 1]} : vector<384x4096xf32> to vector<384x128xf32>
    %max3A_91 = arith.maximumf %min3A_86, %slice3A_90 : vector<384x128xf32>
    %min3A_92 = arith.minimumf %min3A_86, %slice3A_90 : vector<384x128xf32>
    %max3A_93 = arith.maximumf %min3A_88, %max3A_91 : vector<384x128xf32>
    %min3A_94 = arith.minimumf %min3A_88, %max3A_91 : vector<384x128xf32>
    %min3A_95 = arith.minimumf %min3A_89, %max3A_93 : vector<384x128xf32>
    %slice3A_96 = vector.extract_strided_slice %max3A_20 {offsets = [0, 1408], sizes = [384, 128], strides = [1, 1]} : vector<384x4096xf32> to vector<384x128xf32>
    %max3A_97 = arith.maximumf %min3A_92, %slice3A_96 : vector<384x128xf32>
    %min3A_98 = arith.minimumf %min3A_92, %slice3A_96 : vector<384x128xf32>
    %max3A_99 = arith.maximumf %min3A_94, %max3A_97 : vector<384x128xf32>
    %min3A_100 = arith.minimumf %min3A_94, %max3A_97 : vector<384x128xf32>
    %min3A_101 = arith.minimumf %min3A_95, %max3A_99 : vector<384x128xf32>
    %slice3A_102 = vector.extract_strided_slice %max3A_20 {offsets = [0, 1536], sizes = [384, 128], strides = [1, 1]} : vector<384x4096xf32> to vector<384x128xf32>
    %max3A_103 = arith.maximumf %min3A_98, %slice3A_102 : vector<384x128xf32>
    %min3A_104 = arith.minimumf %min3A_98, %slice3A_102 : vector<384x128xf32>
    %max3A_105 = arith.maximumf %min3A_100, %max3A_103 : vector<384x128xf32>
    %min3A_106 = arith.minimumf %min3A_100, %max3A_103 : vector<384x128xf32>
    %min3A_107 = arith.minimumf %min3A_101, %max3A_105 : vector<384x128xf32>
    %slice3A_108 = vector.extract_strided_slice %max3A_20 {offsets = [0, 1664], sizes = [384, 128], strides = [1, 1]} : vector<384x4096xf32> to vector<384x128xf32>
    %max3A_109 = arith.maximumf %min3A_104, %slice3A_108 : vector<384x128xf32>
    %min3A_110 = arith.minimumf %min3A_104, %slice3A_108 : vector<384x128xf32>
    %max3A_111 = arith.maximumf %min3A_106, %max3A_109 : vector<384x128xf32>
    %min3A_112 = arith.minimumf %min3A_106, %max3A_109 : vector<384x128xf32>
    %min3A_113 = arith.minimumf %min3A_107, %max3A_111 : vector<384x128xf32>
    %slice3A_114 = vector.extract_strided_slice %max3A_20 {offsets = [0, 1792], sizes = [384, 128], strides = [1, 1]} : vector<384x4096xf32> to vector<384x128xf32>
    %max3A_115 = arith.maximumf %min3A_110, %slice3A_114 : vector<384x128xf32>
    %min3A_116 = arith.minimumf %min3A_110, %slice3A_114 : vector<384x128xf32>
    %max3A_117 = arith.maximumf %min3A_112, %max3A_115 : vector<384x128xf32>
    %min3A_118 = arith.minimumf %min3A_112, %max3A_115 : vector<384x128xf32>
    %min3A_119 = arith.minimumf %min3A_113, %max3A_117 : vector<384x128xf32>
    %slice3A_120 = vector.extract_strided_slice %max3A_20 {offsets = [0, 1920], sizes = [384, 128], strides = [1, 1]} : vector<384x4096xf32> to vector<384x128xf32>
    %max3A_121 = arith.maximumf %min3A_116, %slice3A_120 : vector<384x128xf32>
    %min3A_122 = arith.minimumf %min3A_116, %slice3A_120 : vector<384x128xf32>
    %max3A_123 = arith.maximumf %min3A_118, %max3A_121 : vector<384x128xf32>
    %min3A_124 = arith.minimumf %min3A_118, %max3A_121 : vector<384x128xf32>
    %min3A_125 = arith.minimumf %min3A_119, %max3A_123 : vector<384x128xf32>
    %slice3A_126 = vector.extract_strided_slice %max3A_20 {offsets = [0, 2048], sizes = [384, 128], strides = [1, 1]} : vector<384x4096xf32> to vector<384x128xf32>
    %max3A_127 = arith.maximumf %min3A_122, %slice3A_126 : vector<384x128xf32>
    %min3A_128 = arith.minimumf %min3A_122, %slice3A_126 : vector<384x128xf32>
    %max3A_129 = arith.maximumf %min3A_124, %max3A_127 : vector<384x128xf32>
    %min3A_130 = arith.minimumf %min3A_124, %max3A_127 : vector<384x128xf32>
    %min3A_131 = arith.minimumf %min3A_125, %max3A_129 : vector<384x128xf32>
    %slice3A_132 = vector.extract_strided_slice %max3A_20 {offsets = [0, 2176], sizes = [384, 128], strides = [1, 1]} : vector<384x4096xf32> to vector<384x128xf32>
    %max3A_133 = arith.maximumf %min3A_128, %slice3A_132 : vector<384x128xf32>
    %min3A_134 = arith.minimumf %min3A_128, %slice3A_132 : vector<384x128xf32>
    %max3A_135 = arith.maximumf %min3A_130, %max3A_133 : vector<384x128xf32>
    %min3A_136 = arith.minimumf %min3A_130, %max3A_133 : vector<384x128xf32>
    %min3A_137 = arith.minimumf %min3A_131, %max3A_135 : vector<384x128xf32>
    %slice3A_138 = vector.extract_strided_slice %max3A_20 {offsets = [0, 2304], sizes = [384, 128], strides = [1, 1]} : vector<384x4096xf32> to vector<384x128xf32>
    %max3A_139 = arith.maximumf %min3A_134, %slice3A_138 : vector<384x128xf32>
    %min3A_140 = arith.minimumf %min3A_134, %slice3A_138 : vector<384x128xf32>
    %max3A_141 = arith.maximumf %min3A_136, %max3A_139 : vector<384x128xf32>
    %min3A_142 = arith.minimumf %min3A_136, %max3A_139 : vector<384x128xf32>
    %min3A_143 = arith.minimumf %min3A_137, %max3A_141 : vector<384x128xf32>
    %slice3A_144 = vector.extract_strided_slice %max3A_20 {offsets = [0, 2432], sizes = [384, 128], strides = [1, 1]} : vector<384x4096xf32> to vector<384x128xf32>
    %max3A_145 = arith.maximumf %min3A_140, %slice3A_144 : vector<384x128xf32>
    %min3A_146 = arith.minimumf %min3A_140, %slice3A_144 : vector<384x128xf32>
    %max3A_147 = arith.maximumf %min3A_142, %max3A_145 : vector<384x128xf32>
    %min3A_148 = arith.minimumf %min3A_142, %max3A_145 : vector<384x128xf32>
    %min3A_149 = arith.minimumf %min3A_143, %max3A_147 : vector<384x128xf32>
    %slice3A_150 = vector.extract_strided_slice %max3A_20 {offsets = [0, 2560], sizes = [384, 128], strides = [1, 1]} : vector<384x4096xf32> to vector<384x128xf32>
    %max3A_151 = arith.maximumf %min3A_146, %slice3A_150 : vector<384x128xf32>
    %min3A_152 = arith.minimumf %min3A_146, %slice3A_150 : vector<384x128xf32>
    %max3A_153 = arith.maximumf %min3A_148, %max3A_151 : vector<384x128xf32>
    %min3A_154 = arith.minimumf %min3A_148, %max3A_151 : vector<384x128xf32>
    %min3A_155 = arith.minimumf %min3A_149, %max3A_153 : vector<384x128xf32>
    %slice3A_156 = vector.extract_strided_slice %max3A_20 {offsets = [0, 2688], sizes = [384, 128], strides = [1, 1]} : vector<384x4096xf32> to vector<384x128xf32>
    %max3A_157 = arith.maximumf %min3A_152, %slice3A_156 : vector<384x128xf32>
    %min3A_158 = arith.minimumf %min3A_152, %slice3A_156 : vector<384x128xf32>
    %max3A_159 = arith.maximumf %min3A_154, %max3A_157 : vector<384x128xf32>
    %min3A_160 = arith.minimumf %min3A_154, %max3A_157 : vector<384x128xf32>
    %min3A_161 = arith.minimumf %min3A_155, %max3A_159 : vector<384x128xf32>
    %slice3A_162 = vector.extract_strided_slice %max3A_20 {offsets = [0, 2816], sizes = [384, 128], strides = [1, 1]} : vector<384x4096xf32> to vector<384x128xf32>
    %max3A_163 = arith.maximumf %min3A_158, %slice3A_162 : vector<384x128xf32>
    %min3A_164 = arith.minimumf %min3A_158, %slice3A_162 : vector<384x128xf32>
    %max3A_165 = arith.maximumf %min3A_160, %max3A_163 : vector<384x128xf32>
    %min3A_166 = arith.minimumf %min3A_160, %max3A_163 : vector<384x128xf32>
    %min3A_167 = arith.minimumf %min3A_161, %max3A_165 : vector<384x128xf32>
    %slice3A_168 = vector.extract_strided_slice %max3A_20 {offsets = [0, 2944], sizes = [384, 128], strides = [1, 1]} : vector<384x4096xf32> to vector<384x128xf32>
    %max3A_169 = arith.maximumf %min3A_164, %slice3A_168 : vector<384x128xf32>
    %min3A_170 = arith.minimumf %min3A_164, %slice3A_168 : vector<384x128xf32>
    %max3A_171 = arith.maximumf %min3A_166, %max3A_169 : vector<384x128xf32>
    %min3A_172 = arith.minimumf %min3A_166, %max3A_169 : vector<384x128xf32>
    %min3A_173 = arith.minimumf %min3A_167, %max3A_171 : vector<384x128xf32>
    %slice3A_174 = vector.extract_strided_slice %max3A_20 {offsets = [0, 3072], sizes = [384, 128], strides = [1, 1]} : vector<384x4096xf32> to vector<384x128xf32>
    %max3A_175 = arith.maximumf %min3A_170, %slice3A_174 : vector<384x128xf32>
    %min3A_176 = arith.minimumf %min3A_170, %slice3A_174 : vector<384x128xf32>
    %max3A_177 = arith.maximumf %min3A_172, %max3A_175 : vector<384x128xf32>
    %min3A_178 = arith.minimumf %min3A_172, %max3A_175 : vector<384x128xf32>
    %min3A_179 = arith.minimumf %min3A_173, %max3A_177 : vector<384x128xf32>
    %slice3A_180 = vector.extract_strided_slice %max3A_20 {offsets = [0, 3200], sizes = [384, 128], strides = [1, 1]} : vector<384x4096xf32> to vector<384x128xf32>
    %max3A_181 = arith.maximumf %min3A_176, %slice3A_180 : vector<384x128xf32>
    %min3A_182 = arith.minimumf %min3A_176, %slice3A_180 : vector<384x128xf32>
    %max3A_183 = arith.maximumf %min3A_178, %max3A_181 : vector<384x128xf32>
    %min3A_184 = arith.minimumf %min3A_178, %max3A_181 : vector<384x128xf32>
    %min3A_185 = arith.minimumf %min3A_179, %max3A_183 : vector<384x128xf32>
    %slice3A_186 = vector.extract_strided_slice %max3A_20 {offsets = [0, 3328], sizes = [384, 128], strides = [1, 1]} : vector<384x4096xf32> to vector<384x128xf32>
    %max3A_187 = arith.maximumf %min3A_182, %slice3A_186 : vector<384x128xf32>
    %min3A_188 = arith.minimumf %min3A_182, %slice3A_186 : vector<384x128xf32>
    %max3A_189 = arith.maximumf %min3A_184, %max3A_187 : vector<384x128xf32>
    %min3A_190 = arith.minimumf %min3A_184, %max3A_187 : vector<384x128xf32>
    %min3A_191 = arith.minimumf %min3A_185, %max3A_189 : vector<384x128xf32>
    %slice3A_192 = vector.extract_strided_slice %max3A_20 {offsets = [0, 3456], sizes = [384, 128], strides = [1, 1]} : vector<384x4096xf32> to vector<384x128xf32>
    %max3A_193 = arith.maximumf %min3A_188, %slice3A_192 : vector<384x128xf32>
    %min3A_194 = arith.minimumf %min3A_188, %slice3A_192 : vector<384x128xf32>
    %max3A_195 = arith.maximumf %min3A_190, %max3A_193 : vector<384x128xf32>
    %min3A_196 = arith.minimumf %min3A_190, %max3A_193 : vector<384x128xf32>
    %min3A_197 = arith.minimumf %min3A_191, %max3A_195 : vector<384x128xf32>
    %slice3A_198 = vector.extract_strided_slice %max3A_20 {offsets = [0, 3584], sizes = [384, 128], strides = [1, 1]} : vector<384x4096xf32> to vector<384x128xf32>
    %max3A_199 = arith.maximumf %min3A_194, %slice3A_198 : vector<384x128xf32>
    %min3A_200 = arith.minimumf %min3A_194, %slice3A_198 : vector<384x128xf32>
    %max3A_201 = arith.maximumf %min3A_196, %max3A_199 : vector<384x128xf32>
    %min3A_202 = arith.minimumf %min3A_196, %max3A_199 : vector<384x128xf32>
    %min3A_203 = arith.minimumf %min3A_197, %max3A_201 : vector<384x128xf32>
    %slice3A_204 = vector.extract_strided_slice %max3A_20 {offsets = [0, 3712], sizes = [384, 128], strides = [1, 1]} : vector<384x4096xf32> to vector<384x128xf32>
    %max3A_205 = arith.maximumf %min3A_200, %slice3A_204 : vector<384x128xf32>
    %min3A_206 = arith.minimumf %min3A_200, %slice3A_204 : vector<384x128xf32>
    %max3A_207 = arith.maximumf %min3A_202, %max3A_205 : vector<384x128xf32>
    %min3A_208 = arith.minimumf %min3A_202, %max3A_205 : vector<384x128xf32>
    %min3A_209 = arith.minimumf %min3A_203, %max3A_207 : vector<384x128xf32>
    %slice3A_210 = vector.extract_strided_slice %max3A_20 {offsets = [0, 3840], sizes = [384, 128], strides = [1, 1]} : vector<384x4096xf32> to vector<384x128xf32>
    %max3A_211 = arith.maximumf %min3A_206, %slice3A_210 : vector<384x128xf32>
    %min3A_212 = arith.minimumf %min3A_206, %slice3A_210 : vector<384x128xf32>
    %max3A_213 = arith.maximumf %min3A_208, %max3A_211 : vector<384x128xf32>
    %min3A_214 = arith.minimumf %min3A_208, %max3A_211 : vector<384x128xf32>
    %min3A_215 = arith.minimumf %min3A_209, %max3A_213 : vector<384x128xf32>
    %slice3A_216 = vector.extract_strided_slice %max3A_20 {offsets = [0, 3968], sizes = [384, 128], strides = [1, 1]} : vector<384x4096xf32> to vector<384x128xf32>
    %max3A_217 = arith.maximumf %min3A_212, %slice3A_216 : vector<384x128xf32>
    %min3A_218 = arith.minimumf %min3A_212, %slice3A_216 : vector<384x128xf32>
    %max3A_219 = arith.maximumf %min3A_214, %max3A_217 : vector<384x128xf32>
    %min3A_220 = arith.minimumf %min3A_214, %max3A_217 : vector<384x128xf32>
    %min3A_221 = arith.minimumf %min3A_215, %max3A_219 : vector<384x128xf32>
    %concatenate3A_222 = tpu.concatenate %min3A_218, %min3A_220, %min3A_221 in 1 : vector<384x128xf32>, vector<384x128xf32>, vector<384x128xf32> -> vector<384x384xf32>
    %reduce_min3A_223 = arith.constant dense<0x7F800000> : vector<384xf32>
    %reduce_min3A_224 = vector.multi_reduction <minimumf>, %concatenate3A_222, %reduce_min3A_223 [1] : vector<384x384xf32> to vector<384xf32>
    %broadcast_in_dim3A_225 = vector.shape_cast %reduce_min3A_224 : vector<384xf32> to vector<384x1xf32>
    %le3A = vector.broadcast %broadcast_in_dim3A_225 : vector<384x1xf32> to vector<384x384xf32>
    %le3A_226 = arith.cmpf ole, %concatenate3A_222, %le3A : vector<384x384xf32>
    %convert_element_type3A_227 = arith.extui %le3A_226 : vector<384x384xi1> to vector<384x384xi32>
    %convert_element_type3A_228 = arith.sitofp %convert_element_type3A_227 : vector<384x384xi32> to vector<384x384xf32>
    %reduce_sum3A = arith.constant dense<0.000000e+00> : vector<384xf32>
    %reduce_sum3A_229 = vector.multi_reduction <add>, %convert_element_type3A_228, %reduce_sum3A [1] : vector<384x384xf32> to vector<384xf32>
    %broadcast_in_dim3A_230 = vector.shape_cast %reduce_sum3A_229 : vector<384xf32> to vector<384x1xf32>
    %jit3A = arith.constant 3.000000e+38 : f32
    %broadcast_in_dim3A_231 = vector.broadcast %jit3A : f32 to vector<384x384xf32>
    %select_n3A = arith.select %le3A_226, %broadcast_in_dim3A_231, %concatenate3A_222 : vector<384x384xi1>, vector<384x384xf32>
    %reduce_min3A_232 = arith.constant dense<0x7F800000> : vector<384xf32>
    %reduce_min3A_233 = vector.multi_reduction <minimumf>, %select_n3A, %reduce_min3A_232 [1] : vector<384x384xf32> to vector<384xf32>
    %broadcast_in_dim3A_234 = vector.shape_cast %reduce_min3A_233 : vector<384xf32> to vector<384x1xf32>
    %le3A_235 = vector.broadcast %broadcast_in_dim3A_234 : vector<384x1xf32> to vector<384x384xf32>
    %le3A_236 = arith.cmpf ole, %select_n3A, %le3A_235 : vector<384x384xf32>
    %convert_element_type3A_237 = arith.extui %le3A_236 : vector<384x384xi1> to vector<384x384xi32>
    %convert_element_type3A_238 = arith.sitofp %convert_element_type3A_237 : vector<384x384xi32> to vector<384x384xf32>
    %reduce_sum3A_239 = arith.constant dense<0.000000e+00> : vector<384xf32>
    %reduce_sum3A_240 = vector.multi_reduction <add>, %convert_element_type3A_238, %reduce_sum3A_239 [1] : vector<384x384xf32> to vector<384xf32>
    %broadcast_in_dim3A_241 = vector.shape_cast %reduce_sum3A_240 : vector<384xf32> to vector<384x1xf32>
    %jit3A_242 = arith.constant 3.000000e+38 : f32
    %broadcast_in_dim3A_243 = vector.broadcast %jit3A_242 : f32 to vector<384x384xf32>
    %select_n3A_244 = arith.select %le3A_236, %broadcast_in_dim3A_243, %select_n3A : vector<384x384xi1>, vector<384x384xf32>
    %reduce_min3A_245 = arith.constant dense<0x7F800000> : vector<384xf32>
    %reduce_min3A_246 = vector.multi_reduction <minimumf>, %select_n3A_244, %reduce_min3A_245 [1] : vector<384x384xf32> to vector<384xf32>
    %broadcast_in_dim3A_247 = vector.shape_cast %reduce_min3A_246 : vector<384xf32> to vector<384x1xf32>
    %min3A_248 = arith.constant 3.000000e+00 : f32
    %min3A_249 = vector.broadcast %min3A_248 : f32 to vector<384x1xf32>
    %min3A_250 = arith.minimumf %broadcast_in_dim3A_230, %min3A_249 : vector<384x1xf32>
    %sub3A = arith.constant 3.000000e+00 : f32
    %sub3A_251 = vector.broadcast %sub3A : f32 to vector<384x1xf32>
    %sub3A_252 = arith.subf %sub3A_251, %min3A_250 : vector<384x1xf32>
    %min3A_253 = arith.minimumf %broadcast_in_dim3A_241, %sub3A_252 : vector<384x1xf32>
    %sub3A_254 = arith.constant 3.000000e+00 : f32
    %sub3A_255 = vector.broadcast %sub3A_254 : f32 to vector<384x1xf32>
    %sub3A_256 = arith.subf %sub3A_255, %min3A_250 : vector<384x1xf32>
    %sub3A_257 = arith.subf %sub3A_256, %min3A_253 : vector<384x1xf32>
    %mul3A_258 = arith.mulf %broadcast_in_dim3A_225, %min3A_250 : vector<384x1xf32>
    %mul3A_259 = arith.mulf %broadcast_in_dim3A_234, %min3A_253 : vector<384x1xf32>
    %add3A_260 = arith.addf %mul3A_258, %mul3A_259 : vector<384x1xf32>
    %mul3A_261 = arith.mulf %broadcast_in_dim3A_247, %sub3A_257 : vector<384x1xf32>
    %add3A_262 = arith.addf %add3A_260, %mul3A_261 : vector<384x1xf32>
    %get3A_263 = arith.constant 0 : index
    %get3A_264 = memref.load %arg6[%get3A_263] : memref<1xf32, #tpu.memory_space<smem>>
    %reduce_sum3A_265 = vector.shape_cast %add3A_262 : vector<384x1xf32> to vector<1x384x1xf32>
    %reduce_sum3A_266 = arith.constant dense<0.000000e+00> : vector<1xf32>
    %reduce_sum3A_267 = vector.multi_reduction <add>, %reduce_sum3A_265, %reduce_sum3A_266 [1, 2] : vector<1x384x1xf32> to vector<1xf32>
    %reduce_sum3A_268 = vector.shape_cast %reduce_sum3A_267 : vector<1xf32> to vector<1x1x1xf32>
    %reduce_sum3A_269 = vector.extract %reduce_sum3A_268[0, 0, 0] : f32 from vector<1x1x1xf32>
    %add3A_270 = arith.addf %get3A_264, %reduce_sum3A_269 : f32
    %swap3A = arith.constant 0 : index
    %swap3A_271 = memref.load %arg6[%swap3A] : memref<1xf32, #tpu.memory_space<smem>>
    memref.store %add3A_270, %arg6[%swap3A] : memref<1xf32, #tpu.memory_space<smem>>
    %eq3A_272 = arith.constant 6 : i32
    %eq3A_273 = arith.cmpi eq, %arg1, %eq3A_272 : i32
    %convert_element_type3A_274 = arith.extui %eq3A_273 : i1 to i32
    %cond3A_275 = arith.constant 0 : i32
    %cond3A_276 = arith.cmpi ne, %convert_element_type3A_274, %cond3A_275 : i32
    scf.if %cond3A_276 {
      %iota3A = tpu.iota {dimensions = array<i32: 2>} : vector<1x8x128xi32>
      %iota3A_277 = tpu.iota {dimensions = array<i32: 1>} : vector<1x8x128xi32>
      %eq3A_278 = arith.constant 0 : i32
      %eq3A_279 = vector.broadcast %eq3A_278 : i32 to vector<1x8x128xi32>
      %eq3A_280 = arith.cmpi eq, %iota3A, %eq3A_279 : vector<1x8x128xi32>
      %eq3A_281 = arith.constant 0 : i32
      %eq3A_282 = vector.broadcast %eq3A_281 : i32 to vector<1x8x128xi32>
      %eq3A_283 = arith.cmpi eq, %iota3A_277, %eq3A_282 : vector<1x8x128xi32>
      %and3A = arith.andi %eq3A_280, %eq3A_283 : vector<1x8x128xi1>
      %get3A_284 = arith.constant 0 : index
      %get3A_285 = memref.load %arg6[%get3A_284] : memref<1xf32, #tpu.memory_space<smem>>
      %jit3A_286 = arith.constant 0.000000e+00 : f32
      %broadcast_in_dim3A_287 = vector.broadcast %get3A_285 : f32 to vector<1x8x128xf32>
      %broadcast_in_dim3A_288 = vector.broadcast %jit3A_286 : f32 to vector<1x8x128xf32>
      %select_n3A_289 = arith.select %and3A, %broadcast_in_dim3A_287, %broadcast_in_dim3A_288 : vector<1x8x128xi1>, vector<1x8x128xf32>
      %swap3A_290 = arith.constant 0 : index
      %swap3A_291 = arith.constant 0 : index
      %swap3A_292 = arith.constant 0 : index
      %swap3A_293 = vector.load %arg5[%swap3A_290, %swap3A_291, %swap3A_292] : memref<1x8x128xf32, #tpu.memory_space<vmem>>, vector<1x8x128xf32>
      tpu.vector_store %arg5[%swap3A_290, %swap3A_291, %swap3A_292], %select_n3A_289 {strides = array<i32>} : memref<1x8x128xf32, #tpu.memory_space<vmem>>, vector<1x8x128xf32>,
    } else {
    }
    return
  }
  func.func @transform_0(%arg0: i32, %arg1: i32) -> (i32, i32, i32) {
    %c0_i32 = arith.constant 0 : i32
    %c0_i32_0 = arith.constant 0 : i32
    return %arg0, %arg1, %c0_i32 : i32, i32, i32
  }
  func.func @transform_1(%arg0: i32, %arg1: i32) -> (i32, i32, i32) {
    %c0_i32 = arith.constant 0 : i32
    %c0_i32_0 = arith.constant 0 : i32
    %c0_i32_1 = arith.constant 0 : i32
    return %arg0, %c0_i32, %c0_i32_0 : i32, i32, i32
  }
  func.func @transform_2(%arg0: i32, %arg1: i32) -> (i32, i32, i32) {
    %c0_i32 = arith.constant 0 : i32
    %c0_i32_0 = arith.constant 0 : i32
    %c0_i32_1 = arith.constant 0 : i32
    return %arg0, %c0_i32, %c0_i32_0 : i32, i32, i32
  }
  func.func @transform_3(%arg0: i32, %arg1: i32) -> (i32, i32, i32) {
    %c0_i32 = arith.constant 0 : i32
    %c0_i32_0 = arith.constant 0 : i32
    %c0_i32_1 = arith.constant 0 : i32
    return %arg0, %c0_i32, %c0_i32_0 : i32, i32, i32
  }
}

module attributes {stable_mosaic.version = 14 : i64} {
  func.func @_finish_kernel(%arg0: memref<4x4096xf32, #tpu.memory_space<vmem>>, %arg1: memref<4x8x4096xf32, #tpu.memory_space<vmem>>, %arg2: memref<4x8x128xf32, #tpu.memory_space<vmem>>, %arg3: memref<32x16xf32, #tpu.memory_space<vmem>>, %arg4: memref<1x128xf32, #tpu.memory_space<vmem>>, %arg5: memref<1x1xf32, #tpu.memory_space<vmem>>) attributes {dimension_semantics = [], scalar_prefetch = 0 : i64, scratch_operands = 0 : i64, tpu.core_type = #tpu.core_type<tc>} {
    %get3A = arith.constant 0 : index
    %get3A_0 = arith.constant 0 : index
    %get3A_1 = arith.constant 0 : index
    %get3A_2 = vector.load %arg1[%get3A, %get3A_0, %get3A_1] : memref<4x8x4096xf32, #tpu.memory_space<vmem>>, vector<4x8x4096xf32>
    %reduce_min3A = arith.constant dense<0x7F800000> : vector<4x4096xf32>
    %reduce_min3A_3 = vector.multi_reduction <minimumf>, %get3A_2, %reduce_min3A [1] : vector<4x8x4096xf32> to vector<4x4096xf32>
    %get3A_4 = arith.constant 0 : index
    %get3A_5 = arith.constant 0 : index
    %get3A_6 = vector.load %arg0[%get3A_4, %get3A_5] : memref<4x4096xf32, #tpu.memory_space<vmem>>, vector<4x4096xf32>
    %min3A = arith.minimumf %get3A_6, %reduce_min3A_3 : vector<4x4096xf32>
    %iota3A = tpu.iota {dimensions = array<i32: 1>} : vector<4x4096xi32>
    %jit3A = arith.constant 512 : i32
    %eq3A = arith.constant 0 : i32
    %eq3A_7 = arith.cmpi eq, %jit3A, %eq3A : i32
    %jit3A_8 = arith.constant 1 : i32
    %select_n3A = arith.select %eq3A_7, %jit3A_8, %jit3A : i32
    %rem3A = vector.broadcast %select_n3A : i32 to vector<4x4096xi32>
    %rem3A_9 = arith.remsi %iota3A, %rem3A : vector<4x4096xi32>
    %ne3A = arith.constant 0 : i32
    %ne3A_10 = vector.broadcast %ne3A : i32 to vector<4x4096xi32>
    %ne3A_11 = arith.cmpi ne, %rem3A_9, %ne3A_10 : vector<4x4096xi32>
    %lt3A = arith.constant 0 : i32
    %lt3A_12 = vector.broadcast %lt3A : i32 to vector<4x4096xi32>
    %lt3A_13 = arith.cmpi slt, %rem3A_9, %lt3A_12 : vector<4x4096xi32>
    %lt3A_14 = arith.constant 0 : i32
    %lt3A_15 = arith.cmpi slt, %select_n3A, %lt3A_14 : i32
    %ne3A_16 = vector.broadcast %lt3A_15 : i1 to vector<4x4096xi1>
    %ne3A_17 = vector.broadcast %ne3A_16 : vector<4x4096xi1> to vector<4x4096xi1>
    %ne3A_18 = arith.xori %lt3A_13, %ne3A_17 : vector<4x4096xi1>
    %and3A = arith.andi %ne3A_18, %ne3A_11 : vector<4x4096xi1>
    %add3A = vector.broadcast %select_n3A : i32 to vector<4x4096xi32>
    %add3A_19 = arith.addi %rem3A_9, %add3A : vector<4x4096xi32>
    %select_n3A_20 = arith.select %and3A, %add3A_19, %rem3A_9 : vector<4x4096xi1>, vector<4x4096xi32>
    %lt3A_21 = arith.constant 500 : i32
    %lt3A_22 = vector.broadcast %lt3A_21 : i32 to vector<4x4096xi32>
    %lt3A_23 = arith.cmpi slt, %select_n3A_20, %lt3A_22 : vector<4x4096xi32>
    %jit3A_24 = arith.constant 0.000000e+00 : f32
    %broadcast_in_dim3A = vector.broadcast %jit3A_24 : f32 to vector<4x4096xf32>
    %select_n3A_25 = arith.select %lt3A_23, %min3A, %broadcast_in_dim3A : vector<4x4096xi1>, vector<4x4096xf32>
    %reduce_sum3A = vector.shape_cast %select_n3A_25 : vector<4x4096xf32> to vector<1x4x4096xf32>
    %reduce_sum3A_26 = arith.constant dense<0.000000e+00> : vector<1xf32>
    %reduce_sum3A_27 = vector.multi_reduction <add>, %reduce_sum3A, %reduce_sum3A_26 [1, 2] : vector<1x4x4096xf32> to vector<1xf32>
    %reduce_sum3A_28 = vector.shape_cast %reduce_sum3A_27 : vector<1xf32> to vector<1x1x1xf32>
    %reduce_sum3A_29 = vector.extract %reduce_sum3A_28[0, 0, 0] : f32 from vector<1x1x1xf32>
    %get3A_30 = arith.constant 0 : index
    %get3A_31 = arith.constant 0 : index
    %get3A_32 = arith.constant 0 : index
    %get3A_33 = vector.load %arg2[%get3A_30, %get3A_31, %get3A_32] : memref<4x8x128xf32, #tpu.memory_space<vmem>>, vector<4x8x128xf32>
    %reduce_sum3A_34 = vector.shape_cast %get3A_33 : vector<4x8x128xf32> to vector<1x4x8x128xf32>
    %reduce_sum3A_35 = arith.constant dense<0.000000e+00> : vector<1xf32>
    %reduce_sum3A_36 = vector.multi_reduction <add>, %reduce_sum3A_34, %reduce_sum3A_35 [1, 2, 3] : vector<1x4x8x128xf32> to vector<1xf32>
    %reduce_sum3A_37 = vector.shape_cast %reduce_sum3A_36 : vector<1xf32> to vector<1x1x1x1xf32>
    %reduce_sum3A_38 = vector.extract %reduce_sum3A_37[0, 0, 0, 0] : f32 from vector<1x1x1x1xf32>
    %get3A_39 = arith.constant 0 : index
    %get3A_40 = arith.constant 0 : index
    %get3A_41 = vector.load %arg3[%get3A_39, %get3A_40] : memref<32x16xf32, #tpu.memory_space<vmem>>, vector<32x16xf32>
    %reduce_sum3A_42 = vector.shape_cast %get3A_41 : vector<32x16xf32> to vector<1x32x16xf32>
    %reduce_sum3A_43 = arith.constant dense<0.000000e+00> : vector<1xf32>
    %reduce_sum3A_44 = vector.multi_reduction <add>, %reduce_sum3A_42, %reduce_sum3A_43 [1, 2] : vector<1x32x16xf32> to vector<1xf32>
    %reduce_sum3A_45 = vector.shape_cast %reduce_sum3A_44 : vector<1xf32> to vector<1x1x1xf32>
    %reduce_sum3A_46 = vector.extract %reduce_sum3A_45[0, 0, 0] : f32 from vector<1x1x1xf32>
    %add3A_47 = arith.addf %reduce_sum3A_38, %reduce_sum3A_46 : f32
    %get3A_48 = arith.constant 0 : index
    %get3A_49 = arith.constant 0 : index
    %get3A_50 = vector.load %arg4[%get3A_48, %get3A_49] : memref<1x128xf32, #tpu.memory_space<vmem>>, vector<1x1xf32>
    %get3A_51 = vector.extract %get3A_50[0, 0] : f32 from vector<1x1xf32>
    %div3A = arith.constant 4.915200e+04 : f32
    %div3A_52 = arith.divf %add3A_47, %div3A : f32
    %div3A_53 = arith.constant 5.000000e+02 : f32
    %div3A_54 = arith.divf %reduce_sum3A_29, %div3A_53 : f32
    %div3A_55 = arith.constant 3.200000e+01 : f32
    %div3A_56 = arith.divf %div3A_54, %div3A_55 : f32
    %mul3A = arith.constant 0.699999988 : f32
    %mul3A_57 = arith.mulf %mul3A, %div3A_52 : f32
    %mul3A_58 = arith.constant 3.000000e-01 : f32
    %mul3A_59 = arith.mulf %mul3A_58, %div3A_56 : f32
    %add3A_60 = arith.addf %mul3A_57, %mul3A_59 : f32
    %mul3A_61 = arith.constant 2.000000e-01 : f32
    %mul3A_62 = arith.mulf %mul3A_61, %get3A_51 : f32
    %add3A_63 = arith.addf %add3A_60, %mul3A_62 : f32
    %broadcast_in_dim3A_64 = arith.constant 0.000000e+00 : f32
    %broadcast_in_dim3A_65 = vector.broadcast %broadcast_in_dim3A_64 : f32 to vector<1x1xf32>
    %add3A_66 = vector.broadcast %add3A_63 : f32 to vector<1x1xf32>
    %add3A_67 = arith.addf %broadcast_in_dim3A_65, %add3A_66 : vector<1x1xf32>
    %swap3A = arith.constant 0 : index
    %swap3A_68 = arith.constant 0 : index
    %swap3A_69 = vector.load %arg5[%swap3A, %swap3A_68] : memref<1x1xf32, #tpu.memory_space<vmem>>, vector<1x1xf32>
    tpu.vector_store %arg5[%swap3A, %swap3A_68], %add3A_67 {strides = array<i32>} : memref<1x1xf32, #tpu.memory_space<vmem>>, vector<1x1xf32>,
    return
  }
}

</mosaic_0001>

<sc_bundles>
// kernel: kernel.6.cloned.1.call-start
scs
__scs_entry_jumppad:
0x0: {  	(pc) =	sbr.rel $0x88, $3  }
0x1: {  	(tag) =	ssettag $0x0;
	lr =	simm.s32 $0x1  }
0x2: {  	[smem:$0x3F9B] =	sst lr;
	_ =	strace $0xD0000000  }
0x3: {  	_ = 	snop  }
0x4: {  	_ = 	snop  }
0x5: {  	_ = 	snop  }
0x6: {  	_ = 	snop  }
0x7: {  	_ = 	snop  }
__scs_overlays_trampoline_lowered:
0x8: {  	[smem:$0x3FAA] =	sst s0  }
0x9: {  	[smem:$0x3FAB] =	sst s1  }
0xa: {  	[smem:$0x3FAC] =	sst s2  }
0xb: {  	[smem:$0x3FAD] =	sst s3  }
0xc: {  	[smem:$0x3FAE] =	sst s4  }
0xd: {  	[smem:$0x3FAF] =	sst s5  }
0xe: {  	[smem:$0x3FB0] =	sst s6  }
0xf: {  	[smem:$0x3FB1] =	sst s7  }
0x10: {  	[smem:$0x3FB2] =	sst s8  }
0x11: {  	[smem:$0x3FB3] =	sst s9;
	s0 =	simm.s32 @!p0 $0x0  }
0x12: {  	s1 =	sld [smem:$0x3F99];
	s0 =	simm.s32 @p0 $0x1  }
0x13: {  	[smem:$0x3FB4] =	sst s0;
	s0 =	simm.s32 @!p1 $0x0  }
0x14: {  	s2 =	sld [smem:$0x3F98];
	s0 =	simm.s32 @p1 $0x1  }
0x15: {  	[smem:$0x3FB5] =	sst s0;
	s0 =	simm.s32 @!p2 $0x0  }
0x16: {  	s3 =	sld [smem:$0x3FDB];
	s0 =	simm.s32 @p2 $0x1  }
0x17: {  	s4 =	simm.s32 $0x1BF5;
	[smem:$0x3FB7] =	sst s0  }
0x18: {  	s0 =	sld [smem:$0x3F9A];
	_ =	swait.ge [sflag:s4], $0x0  }
0x19: {  	s7 =	sld [smem:$0x3F9B]  }
0x1a: {  	s8 =	sadd.s32 $0xFFFFE003, lr  }
0x1b: {  	s9 =	sadd.s32 $0xFFFFFEF7, lr;
	s5 =	simm.s32 $0xFFFFFFFF;
	p2 =	slt.u32 s8, $0xFFFFF086  }
0x1c: {  	p1 =	slt.u32 s9, $0xF7A;
	s5 =	simm.s32 @!p2 $0x0  }
0x1d: {  	s5 =	simm.s32 @p1 $0x1;
	p0 =	seq.s32 s7, s2  }
0x1e: {  	s7 =	smul.u32 @!p0 $0xF7A, s2;
	p2 =	seq.s32 @!p0 s5, $0x0  }
0x1f: {  	s9 =	smul.u32 $0xF7A, s1;
	s8 =	simm.s32 @!p0 $0x1BF5;
	p2 =	por !p2, p0  }
0x20: {  	[sflag:s8] =	ssyncset.s32 @!p0 $0xFFFFF086;
	s6 =	sadd.s32 @!p0 s3, s7;
	s7 =	simm.s32 @!p0 $0x108  }
0x21: {  	s3 =	sadd.s32 s3, s9;
	s6 =	sadd.s32 @!p0 $0x88, s6;
	s7 =	simm.s32 @p2 $0x1082  }
0x22: {  	[simem:s7], [sflag:s8] =	dma.local @!p0 [hbm:s6], $0xF7A  }
0x23: {  	s9 =	sor.u32 $0xD0000000, s2;
	s6 =	simm.s32 $0x108;
	_ =	swait.ge @!p0 [sflag:s8], $0x0  }
0x24: {  	s3 =	sadd.s32 $0x88, s3;
	s6 =	simm.s32 @!p1 $0x1082;
	[sflag:s4] =	ssyncset.s32 $0xFFFFF086  }
0x25: {  	[simem:s6], [sflag:s4] =	dma.local [hbm:s3], $0xF7A  }
0x26: {  	[smem:$0x3F9B] =	sst s1;
	(tag) =	ssettag s2;
	_ =	strace s9  }
0x27: {  	s1 =	sld [smem:$0x3FAB]  }
0x28: {  	s2 =	sld [smem:$0x3FAC]  }
0x29: {  	s4 =	sld [smem:$0x3FAE]  }
0x2a: {  	p0 =	seq.s32 s5, $0x0;
	s5 =	sld [smem:$0x3FAF]  }
0x2b: {  	s6 =	sld [smem:$0x3FB0]  }
0x2c: {  	s7 =	sld [smem:$0x3FB1]  }
0x2d: {  	s3 =	simm.s32 $0x108;
	s8 =	sld [smem:$0x3FB2]  }
0x2e: {  	s3 =	simm.s32 @!p0 $0x1082;
	s9 =	sld [smem:$0x3FB3]  }
0x2f: {  	lr =	sadd.s32 s0, s3;
	s0 =	sld [smem:$0x3FAA]  }
0x30: {  	s3 =	sld [smem:$0x3FAD]  }
0x31: {  	[smem:$0x3FB6] =	sst s10  }
0x32: {  	s10 =	sld [smem:$0x3FB4];
	_ =	sdelay $0x3  }
0x33: {  	p0 =	seq.s32 s10, $0x1;
	s10 =	sld [smem:$0x3FB6];
	_ =	sdelay $0x3  }
0x34: {  	[smem:$0x3FB6] =	sst s10  }
0x35: {  	s10 =	sld [smem:$0x3FB5];
	_ =	sdelay $0x3  }
0x36: {  	p1 =	seq.s32 s10, $0x1;
	s10 =	sld [smem:$0x3FB6];
	_ =	sdelay $0x3  }
0x37: {  	[smem:$0x3FB6] =	sst s10  }
0x38: {  	s10 =	sld [smem:$0x3FB7]  }
0x39: {  	_ = 	snop;
	(pc) =	sbr.ind lr, $3  }
0x3a: {  	_ = 	snop  }
0x3b: {  	_ = 	snop  }
0x3c: {  	p2 =	seq.s32 s10, $0x1;
	s10 =	sld [smem:$0x3FB6]  }
0x3d: {  	_ =	shalt  }
0x3e: {  	_ =	shalt  }
0x3f: {  	_ =	shalt  }
0x40: {  	_ =	shalt  }
0x41: {  	_ =	shalt  }
0x42: {  	_ =	shalt  }
0x43: {  	_ =	shalt  }
0x44: {  	_ =	shalt  }
0x45: {  	_ =	shalt  }
0x46: {  	_ =	shalt  }
0x47: {  	_ =	shalt  }
0x48: {  	_ =	shalt  }
0x49: {  	_ =	shalt  }
0x4a: {  	_ =	shalt  }
0x4b: {  	_ =	shalt  }
0x4c: {  	_ =	shalt  }
0x4d: {  	_ =	shalt  }
0x4e: {  	_ =	shalt  }
0x4f: {  	_ =	shalt  }
0x50: {  	_ =	shalt  }
0x51: {  	_ =	shalt  }
0x52: {  	_ =	shalt  }
0x53: {  	_ =	shalt  }
0x54: {  	_ =	shalt  }
0x55: {  	_ =	shalt  }
0x56: {  	_ =	shalt  }
0x57: {  	_ =	shalt  }
0x58: {  	_ =	shalt  }
0x59: {  	_ =	shalt  }
0x5a: {  	_ =	shalt  }
0x5b: {  	_ =	shalt  }
0x5c: {  	_ =	shalt  }
0x5d: {  	_ =	shalt  }
0x5e: {  	_ =	shalt  }
0x5f: {  	_ =	shalt  }
0x60: {  	_ =	shalt  }
0x61: {  	_ =	shalt  }
0x62: {  	_ =	shalt  }
0x63: {  	_ =	shalt  }
0x64: {  	_ =	shalt  }
0x65: {  	_ =	shalt  }
0x66: {  	_ =	shalt  }
0x67: {  	_ =	shalt  }
0x68: {  	_ =	shalt  }
0x69: {  	_ =	shalt  }
0x6a: {  	_ =	shalt  }
0x6b: {  	_ =	shalt  }
0x6c: {  	_ =	shalt  }
0x6d: {  	_ =	shalt  }
0x6e: {  	_ =	shalt  }
0x6f: {  	_ =	shalt  }
0x70: {  	_ =	shalt  }
0x71: {  	_ =	shalt  }
0x72: {  	_ =	shalt  }
0x73: {  	_ =	shalt  }
0x74: {  	_ =	shalt  }
0x75: {  	_ =	shalt  }
0x76: {  	_ =	shalt  }
0x77: {  	_ =	shalt  }
0x78: {  	_ =	shalt  }
0x79: {  	_ =	shalt  }
0x7a: {  	_ =	shalt  }
0x7b: {  	_ =	shalt  }
0x7c: {  	_ =	shalt  }
0x7d: {  	_ =	shalt  }
0x7e: {  	_ =	shalt  }
0x7f: {  	_ =	shalt  }
0x80: {  	_ =	shalt  }
0x81: {  	_ =	shalt  }
0x82: {  	_ =	shalt  }
0x83: {  	_ =	shalt  }
0x84: {  	_ =	shalt  }
0x85: {  	_ =	shalt  }
0x86: {  	_ =	shalt  }
0x87: {  	_ =	shalt  }
.Lfunc_end0:
.L_simem_size_0:
called_computation_lowered:
.L_overlay_start_0:
0x88: {  	s2 =	sld [smem:$0x3FD9]  }
0x89: {  	s3 =	sld [smem:$0x3FFE];
	_ =	sdelay $0x1  }
0x8a: {  	s1 =	srdreg.scid  }
0x8b: {  	s0 =	sand.u32 $0x1, s1  }
0x8c: {  	s16 =	sshll.u32 s0, $0xA;
	s2 =	sadd.s32 s3, s2  }
0x8d: {  	s2 =	sadd.s32 s2, s16  }
0x8e: {  	[smem:$0x3FC2] =	sst s2  }
0x8f: {  	_ = 	snop  }
0x90: {  	(tm) =	ssettm $0x1  }
0x91: {  	s17 =	sld [smem:$0x3FFB];
	_ =	sdelay $0x3  }
0x92: {  	_ =	strace s17  }
0x93: {  	s2 =	sld [smem:$0x3FFC];
	_ =	sdelay $0x3  }
0x94: {  	_ =	strace s2  }
0x95: {  	s2 =	sld [smem:$0x3FFD];
	_ =	sdelay $0x3  }
0x96: {  	_ =	strace s2  }
0x97: {  	_ =	strace $0x8FFFFFFF  }
0x98: {  	s18 =	sld [smem:$0x3FDB];
	_ =	sdelay $0x1  }
0x99: {  	s19 =	simm.s32 $_scs_section_size  }
0x9a: {  	s4 =	simm.s32 $_size__tile_overlayer_lowered;
	s5 =	simm.s32 $_tile_overlayer_lowered  }
0x9b: {  	s22 =	simm.s32 $0x1BFF;
	s21 =	sshll.u32 s5, $0x1;
	s2 =	sadd.s32 s19, s18  }
0x9c: {  	s6 =	simm.s32 $0x0;
	s20 =	sshll.u32 s4, $0x1;
	s4 =	sadd.s32 s21, s2  }
0x9d: {  	[timem:s6], [sflag:s22] =	dma.local [hbm:s4], s20  }
0x9e: {  	_ =	swait.ge [sflag:s22], s20  }
0x9f: {  	s3 =	ssub.s32 $0x0, s20;
	[sflag:s22] =	ssyncset.done $0x0  }
0xa0: {  	[sflag:s22] =	ssyncadd.s32 s3;
	_ =	sdelay $0x1  }
0xa1: {  	s23 =	simm.s32 $0x1B8B  }
0xa2: {  	_ =	swait.ge [sflag:s23], $0x1  }
0xa3: {  	[sflag:s23] =	ssyncset.done $0x0  }
0xa4: {  	s25 =	simm.s32 $0x1B8E;
	s24 =	sld [smem:$0x3FFE];
	[sflag:s23] =	ssyncadd.s32 $0xFFFFFFFF  }
0xa5: {  	s26 =	simm.s32 $execute0_lowered;
	[smem:$0x3FD2] =	sst s25  }
0xa6: {  	s4 =	sshll.u32 s26, $0x1;
	_ =	strace $0x80000046;
	[dreg:$0x1] =	wrdreg $0xFFFFFFFF  }
0xa7: {  	s28 =	simm.s32 $_size_execute0_lowered;
	s2 =	sadd.s32 s2, s4;
	[dreg:$0x0] =	wrdreg $0x0  }
0xa8: {  	s4 =	sshll.u32 s28, $0x1;
	[dreg:$0x2] =	wrdreg s2  }
0xa9: {  	[dreg:$0x3] =	wrdreg s4  }
0xaa: {  	[dreg:$0x4] =	wrdreg $0xC0  }
0xab: {  	_ =	task [dreg:s6], $0x5FFFF  }
0xac: {  	[dreg:$0x1] =	wrdreg $0xFFFFFFFF  }
0xad: {  	[dreg:$0x0] =	wrdreg $0x60  }
0xae: {  	[dreg:$0x2] =	wrdreg s24  }
0xaf: {  	[dreg:$0x3] =	wrdreg $0x9  }
0xb0: {  	_ =	task.clear_ibuf [dreg:s6], $0x4FFFF;
	_ =	strace $0x90000046  }
0xb1: {  	s29 =	simm.s32 $0x9;
	_ =	strace $0x80000048  }
0xb2: {  	_ =	swait.ge [sflag:s29], $0x1  }
0xb3: {  	[sflag:s29] =	ssyncadd.s32 $0xFFFFFFFF  }
0xb4: {  	_ =	strace $0x90000048  }
0xb5: {  	_ =	sfence  }
0xb6: {  	s30 =	sld [smem:$0x0];
	_ =	sdelay $0x2  }
0xb7: {  	s31 =	sshll.u32 s1, $0xD;
	s1 =	sshrl.u32 s1, $0x2  }
0xb8: {  	s3 =	sand.u32 $0x4000, s31;
	s1 =	sadd.s32 s1, s30  }
0xb9: {  	s0 =	sor.u32 s3, s0;
	s1 =	sshll.u32 s1, $0x11  }
0xba: {  	s0 =	sor.u32 s1, s0  }
0xbb: {  	s0 =	sadd.s32 $0x8F2B, s0  }
0xbc: {  	[sflag:s0] =	ssyncadd.remote.s32 $0x1  }
0xbd: {  	_ =	sfence.sel $0xFFFF  }
0xbe: {  	[dreg:$0x0] =	wrdreg $0xFFFFFFFF;
	(pc) =	sbr.abs _section_cstart, $3  }
0xbf: {  	[dreg:$0x1] =	wrdreg $0xFFFFFFFF  }
0xc0: {  	_ =	task.clear_ibuf [dreg:s6], $0x2FFFF;
	_ =	strace $0x9FFFFFFF  }
0xc1: {  	(tm) =	ssettm $0x7FFFFFFF  }
tec
execute0_lowered:
.L_overlay_start_1:
0x0: {  	(tag) =	ssettag $0x1  }
0x1: {  	s0 =	srdreg.scid  }
0x2: {  	s6 =	stileid.u32;
	s3 =	rddreg [dreg:$0x0];
	s4 =	simm.s32 $0x1  }
0x3: {  	s8 =	simm.s32 $0x0;
	s0 =	sand.u32 $0x1, s0;
	s2 =	sand.u32 $0x7, s6  }
0x4: {  	[smem:$0x7FF] =	sst s8;
	s1 =	sshll.u32 s0, $0x4;
	p1 =	sne.s32 s2, $0x0  }
0x5: {  	s2 =	smul.u32 $0xB0, s2;
	_ =	strace $0x80000047;
	s0 =	ssub.s32 $0x2, s0  }
0x6: {  	s1 =	sor.u32 s6, s1;
	s6 =	sshll.u32 s6, $0x7;
	s26 =	sshrl.u32 s0, $0x1  }
0x7: {  	p0 =	seq.s32 s1, $0x0;
	s1 =	sshrl.u32 s1, $0x3;
	s6 =	sand.u32 $0x380, s6  }
0x8: {  	s0 =	ssub.s32 s0, s26;
	p0 =	por !p1, !p0;
	s7 =	sshll.u32 s1, $0xF  }
0x9: {  	s0 =	smax.u32 s0, $0x1;
	p0 =	por !p0, !p0;
	s7 =	sor.u32 s6, s7  }
0xa: {  	[smem:$0x7FD] =	sst s0;
	s4 =	simm.s32 @!p0 $0x0;
	s7 =	sshrl.u32 s7, $0x3  }
0xb: {  	s4 =	ssub.s32 s1, s4;
	s1 =	sshll.u32 s1, $0xA;
	s25 =	sadd.s32 s7, s3  }
0xc: {  	s5 =	sshll.u32 s4, $0xC;
	s1 =	sor.u32 s6, s1;
	s4 =	sshll.u32 s4, $0x7  }
0xd: {  	s31 =	sadd.s32 $0x3000, s25;
	s2 =	sor.u32 s5, s2;
	s1 =	sshrl.u32 s1, $0x3  }
0xe: {  	s5 =	sand.u32 $0xFFFFC000, s5;
	s4 =	sand.u32 $0x180, s4;
	[smem:$0x7FB] =	sst s31  }
0xf: {  	s2 =	sadd.s32 $0xA80, s2;
	s1 =	sadd.s32 s1, s3;
	s4 =	sor.u32 s4, s5  }
0x10: {  	s2 =	sshrl.u32 s2, $0x3;
	s4 =	sshrl.u32 s4, $0x3;
	s1 =	sadd.s32 $0x7000, s1  }
0x11: {  	s2 =	sadd.s32 s2, s3;
	s30 =	sadd.s32 s3, s4;
	[smem:$0x7FC] =	sst s1  }
0x12: {  	s28 =	sadd.s32 $0x2800, s2;
	[dreg:$0x1f] =	wrdreg s30  }
0x13: {  	s29 =	sadd.s32 $0x2000, s2;
	[dreg:$0x1c] =	wrdreg s28  }
0x14: {  	s2 =	sadd.s32 $0x1800, s2;
	[dreg:$0x1d] =	wrdreg s29  }
0x15: {  	s3 =	sadd.s32 $0x800, s30;
	[dreg:$0x1e] =	wrdreg s2  }
0x16: {  	s9 =	simm.s32 $0x1;
	[smem:$0x7F9] =	sst s3;
	s2 =	sadd.s32 $0x1000, s30  }
0x17: {  	v0 =	vimm.f32 $3.000000010e+38;
	vm0 =	vcmask $0x300;
	s1 =	simm.s32 $0x0;
	[smem:$0x7FA] =	sst s2;
	s2 =	simm.s32 $0x80  }
.LBB2_1:
0x18: {  	[smem:$0x7F8] =	sst s1  }
0x19: {  	s0 =	rddreg [dreg:$0x1c]  }
0x1a: {  	[tilespmem:s8], [sflag:$0x1] =	stream.linear.gather [hbm4b:s0+s8], $0xB0, $0x38;
	[tilespmem:$0x7480] =	vst v63  }
0x1b: {  	_ =	swait.ge [sflag:s9], $0xB0  }
0x1c: {  	[sflag:s9] =	ssyncset.done $0x0  }
0x1d: {  	s23 =	simm.s32 $0x100;
	s22 =	rddreg [dreg:$0x1d];
	[sflag:s9] =	ssyncadd.s32 $0xFFFFFF50  }
0x1e: {  	[tilespmem:s23], [sflag:$0x1] =	stream.linear.gather [hbm4b:s22+s8], $0xB0, $0x38;
	[tilespmem:$0x7480] =	vst v63  }
0x1f: {  	_ =	swait.ge [sflag:s9], $0xB0  }
0x20: {  	[sflag:s9] =	ssyncset.done $0x0  }
0x21: {  	s25 =	simm.s32 $0x200;
	s24 =	rddreg [dreg:$0x1e];
	[sflag:s9] =	ssyncadd.s32 $0xFFFFFF50  }
0x22: {  	[tilespmem:s25], [sflag:$0x1] =	stream.linear.gather [hbm4b:s24+s8], $0xB0, $0x38;
	[tilespmem:$0x7480] =	vst v63  }
0x23: {  	_ =	swait.ge [sflag:s9], $0xB0  }
0x24: {  	[sflag:s9] =	ssyncset.done $0x0  }
0x25: {  	s3 =	simm.s32 $0x300;
	s26 =	rddreg [dreg:$0x1f];
	[sflag:s9] =	ssyncadd.s32 $0xFFFFFF50  }
0x26: {  	[tilespmem:s3], [sflag:$0x1] =	stream.strided.gather [hbm4b:s26+s2], $0x1000, s25, s2, $0x38;
	[tilespmem:$0x7480] =	vst v63  }
0x27: {  	_ =	swait.ge [sflag:s9], $0x1000  }
0x28: {  	s28 =	sld [smem:$0x7F9]  }
0x29: {  	[sflag:s9] =	ssyncset.done $0x0  }
0x2a: {  	s29 =	simm.s32 $0x1300;
	[sflag:s9] =	ssyncadd.s32 $0xFFFFF000  }
0x2b: {  	[tilespmem:s29], [sflag:$0x1] =	stream.strided.gather [hbm4b:s28+s2], $0x1000, s25, s2, $0x38;
	[tilespmem:$0x7480] =	vst v63  }
0x2c: {  	_ =	swait.ge [sflag:s9], $0x1000  }
0x2d: {  	s30 =	sld [smem:$0x7FA]  }
0x2e: {  	[sflag:s9] =	ssyncset.done $0x0  }
0x2f: {  	s31 =	simm.s32 $0x2300;
	[sflag:s9] =	ssyncadd.s32 $0xFFFFF000  }
0x30: {  	[tilespmem:s31], [sflag:$0x1] =	stream.strided.gather [hbm4b:s30+s2], $0x1000, s25, s2, $0x38;
	[tilespmem:$0x7480] =	vst v63  }
0x31: {  	_ =	swait.ge [sflag:s9], $0x1000  }
0x32: {  	[sflag:s9] =	ssyncset.done $0x0  }
0x33: {  	s0 =	simm.s32 $0x0;
	[sflag:s9] =	ssyncadd.s32 $0xFFFFF000  }
0x34: {  	v4 =	vld [tilespmem:s0+$0x300]  }
0x35: {  	v2 =	vld [tilespmem:s0+$0x1300]  }
0x36: {  	v1 =	vld [tilespmem:s0+$0x2300];
	_ =	sdelay $0x2  }
0x37: {  	s1 =	simm.s32 $0x40;
	s2 =	simm.s32 $0x80;
	[tilespmem:s0+$0x4300] =	vst v0;
	v3 =	vmul.f32 v4, v4;
	v4 =	vmul.f32 $-2.000000000e+00, v4  }
.LBB2_2:
0x38: {  	p0 =	sne.s32 s2, $0x3FC0;
	v5 =	vmul.f32 v2, v2;
	v2 =	vmul.f32 $-2.000000000e+00, v2  }
0x39: {  	s3 =	sshra.s32 s1, $0x2;
	s1 =	smov.u32 s2;
	v6 =	vmul.f32 v1, v1;
	[tilespmem:s0+$0x300] =	vst v4;
	v1 =	vmul.f32 $-2.000000000e+00, v1  }
0x3a: {  	v4 =	vld [tilespmem:s3+$0x300];
	v3 =	vadd.f32 v5, v3;
	[tilespmem:s0+$0x1300] =	vst v2  }
.Ltmp0:
0x3b: {  	v2 =	vld [tilespmem:s3+$0x1300];
	[tilespmem:s0+$0x2300] =	vst v1;
	(pc) =	sbr.rel @p0 .LBB2_2-.Ltmp0, $3  }
0x3c: {  	[tilespmem:s3+$0x4300] =	vst v0;
	v1 =	vld [tilespmem:s3+$0x2300];
	v3 =	vadd.f32 v6, v3;
	_ =	sdelay $0x1  }
0x3d: {  	[tilespmem:s0+$0x3300] =	vst v3;
	s0 =	smov.u32 s3  }
0x3e: {  	s2 =	sadd.s32 $0x40, s2;
	v3 =	vmul.f32 v4, v4;
	v4 =	vmul.f32 $-2.000000000e+00, v4  }
0x3f: {  	v5 =	vmul.f32 $-2.000000000e+00, v2  }
0x40: {  	s1 =	sshra.s32 s1, $0x2;
	[tilespmem:s0+$0x300] =	vst v4  }
0x41: {  	v6 =	vmul.f32 $-2.000000000e+00, v1;
	v4 =	vld [tilespmem:s1+$0x300];
	[tilespmem:s0+$0x1300] =	vst v5  }
0x42: {  	v5 =	vld [tilespmem:s1+$0x1300]  }
0x43: {  	v2 =	vmul.f32 v2, v2;
	[tilespmem:s0+$0x2300] =	vst v6  }
0x44: {  	v6 =	vld [tilespmem:s1+$0x2300]  }
0x45: {  	v1 =	vmul.f32 v1, v1;
	v2 =	vadd.f32 v2, v3;
	_ =	sdelay $0x1  }
0x46: {  	v1 =	vadd.f32 v1, v2;
	v2 =	vmul.f32 v4, v4;
	v3 =	vmul.f32 v5, v5  }
0x47: {  	[tilespmem:s1+$0x4300] =	vst v0;
	v4 =	vmul.f32 $-2.000000000e+00, v4  }
0x48: {  	[tilespmem:s0+$0x3300] =	vst v1;
	v1 =	vmul.f32 $-2.000000000e+00, v5;
	v63 =	vmul.f32 v6, v6;
	v2 =	vadd.f32 v3, v2  }
0x49: {  	[tilespmem:s1+$0x300] =	vst v4;
	v3 =	vmul.f32 $-2.000000000e+00, v6  }
0x4a: {  	[tilespmem:s1+$0x1300] =	vst v1;
	v1 =	vadd.f32 v63, v2  }
0x4b: {  	[tilespmem:s1+$0x2300] =	vst v3  }
0x4c: {  	s23 =	simm.s32 $0x0;
	[tilespmem:s1+$0x3300] =	vst v1  }
.LBB2_4:
0x4d: {  	s0 =	sshll.u32 s23, $0x4  }
0x4e: {  	v1 =	vld [tilespmem:s0+$0x0];
	_ =	sdelay $0x3  }
0x4f: {  	v2 =	vld [tilespmem:s0+$0x100]  }
0x50: {  	(v2sf) =	vpush v1, $0x0  }
0x51: {  	(v2sf) =	vpush v1, $0x1  }
0x52: {  	(v2sf) =	vpush v1, $0x2  }
0x53: {  	(v2sf) =	vpush v1, $0x3  }
0x54: {  	v3 =	vld [tilespmem:s0+$0x200];
	(v2sf) =	vpush v2, $0x0  }
0x55: {  	(v2sf) =	vpush v2, $0x1  }
0x56: {  	(v2sf) =	vpush v2, $0x2  }
0x57: {  	(v2sf) =	vpush v2, $0x3;
	_ =	sdelay $0x1  }
0x58: {  	(v2sf) =	vpush v3, $0x0;
	_ =	sdelay $0x1  }
0x59: {  	(v2sf) =	vpush v3, $0x1  }
0x5a: {  	(v2sf) =	vpush v3, $0x2  }
0x5b: {  	(v2sf) =	vpush v3, $0x3;
	_ =	sdelay $0x1  }
0x5c: {  	s22 =	spop (v2sf)  }
0x5d: {  	s1 =	spop (v2sf)  }
0x5e: {  	s0 =	smul.f32 s22, s22;
	s2 =	spop (v2sf)  }
0x5f: {  	s1 =	smul.f32 s1, s1;
	s3 =	spop (v2sf)  }
0x60: {  	s24 =	smul.f32 s2, s2;
	s4 =	spop (v2sf)  }
0x61: {  	s3 =	smul.f32 s3, s3;
	s5 =	spop (v2sf)  }
0x62: {  	s4 =	smul.f32 s4, s4;
	s6 =	spop (v2sf)  }
0x63: {  	s28 =	simm.s32 $0x0;
	s5 =	smul.f32 s5, s5;
	s7 =	spop (v2sf)  }
0x64: {  	v5 =	vld [tilespmem:s28+$0x2300];
	v19 =	vbroadcast v1, $0x0;
	v13 =	vbroadcast v2, $0x0;
	s0 =	sadd.f32 s4, s0;
	s25 =	smul.f32 s6, s6  }
0x65: {  	v6 =	vld [tilespmem:s28+$0x300];
	v29 =	vbroadcast v3, $0x0;
	v21 =	vbroadcast v1, $0x1;
	s8 =	spop (v2sf);
	s26 =	smul.f32 s7, s7  }
0x66: {  	v7 =	vld [tilespmem:s28+$0x3300];
	v16 =	vbroadcast v2, $0x1;
	v30 =	vbroadcast v3, $0x1;
	s1 =	sadd.f32 s5, s1;
	s8 =	smul.f32 s8, s8  }
0x67: {  	v8 =	vld [tilespmem:s28+$0x1300];
	v22 =	vbroadcast v1, $0x2;
	v14 =	vbroadcast v2, $0x2;
	s9 =	spop (v2sf);
	s4 =	sadd.f32 s25, s24  }
0x68: {  	v4 =	vimm.f32 $3.000000010e+38;
	v9 =	vbroadcast v3, $0x2;
	v20 =	vbroadcast v1, $0x3;
	s10 =	spop (v2sf);
	s9 =	smul.f32 s9, s9  }
0x69: {  	v37 =	vimm.f32 $3.000000010e+38;
	v15 =	vbroadcast v2, $0x3;
	v10 =	vbroadcast v3, $0x3;
	s11 =	spop (v2sf);
	s0 =	sadd.f32 s8, s0  }
0x6a: {  	v35 =	vimm.f32 $3.000000010e+38;
	v11 =	vmul.f32 v5, v29;
	v17 =	vmul.f32 v6, v19;
	s29 =	smul.f32 s10, s10;
	s1 =	sadd.f32 s9, s1  }
0x6b: {  	v18 =	vmul.f32 v5, v30;
	v26 =	vmul.f32 v6, v21;
	s3 =	sadd.f32 s26, s3;
	s30 =	smul.f32 s11, s11;
	v27 =	vmov s0  }
0x6c: {  	v31 =	vmul.f32 v8, v16;
	s4 =	sadd.f32 s29, s4;
	v28 =	vmov s1;
	v12 =	vadd.f32 v7, v27  }
0x6d: {  	v32 =	vmul.f32 v8, v13;
	v33 =	vmul.f32 v6, v22;
	s31 =	sadd.f32 s30, s3;
	v24 =	vadd.f32 v7, v28  }
0x6e: {  	v6 =	vmul.f32 v6, v20;
	v25 =	vmov s4;
	v12 =	vadd.f32 v12, v17  }
0x6f: {  	v23 =	vmov s31;
	v17 =	vadd.f32 v7, v25;
	v24 =	vadd.f32 v24, v26  }
0x70: {  	v34 =	vld [tilespmem:s28+$0x4300];
	v7 =	vadd.f32 v7, v23;
	v26 =	vmul.f32 v8, v14;
	v12 =	vadd.f32 v12, v32  }
0x71: {  	v17 =	vadd.f32 v17, v33;
	v33 =	vimm.f32 $3.000000010e+38;
	v24 =	vadd.f32 v24, v31  }
0x72: {  	v6 =	vadd.f32 v7, v6;
	v7 =	vmul.f32 v8, v15;
	v31 =	vimm.f32 $3.000000010e+38  }
0x73: {  	v8 =	vadd.f32 v12, v11;
	v11 =	vadd.f32 v17, v26;
	v12 =	vmul.f32 v5, v9  }
0x74: {  	v5 =	vmul.f32 v5, v10;
	v17 =	vadd.f32 v24, v18;
	v6 =	vadd.f32 v6, v7  }
0x75: {  	v24 =	vimm.f32 $3.000000010e+38;
	v26 =	vmin.f32 v4, v8;
	v7 =	vmin.f32 v34, v8  }
0x76: {  	v11 =	vadd.f32 v11, v12;
	v43 =	vmax.f32 v4, v8;
	v12 =	vmin.f32 v4, v17  }
0x77: {  	v7 =	vmin.f32 v7, v17;
	v18 =	vadd.f32 v6, v5;
	v41 =	vmax.f32 v4, v17  }
0x78: {  	s0 =	simm.s32 $0x10;
	v32 =	vmin.f32 v4, v43;
	v17 =	vimm.f32 $3.000000010e+38;
	v6 =	vmin.f32 v4, v11  }
0x79: {  	v38 =	vld [tilespmem:s0+$0x2300];
	v7 =	vmin.f32 v7, v11;
	v40 =	vmax.f32 v4, v11;
	v11 =	vimm.f32 $3.000000010e+38  }
0x7a: {  	v42 =	vld [tilespmem:s0+$0x1300];
	v5 =	vmin.f32 v4, v18;
	v8 =	vmin.f32 v7, v18;
	v39 =	vmax.f32 v4, v18  }
0x7b: {  	v44 =	vld [tilespmem:s0+$0x300];
	s1 =	simm.s32 $0x80;
	v36 =	vmovc v26;
	v34 =	vmovc v12;
	v7 =	vimm.f32 $3.000000010e+38;
	v18 =	vimm.f32 $3.000000010e+38;
	[tilespmem:s28+$0x4300] =	vst v8;
	v8 =	vimm.f32 $3.000000010e+38  }
.LBB2_5:
0x7c: {  	p0 =	sne.s32 s1, $0x3FC0;
	v45 =	vld [tilespmem:s0+$0x3300];
	v4 =	vmin.f32 v4, v41;
	v17 =	vmin.f32 v17, v40;
	v7 =	vmin.f32 v7, v39;
	v46 =	vmovc v6  }
0x7d: {  	v43 =	vmax.f32 v37, v43;
	v41 =	vmax.f32 v33, v41;
	v40 =	vmax.f32 v24, v40;
	v33 =	vmovc v4  }
0x7e: {  	v35 =	vmin.f32 v35, v43;
	v31 =	vmin.f32 v31, v41;
	v41 =	vmax.f32 v11, v39;
	v24 =	vmovc v17  }
0x7f: {  	v37 =	vmovc v32;
	v18 =	vmin.f32 v18, v40;
	v11 =	vmovc v7;
	v39 =	vmov v5;
	v8 =	vmin.f32 v8, v41  }
0x80: {  	v40 =	vmul.f32 v38, v29;
	v41 =	vmul.f32 v38, v30  }
0x81: {  	v48 =	vmul.f32 v42, v16;
	v47 =	vmul.f32 v44, v19;
	v43 =	vadd.f32 v45, v27  }
0x82: {  	v49 =	vmul.f32 v42, v13;
	v51 =	vmul.f32 v44, v21;
	v50 =	vadd.f32 v45, v28  }
0x83: {  	v52 =	vmul.f32 v44, v22;
	v43 =	vadd.f32 v43, v47;
	v47 =	vadd.f32 v45, v25  }
0x84: {  	v44 =	vmul.f32 v44, v20;
	v50 =	vadd.f32 v50, v51;
	v45 =	vadd.f32 v45, v23;
	v53 =	vld [tilespmem:s0+$0x4300]  }
0x85: {  	v43 =	vadd.f32 v43, v49;
	v47 =	vadd.f32 v47, v52;
	v49 =	vmul.f32 v42, v14  }
0x86: {  	v48 =	vadd.f32 v50, v48;
	v44 =	vadd.f32 v45, v44;
	v42 =	vmul.f32 v42, v15  }
0x87: {  	v45 =	vmul.f32 v38, v9;
	v40 =	vadd.f32 v43, v40;
	v43 =	vadd.f32 v47, v49  }
0x88: {  	v38 =	vmul.f32 v38, v10;
	v41 =	vadd.f32 v48, v41;
	v42 =	vadd.f32 v44, v42  }
.Ltmp1:
0x89: {  	v26 =	vmin.f32 v26, v40;
	v44 =	vmin.f32 v53, v40;
	v45 =	vadd.f32 v43, v45;
	(pc) =	sbr.rel @p0 .LBB2_5-.Ltmp1, $4  }
0x8a: {  	s2 =	sshra.s32 s1, $0x2;
	v12 =	vmin.f32 v12, v41;
	v47 =	vadd.f32 v42, v38;
	v44 =	vmin.f32 v44, v41  }
0x8b: {  	v43 =	vmax.f32 v36, v40;
	v36 =	vmovc v26;
	v38 =	vld [tilespmem:s2+$0x2300];
	v6 =	vmin.f32 v6, v45;
	v40 =	vmin.f32 v44, v45  }
0x8c: {  	v41 =	vmax.f32 v34, v41;
	v34 =	vmovc v12;
	v5 =	vmin.f32 v5, v47;
	v42 =	vld [tilespmem:s2+$0x1300];
	v48 =	vmin.f32 v40, v47  }
0x8d: {  	s1 =	sadd.s32 $0x40, s1;
	v32 =	vmin.f32 v32, v43;
	v39 =	vmax.f32 v39, v47;
	v40 =	vmax.f32 v46, v45;
	v44 =	vld [tilespmem:s2+$0x300];
	[tilespmem:s0+$0x4300] =	vst v48;
	s0 =	smov.u32 s2  }
0x8e: {  	v45 =	vld [tilespmem:s0+$0x3300];
	(v2sf) =	vpush v1, $0x4  }
0x8f: {  	(v2sf) =	vpush v1, $0x5  }
0x90: {  	(v2sf) =	vpush v1, $0x6  }
0x91: {  	v29 =	vmul.f32 v38, v29;
	(v2sf) =	vpush v1, $0x7  }
0x92: {  	v30 =	vmul.f32 v38, v30;
	v13 =	vmul.f32 v42, v13;
	(v2sf) =	vpush v2, $0x4  }
0x93: {  	v19 =	vmul.f32 v44, v19;
	v27 =	vadd.f32 v45, v27;
	v28 =	vadd.f32 v45, v28  }
0x94: {  	v21 =	vmul.f32 v44, v21;
	(v2sf) =	vpush v2, $0x5;
	v25 =	vadd.f32 v45, v25  }
0x95: {  	v22 =	vmul.f32 v44, v22;
	(v2sf) =	vpush v2, $0x6;
	v19 =	vadd.f32 v27, v19  }
0x96: {  	v20 =	vmul.f32 v44, v20;
	v23 =	vadd.f32 v45, v23;
	(v2sf) =	vpush v2, $0x7  }
0x97: {  	v16 =	vmul.f32 v42, v16;
	v21 =	vadd.f32 v28, v21;
	v13 =	vadd.f32 v19, v13;
	v19 =	vld [tilespmem:s0+$0x4300]  }
0x98: {  	v14 =	vmul.f32 v42, v14;
	v22 =	vadd.f32 v25, v22;
	v20 =	vadd.f32 v23, v20  }
0x99: {  	v15 =	vmul.f32 v42, v15;
	(v2sf) =	vpush v3, $0x4;
	v16 =	vadd.f32 v21, v16  }
0x9a: {  	v9 =	vmul.f32 v38, v9;
	v14 =	vadd.f32 v22, v14;
	v13 =	vadd.f32 v13, v29  }
0x9b: {  	v10 =	vmul.f32 v38, v10;
	v15 =	vadd.f32 v20, v15;
	v16 =	vadd.f32 v16, v30  }
0x9c: {  	(v2sf) =	vpush v3, $0x5;
	v9 =	vadd.f32 v14, v9;
	v19 =	vmin.f32 v19, v13  }
0x9d: {  	(v2sf) =	vpush v3, $0x6;
	v10 =	vadd.f32 v15, v10;
	v14 =	vmin.f32 v19, v16  }
0x9e: {  	(v2sf) =	vpush v3, $0x7;
	v14 =	vmin.f32 v14, v9  }
0x9f: {  	v14 =	vmin.f32 v14, v10  }
0xa0: {  	s24 =	sshll.u32 s23, $0x8;
	v15 =	vmax.f32 v37, v43;
	s2 =	spop (v2sf);
	v19 =	vmin.f32 v26, v13;
	v13 =	vmax.f32 v36, v13;
	[tilespmem:s0+$0x4300] =	vst v14  }
0xa1: {  	s3 =	spop (v2sf);
	v14 =	vmin.f32 v35, v15;
	v15 =	vmin.f32 v32, v13;
	[tilespmem:s24+$0x5300] =	vst v19  }
0xa2: {  	v4 =	vmin.f32 v4, v41;
	v12 =	vmin.f32 v12, v16;
	s2 =	smul.f32 s2, s2;
	s4 =	spop (v2sf);
	v13 =	vmax.f32 v32, v13;
	[tilespmem:s24+$0x5E00] =	vst v15  }
0xa3: {  	s3 =	smul.f32 s3, s3;
	s1 =	spop (v2sf);
	v13 =	vmin.f32 v14, v13;
	v14 =	vmax.f32 v33, v41;
	v15 =	vmax.f32 v34, v16;
	[tilespmem:s24+$0x5310] =	vst v12  }
0xa4: {  	s4 =	smul.f32 s4, s4;
	s5 =	spop (v2sf);
	[tilespmem:s24+$0x6900] =	vst v13;
	v13 =	vmin.f32 v31, v14;
	v14 =	vmin.f32 v4, v15;
	v4 =	vmax.f32 v4, v15  }
0xa5: {  	v12 =	vmin.f32 v17, v40;
	s1 =	smul.f32 s1, s1;
	s25 =	spop (v2sf);
	v4 =	vmin.f32 v13, v4;
	[tilespmem:s24+$0x5E10] =	vst v14  }
0xa6: {  	s5 =	smul.f32 s5, s5;
	s6 =	spop (v2sf);
	v13 =	vmax.f32 v24, v40;
	v14 =	vmin.f32 v6, v9;
	v6 =	vmax.f32 v6, v9;
	[tilespmem:s24+$0x6910] =	vst v4  }
0xa7: {  	s0 =	smul.f32 s25, s25;
	s7 =	spop (v2sf);
	v4 =	vmin.f32 v18, v13;
	v9 =	vmin.f32 v12, v6;
	v6 =	vmax.f32 v12, v6;
	[tilespmem:s24+$0x5320] =	vst v14  }
0xa8: {  	v7 =	vmin.f32 v7, v39;
	s2 =	sadd.f32 s5, s2;
	s26 =	smul.f32 s6, s6;
	v4 =	vmin.f32 v4, v6;
	[tilespmem:s24+$0x5E20] =	vst v9  }
0xa9: {  	s8 =	spop (v2sf);
	v6 =	vmax.f32 v11, v39;
	v9 =	vmin.f32 v5, v10;
	v5 =	vmax.f32 v5, v10;
	s28 =	smul.f32 s7, s7;
	[tilespmem:s24+$0x6920] =	vst v4  }
0xaa: {  	s0 =	sadd.f32 s0, s3;
	s8 =	smul.f32 s8, s8;
	v4 =	vmin.f32 v8, v6;
	v6 =	vmin.f32 v7, v5;
	v5 =	vmax.f32 v7, v5;
	[tilespmem:s24+$0x5330] =	vst v9  }
0xab: {  	s9 =	spop (v2sf);
	s3 =	sadd.f32 s26, s4;
	v4 =	vmin.f32 v4, v5;
	[tilespmem:s24+$0x5E30] =	vst v6  }
0xac: {  	s29 =	simm.s32 $0x0;
	v21 =	vbroadcast v1, $0x5;
	s10 =	spop (v2sf);
	s9 =	smul.f32 s9, s9;
	[tilespmem:s24+$0x6930] =	vst v4  }
0xad: {  	v22 =	vbroadcast v1, $0x6;
	v20 =	vbroadcast v1, $0x7;
	s1 =	sadd.f32 s28, s1;
	s11 =	spop (v2sf);
	v5 =	vld [tilespmem:s29+$0x2300]  }
0xae: {  	v29 =	vbroadcast v3, $0x4;
	v30 =	vbroadcast v3, $0x5;
	s5 =	sadd.f32 s8, s2;
	s30 =	smul.f32 s10, s10;
	v6 =	vld [tilespmem:s29+$0x300]  }
0xaf: {  	v37 =	vimm.f32 $3.000000010e+38;
	v19 =	vbroadcast v1, $0x4;
	v16 =	vbroadcast v2, $0x5;
	s0 =	sadd.f32 s9, s0;
	s31 =	smul.f32 s11, s11;
	v7 =	vld [tilespmem:s29+$0x3300]  }
0xb0: {  	v35 =	vimm.f32 $3.000000010e+38;
	v15 =	vbroadcast v2, $0x7;
	v12 =	vbroadcast v2, $0x4;
	s3 =	sadd.f32 s30, s3  }
0xb1: {  	v33 =	vimm.f32 $3.000000010e+38;
	v13 =	vbroadcast v2, $0x6;
	v10 =	vbroadcast v3, $0x7;
	v8 =	vld [tilespmem:s29+$0x1300];
	s1 =	sadd.f32 s31, s1  }
0xb2: {  	v9 =	vbroadcast v3, $0x6;
	v4 =	vimm.f32 $3.000000010e+38;
	v27 =	vmov s5  }
0xb3: {  	v28 =	vmov s0;
	v24 =	vmov s3;
	v23 =	vmov s1  }
0xb4: {  	v11 =	vmul.f32 v5, v29;
	v14 =	vadd.f32 v7, v27;
	v17 =	vmul.f32 v6, v19  }
0xb5: {  	v18 =	vmul.f32 v5, v30;
	v25 =	vadd.f32 v7, v28;
	v26 =	vmul.f32 v6, v21  }
0xb6: {  	v31 =	vmul.f32 v8, v16;
	v61 =	vmul.f32 v8, v12;
	v14 =	vadd.f32 v14, v17  }
0xb7: {  	v62 =	vmul.f32 v6, v22;
	v17 =	vadd.f32 v7, v24;
	v25 =	vadd.f32 v25, v26  }
0xb8: {  	v63 =	vld [tilespmem:s29+$0x4300];
	v6 =	vmul.f32 v6, v20;
	v7 =	vadd.f32 v7, v23;
	v14 =	vadd.f32 v14, v61  }
0xb9: {  	v26 =	vmul.f32 v8, v13;
	v17 =	vadd.f32 v17, v62;
	v25 =	vadd.f32 v25, v31  }
0xba: {  	v6 =	vadd.f32 v7, v6;
	v7 =	vmul.f32 v8, v15;
	v31 =	vimm.f32 $3.000000010e+38  }
0xbb: {  	v8 =	vadd.f32 v14, v11;
	v11 =	vadd.f32 v17, v26;
	v14 =	vmul.f32 v5, v9  }
0xbc: {  	v17 =	vadd.f32 v25, v18;
	v6 =	vadd.f32 v6, v7;
	v5 =	vmul.f32 v5, v10  }
0xbd: {  	v25 =	vimm.f32 $3.000000010e+38;
	v26 =	vmin.f32 v4, v8;
	v7 =	vmin.f32 v63, v8  }
0xbe: {  	v11 =	vadd.f32 v11, v14;
	v14 =	vmin.f32 v4, v17;
	v18 =	vadd.f32 v6, v5  }
0xbf: {  	v43 =	vmax.f32 v4, v8;
	v41 =	vmax.f32 v4, v17;
	v7 =	vmin.f32 v7, v17  }
0xc0: {  	s0 =	simm.s32 $0x10;
	v32 =	vmin.f32 v4, v43;
	v17 =	vimm.f32 $3.000000010e+38;
	v6 =	vmin.f32 v4, v11  }
0xc1: {  	v38 =	vld [tilespmem:s0+$0x2300];
	v7 =	vmin.f32 v7, v11;
	v5 =	vmin.f32 v4, v18;
	v40 =	vmax.f32 v4, v11  }
0xc2: {  	v42 =	vld [tilespmem:s0+$0x1300];
	v39 =	vmax.f32 v4, v18;
	v11 =	vimm.f32 $3.000000010e+38;
	v8 =	vmin.f32 v7, v18  }
0xc3: {  	v44 =	vld [tilespmem:s0+$0x300];
	s1 =	simm.s32 $0x80;
	v36 =	vmovc v26;
	v34 =	vmovc v14;
	v7 =	vimm.f32 $3.000000010e+38;
	v18 =	vimm.f32 $3.000000010e+38;
	[tilespmem:s29+$0x4300] =	vst v8;
	v8 =	vimm.f32 $3.000000010e+38  }
.LBB2_7:
0xc4: {  	p0 =	sne.s32 s1, $0x3FC0;
	v45 =	vld [tilespmem:s0+$0x3300];
	v4 =	vmin.f32 v4, v41;
	v17 =	vmin.f32 v17, v40;
	v7 =	vmin.f32 v7, v39;
	v46 =	vmovc v6  }
0xc5: {  	v43 =	vmax.f32 v37, v43;
	v41 =	vmax.f32 v33, v41;
	v40 =	vmax.f32 v25, v40;
	v33 =	vmovc v4  }
0xc6: {  	v35 =	vmin.f32 v35, v43;
	v31 =	vmin.f32 v31, v41;
	v41 =	vmax.f32 v11, v39;
	v25 =	vmovc v17  }
0xc7: {  	v37 =	vmovc v32;
	v18 =	vmin.f32 v18, v40;
	v11 =	vmovc v7;
	v39 =	vmov v5;
	v8 =	vmin.f32 v8, v41  }
0xc8: {  	v40 =	vmul.f32 v38, v29;
	v41 =	vmul.f32 v38, v30  }
0xc9: {  	v48 =	vmul.f32 v42, v16;
	v47 =	vmul.f32 v44, v19;
	v43 =	vadd.f32 v45, v27  }
0xca: {  	v49 =	vmul.f32 v42, v12;
	v51 =	vmul.f32 v44, v21;
	v50 =	vadd.f32 v45, v28  }
0xcb: {  	v52 =	vmul.f32 v44, v22;
	v43 =	vadd.f32 v43, v47;
	v47 =	vadd.f32 v45, v24  }
0xcc: {  	v44 =	vmul.f32 v44, v20;
	v50 =	vadd.f32 v50, v51;
	v45 =	vadd.f32 v45, v23;
	v53 =	vld [tilespmem:s0+$0x4300]  }
0xcd: {  	v43 =	vadd.f32 v43, v49;
	v47 =	vadd.f32 v47, v52;
	v49 =	vmul.f32 v42, v13  }
0xce: {  	v48 =	vadd.f32 v50, v48;
	v44 =	vadd.f32 v45, v44;
	v42 =	vmul.f32 v42, v15  }
0xcf: {  	v45 =	vmul.f32 v38, v9;
	v40 =	vadd.f32 v43, v40;
	v43 =	vadd.f32 v47, v49  }
0xd0: {  	v38 =	vmul.f32 v38, v10;
	v41 =	vadd.f32 v48, v41;
	v42 =	vadd.f32 v44, v42  }
.Ltmp2:
0xd1: {  	v26 =	vmin.f32 v26, v40;
	v44 =	vmin.f32 v53, v40;
	v45 =	vadd.f32 v43, v45;
	(pc) =	sbr.rel @p0 .LBB2_7-.Ltmp2, $4  }
0xd2: {  	s2 =	sshra.s32 s1, $0x2;
	v14 =	vmin.f32 v14, v41;
	v47 =	vadd.f32 v42, v38;
	v44 =	vmin.f32 v44, v41  }
0xd3: {  	v43 =	vmax.f32 v36, v40;
	v36 =	vmovc v26;
	v38 =	vld [tilespmem:s2+$0x2300];
	v6 =	vmin.f32 v6, v45;
	v40 =	vmin.f32 v44, v45  }
0xd4: {  	v41 =	vmax.f32 v34, v41;
	v34 =	vmovc v14;
	v5 =	vmin.f32 v5, v47;
	v42 =	vld [tilespmem:s2+$0x1300];
	v48 =	vmin.f32 v40, v47  }
0xd5: {  	s1 =	sadd.s32 $0x40, s1;
	v32 =	vmin.f32 v32, v43;
	v39 =	vmax.f32 v39, v47;
	v40 =	vmax.f32 v46, v45;
	v44 =	vld [tilespmem:s2+$0x300];
	[tilespmem:s0+$0x4300] =	vst v48;
	s0 =	smov.u32 s2  }
0xd6: {  	v45 =	vld [tilespmem:s0+$0x3300];
	(v2sf) =	vpush v1, $0x8  }
0xd7: {  	(v2sf) =	vpush v1, $0x9  }
0xd8: {  	(v2sf) =	vpush v1, $0xA  }
0xd9: {  	v29 =	vmul.f32 v38, v29;
	(v2sf) =	vpush v1, $0xB  }
0xda: {  	v30 =	vmul.f32 v38, v30;
	v12 =	vmul.f32 v42, v12;
	(v2sf) =	vpush v2, $0x8  }
0xdb: {  	v19 =	vmul.f32 v44, v19;
	v27 =	vadd.f32 v45, v27;
	v28 =	vadd.f32 v45, v28  }
0xdc: {  	v21 =	vmul.f32 v44, v21;
	(v2sf) =	vpush v2, $0x9;
	v24 =	vadd.f32 v45, v24  }
0xdd: {  	v22 =	vmul.f32 v44, v22;
	(v2sf) =	vpush v2, $0xA;
	v19 =	vadd.f32 v27, v19  }
0xde: {  	v20 =	vmul.f32 v44, v20;
	v23 =	vadd.f32 v45, v23;
	(v2sf) =	vpush v2, $0xB  }
0xdf: {  	v16 =	vmul.f32 v42, v16;
	v21 =	vadd.f32 v28, v21;
	v12 =	vadd.f32 v19, v12;
	v19 =	vld [tilespmem:s0+$0x4300]  }
0xe0: {  	v13 =	vmul.f32 v42, v13;
	v22 =	vadd.f32 v24, v22;
	v20 =	vadd.f32 v23, v20  }
0xe1: {  	v15 =	vmul.f32 v42, v15;
	(v2sf) =	vpush v3, $0x8;
	v16 =	vadd.f32 v21, v16  }
0xe2: {  	v9 =	vmul.f32 v38, v9;
	v13 =	vadd.f32 v22, v13;
	v12 =	vadd.f32 v12, v29  }
0xe3: {  	v10 =	vmul.f32 v38, v10;
	v15 =	vadd.f32 v20, v15;
	v16 =	vadd.f32 v16, v30  }
0xe4: {  	(v2sf) =	vpush v3, $0x9;
	v9 =	vadd.f32 v13, v9;
	v19 =	vmin.f32 v19, v12  }
0xe5: {  	(v2sf) =	vpush v3, $0xA;
	v10 =	vadd.f32 v15, v10;
	v13 =	vmin.f32 v19, v16  }
0xe6: {  	(v2sf) =	vpush v3, $0xB;
	v13 =	vmin.f32 v13, v9  }
0xe7: {  	v13 =	vmin.f32 v13, v10  }
0xe8: {  	v15 =	vmax.f32 v37, v43;
	s2 =	spop (v2sf);
	v19 =	vmin.f32 v26, v12;
	v12 =	vmax.f32 v36, v12;
	[tilespmem:s0+$0x4300] =	vst v13  }
0xe9: {  	s3 =	spop (v2sf);
	v13 =	vmin.f32 v35, v15;
	v15 =	vmin.f32 v32, v12;
	[tilespmem:s24+$0x5340] =	vst v19  }
0xea: {  	v4 =	vmin.f32 v4, v41;
	v14 =	vmin.f32 v14, v16;
	s2 =	smul.f32 s2, s2;
	s4 =	spop (v2sf);
	v12 =	vmax.f32 v32, v12;
	[tilespmem:s24+$0x5E40] =	vst v15  }
0xeb: {  	s3 =	smul.f32 s3, s3;
	s1 =	spop (v2sf);
	v12 =	vmin.f32 v13, v12;
	v13 =	vmax.f32 v33, v41;
	v15 =	vmax.f32 v34, v16;
	[tilespmem:s24+$0x5350] =	vst v14  }
0xec: {  	s4 =	smul.f32 s4, s4;
	s5 =	spop (v2sf);
	[tilespmem:s24+$0x6940] =	vst v12;
	v12 =	vmin.f32 v31, v13;
	v13 =	vmin.f32 v4, v15;
	v4 =	vmax.f32 v4, v15  }
0xed: {  	v14 =	vmin.f32 v17, v40;
	s1 =	smul.f32 s1, s1;
	s25 =	spop (v2sf);
	v4 =	vmin.f32 v12, v4;
	[tilespmem:s24+$0x5E50] =	vst v13  }
0xee: {  	s5 =	smul.f32 s5, s5;
	s6 =	spop (v2sf);
	v12 =	vmax.f32 v25, v40;
	v13 =	vmin.f32 v6, v9;
	v6 =	vmax.f32 v6, v9;
	[tilespmem:s24+$0x6950] =	vst v4  }
0xef: {  	s0 =	smul.f32 s25, s25;
	s7 =	spop (v2sf);
	v4 =	vmin.f32 v18, v12;
	v9 =	vmin.f32 v14, v6;
	v6 =	vmax.f32 v14, v6;
	[tilespmem:s24+$0x5360] =	vst v13  }
0xf0: {  	v7 =	vmin.f32 v7, v39;
	s2 =	sadd.f32 s5, s2;
	s26 =	smul.f32 s6, s6;
	v4 =	vmin.f32 v4, v6;
	[tilespmem:s24+$0x5E60] =	vst v9  }
0xf1: {  	s8 =	spop (v2sf);
	v6 =	vmax.f32 v11, v39;
	v9 =	vmin.f32 v5, v10;
	v5 =	vmax.f32 v5, v10;
	s28 =	smul.f32 s7, s7;
	[tilespmem:s24+$0x6960] =	vst v4  }
0xf2: {  	s0 =	sadd.f32 s0, s3;
	s8 =	smul.f32 s8, s8;
	v4 =	vmin.f32 v8, v6;
	v6 =	vmin.f32 v7, v5;
	v5 =	vmax.f32 v7, v5;
	[tilespmem:s24+$0x5370] =	vst v9  }
0xf3: {  	s9 =	spop (v2sf);
	s3 =	sadd.f32 s26, s4;
	v4 =	vmin.f32 v4, v5;
	[tilespmem:s24+$0x5E70] =	vst v6  }
0xf4: {  	s29 =	simm.s32 $0x0;
	v21 =	vbroadcast v1, $0x9;
	s10 =	spop (v2sf);
	s9 =	smul.f32 s9, s9;
	[tilespmem:s24+$0x6970] =	vst v4  }
0xf5: {  	v22 =	vbroadcast v1, $0xA;
	v20 =	vbroadcast v1, $0xB;
	s1 =	sadd.f32 s28, s1;
	s11 =	spop (v2sf);
	v5 =	vld [tilespmem:s29+$0x2300]  }
0xf6: {  	v29 =	vbroadcast v3, $0x8;
	v30 =	vbroadcast v3, $0x9;
	s5 =	sadd.f32 s8, s2;
	s30 =	smul.f32 s10, s10;
	v6 =	vld [tilespmem:s29+$0x300]  }
0xf7: {  	v37 =	vimm.f32 $3.000000010e+38;
	v19 =	vbroadcast v1, $0x8;
	v16 =	vbroadcast v2, $0x9;
	s0 =	sadd.f32 s9, s0;
	s31 =	smul.f32 s11, s11;
	v7 =	vld [tilespmem:s29+$0x3300]  }
0xf8: {  	v35 =	vimm.f32 $3.000000010e+38;
	v15 =	vbroadcast v2, $0xB;
	v12 =	vbroadcast v2, $0x8;
	s3 =	sadd.f32 s30, s3  }
0xf9: {  	v33 =	vimm.f32 $3.000000010e+38;
	v13 =	vbroadcast v2, $0xA;
	v10 =	vbroadcast v3, $0xB;
	v8 =	vld [tilespmem:s29+$0x1300];
	s1 =	sadd.f32 s31, s1  }
0xfa: {  	v9 =	vbroadcast v3, $0xA;
	v4 =	vimm.f32 $3.000000010e+38;
	v27 =	vmov s5  }
0xfb: {  	v28 =	vmov s0;
	v24 =	vmov s3;
	v23 =	vmov s1  }
0xfc: {  	v11 =	vmul.f32 v5, v29;
	v14 =	vadd.f32 v7, v27;
	v17 =	vmul.f32 v6, v19  }
0xfd: {  	v18 =	vmul.f32 v5, v30;
	v25 =	vadd.f32 v7, v28;
	v26 =	vmul.f32 v6, v21  }
0xfe: {  	v31 =	vmul.f32 v8, v16;
	v61 =	vmul.f32 v8, v12;
	v14 =	vadd.f32 v14, v17  }
0xff: {  	v62 =	vmul.f32 v6, v22;
	v17 =	vadd.f32 v7, v24;
	v25 =	vadd.f32 v25, v26  }
0x100: {  	v63 =	vld [tilespmem:s29+$0x4300];
	v6 =	vmul.f32 v6, v20;
	v7 =	vadd.f32 v7, v23;
	v14 =	vadd.f32 v14, v61  }
0x101: {  	v26 =	vmul.f32 v8, v13;
	v17 =	vadd.f32 v17, v62;
	v25 =	vadd.f32 v25, v31  }
0x102: {  	v6 =	vadd.f32 v7, v6;
	v7 =	vmul.f32 v8, v15;
	v31 =	vimm.f32 $3.000000010e+38  }
0x103: {  	v8 =	vadd.f32 v14, v11;
	v11 =	vadd.f32 v17, v26;
	v14 =	vmul.f32 v5, v9  }
0x104: {  	v17 =	vadd.f32 v25, v18;
	v6 =	vadd.f32 v6, v7;
	v5 =	vmul.f32 v5, v10  }
0x105: {  	v25 =	vimm.f32 $3.000000010e+38;
	v26 =	vmin.f32 v4, v8;
	v7 =	vmin.f32 v63, v8  }
0x106: {  	v11 =	vadd.f32 v11, v14;
	v14 =	vmin.f32 v4, v17;
	v18 =	vadd.f32 v6, v5  }
0x107: {  	v43 =	vmax.f32 v4, v8;
	v41 =	vmax.f32 v4, v17;
	v7 =	vmin.f32 v7, v17  }
0x108: {  	s0 =	simm.s32 $0x10;
	v32 =	vmin.f32 v4, v43;
	v17 =	vimm.f32 $3.000000010e+38;
	v6 =	vmin.f32 v4, v11  }
0x109: {  	v38 =	vld [tilespmem:s0+$0x2300];
	v7 =	vmin.f32 v7, v11;
	v5 =	vmin.f32 v4, v18;
	v40 =	vmax.f32 v4, v11  }
0x10a: {  	v42 =	vld [tilespmem:s0+$0x1300];
	v39 =	vmax.f32 v4, v18;
	v11 =	vimm.f32 $3.000000010e+38;
	v8 =	vmin.f32 v7, v18  }
0x10b: {  	v44 =	vld [tilespmem:s0+$0x300];
	s1 =	simm.s32 $0x80;
	v36 =	vmovc v26;
	v34 =	vmovc v14;
	v7 =	vimm.f32 $3.000000010e+38;
	v18 =	vimm.f32 $3.000000010e+38;
	[tilespmem:s29+$0x4300] =	vst v8;
	v8 =	vimm.f32 $3.000000010e+38  }
.LBB2_9:
0x10c: {  	p0 =	sne.s32 s1, $0x3FC0;
	v45 =	vld [tilespmem:s0+$0x3300];
	v4 =	vmin.f32 v4, v41;
	v17 =	vmin.f32 v17, v40;
	v7 =	vmin.f32 v7, v39;
	v46 =	vmovc v6  }
0x10d: {  	v43 =	vmax.f32 v37, v43;
	v41 =	vmax.f32 v33, v41;
	v40 =	vmax.f32 v25, v40;
	v33 =	vmovc v4  }
0x10e: {  	v35 =	vmin.f32 v35, v43;
	v31 =	vmin.f32 v31, v41;
	v41 =	vmax.f32 v11, v39;
	v25 =	vmovc v17  }
0x10f: {  	v37 =	vmovc v32;
	v18 =	vmin.f32 v18, v40;
	v11 =	vmovc v7;
	v39 =	vmov v5;
	v8 =	vmin.f32 v8, v41  }
0x110: {  	v40 =	vmul.f32 v38, v29;
	v41 =	vmul.f32 v38, v30  }
0x111: {  	v48 =	vmul.f32 v42, v16;
	v47 =	vmul.f32 v44, v19;
	v43 =	vadd.f32 v45, v27  }
0x112: {  	v49 =	vmul.f32 v42, v12;
	v51 =	vmul.f32 v44, v21;
	v50 =	vadd.f32 v45, v28  }
0x113: {  	v52 =	vmul.f32 v44, v22;
	v43 =	vadd.f32 v43, v47;
	v47 =	vadd.f32 v45, v24  }
0x114: {  	v44 =	vmul.f32 v44, v20;
	v50 =	vadd.f32 v50, v51;
	v45 =	vadd.f32 v45, v23;
	v53 =	vld [tilespmem:s0+$0x4300]  }
0x115: {  	v43 =	vadd.f32 v43, v49;
	v47 =	vadd.f32 v47, v52;
	v49 =	vmul.f32 v42, v13  }
0x116: {  	v48 =	vadd.f32 v50, v48;
	v44 =	vadd.f32 v45, v44;
	v42 =	vmul.f32 v42, v15  }
0x117: {  	v45 =	vmul.f32 v38, v9;
	v40 =	vadd.f32 v43, v40;
	v43 =	vadd.f32 v47, v49  }
0x118: {  	v38 =	vmul.f32 v38, v10;
	v41 =	vadd.f32 v48, v41;
	v42 =	vadd.f32 v44, v42  }
.Ltmp3:
0x119: {  	v26 =	vmin.f32 v26, v40;
	v44 =	vmin.f32 v53, v40;
	v45 =	vadd.f32 v43, v45;
	(pc) =	sbr.rel @p0 .LBB2_9-.Ltmp3, $4  }
0x11a: {  	s2 =	sshra.s32 s1, $0x2;
	v14 =	vmin.f32 v14, v41;
	v47 =	vadd.f32 v42, v38;
	v44 =	vmin.f32 v44, v41  }
0x11b: {  	v43 =	vmax.f32 v36, v40;
	v36 =	vmovc v26;
	v38 =	vld [tilespmem:s2+$0x2300];
	v6 =	vmin.f32 v6, v45;
	v40 =	vmin.f32 v44, v45  }
0x11c: {  	v41 =	vmax.f32 v34, v41;
	v34 =	vmovc v14;
	v5 =	vmin.f32 v5, v47;
	v42 =	vld [tilespmem:s2+$0x1300];
	v48 =	vmin.f32 v40, v47  }
0x11d: {  	s1 =	sadd.s32 $0x40, s1;
	v32 =	vmin.f32 v32, v43;
	v39 =	vmax.f32 v39, v47;
	v40 =	vmax.f32 v46, v45;
	v44 =	vld [tilespmem:s2+$0x300];
	[tilespmem:s0+$0x4300] =	vst v48;
	s0 =	smov.u32 s2  }
0x11e: {  	v45 =	vld [tilespmem:s0+$0x3300];
	(v2sf) =	vpush v1, $0xC  }
0x11f: {  	(v2sf) =	vpush v1, $0xD  }
0x120: {  	(v2sf) =	vpush v1, $0xE  }
0x121: {  	v29 =	vmul.f32 v38, v29;
	(v2sf) =	vpush v1, $0xF  }
0x122: {  	v30 =	vmul.f32 v38, v30;
	v12 =	vmul.f32 v42, v12;
	(v2sf) =	vpush v2, $0xC  }
0x123: {  	v19 =	vmul.f32 v44, v19;
	v27 =	vadd.f32 v45, v27;
	v28 =	vadd.f32 v45, v28  }
0x124: {  	v21 =	vmul.f32 v44, v21;
	(v2sf) =	vpush v2, $0xD;
	v24 =	vadd.f32 v45, v24  }
0x125: {  	v22 =	vmul.f32 v44, v22;
	(v2sf) =	vpush v2, $0xE;
	v19 =	vadd.f32 v27, v19  }
0x126: {  	v20 =	vmul.f32 v44, v20;
	v23 =	vadd.f32 v45, v23;
	(v2sf) =	vpush v2, $0xF  }
0x127: {  	v16 =	vmul.f32 v42, v16;
	v21 =	vadd.f32 v28, v21;
	v12 =	vadd.f32 v19, v12;
	v19 =	vld [tilespmem:s0+$0x4300]  }
0x128: {  	v13 =	vmul.f32 v42, v13;
	v22 =	vadd.f32 v24, v22;
	v20 =	vadd.f32 v23, v20  }
0x129: {  	v15 =	vmul.f32 v42, v15;
	(v2sf) =	vpush v3, $0xC;
	v16 =	vadd.f32 v21, v16  }
0x12a: {  	v9 =	vmul.f32 v38, v9;
	v13 =	vadd.f32 v22, v13;
	v12 =	vadd.f32 v12, v29  }
0x12b: {  	v10 =	vmul.f32 v38, v10;
	v15 =	vadd.f32 v20, v15;
	v16 =	vadd.f32 v16, v30  }
0x12c: {  	(v2sf) =	vpush v3, $0xD;
	v9 =	vadd.f32 v13, v9;
	v19 =	vmin.f32 v19, v12  }
0x12d: {  	(v2sf) =	vpush v3, $0xE;
	v10 =	vadd.f32 v15, v10;
	v13 =	vmin.f32 v19, v16  }
0x12e: {  	(v2sf) =	vpush v3, $0xF;
	v13 =	vmin.f32 v13, v9  }
0x12f: {  	v13 =	vmin.f32 v13, v10  }
0x130: {  	v15 =	vmax.f32 v37, v43;
	s2 =	spop (v2sf);
	v19 =	vmin.f32 v26, v12;
	v12 =	vmax.f32 v36, v12;
	[tilespmem:s0+$0x4300] =	vst v13  }
0x131: {  	s3 =	spop (v2sf);
	v13 =	vmin.f32 v35, v15;
	v15 =	vmin.f32 v32, v12;
	[tilespmem:s24+$0x5380] =	vst v19  }
0x132: {  	v4 =	vmin.f32 v4, v41;
	v14 =	vmin.f32 v14, v16;
	s2 =	smul.f32 s2, s2;
	s4 =	spop (v2sf);
	v12 =	vmax.f32 v32, v12;
	[tilespmem:s24+$0x5E80] =	vst v15  }
0x133: {  	s3 =	smul.f32 s3, s3;
	s1 =	spop (v2sf);
	v12 =	vmin.f32 v13, v12;
	v13 =	vmax.f32 v33, v41;
	v15 =	vmax.f32 v34, v16;
	[tilespmem:s24+$0x5390] =	vst v14  }
0x134: {  	s4 =	smul.f32 s4, s4;
	s5 =	spop (v2sf);
	[tilespmem:s24+$0x6980] =	vst v12;
	v12 =	vmin.f32 v31, v13;
	v13 =	vmin.f32 v4, v15;
	v4 =	vmax.f32 v4, v15  }
0x135: {  	v14 =	vmin.f32 v17, v40;
	s1 =	smul.f32 s1, s1;
	s25 =	spop (v2sf);
	v4 =	vmin.f32 v12, v4;
	[tilespmem:s24+$0x5E90] =	vst v13  }
0x136: {  	s5 =	smul.f32 s5, s5;
	s6 =	spop (v2sf);
	v12 =	vmax.f32 v25, v40;
	v13 =	vmin.f32 v6, v9;
	v6 =	vmax.f32 v6, v9;
	[tilespmem:s24+$0x6990] =	vst v4  }
0x137: {  	s0 =	smul.f32 s25, s25;
	s7 =	spop (v2sf);
	v4 =	vmin.f32 v18, v12;
	v9 =	vmin.f32 v14, v6;
	v6 =	vmax.f32 v14, v6;
	[tilespmem:s24+$0x53A0] =	vst v13  }
0x138: {  	v7 =	vmin.f32 v7, v39;
	s2 =	sadd.f32 s5, s2;
	s26 =	smul.f32 s6, s6;
	v4 =	vmin.f32 v4, v6;
	[tilespmem:s24+$0x5EA0] =	vst v9  }
0x139: {  	s8 =	spop (v2sf);
	v6 =	vmax.f32 v11, v39;
	v9 =	vmin.f32 v5, v10;
	v5 =	vmax.f32 v5, v10;
	s28 =	smul.f32 s7, s7;
	[tilespmem:s24+$0x69A0] =	vst v4  }
0x13a: {  	s0 =	sadd.f32 s0, s3;
	s8 =	smul.f32 s8, s8;
	v4 =	vmin.f32 v8, v6;
	v6 =	vmin.f32 v7, v5;
	v5 =	vmax.f32 v7, v5;
	[tilespmem:s24+$0x53B0] =	vst v9  }
0x13b: {  	s9 =	spop (v2sf);
	s3 =	sadd.f32 s26, s4;
	v4 =	vmin.f32 v4, v5;
	[tilespmem:s24+$0x5EB0] =	vst v6  }
0x13c: {  	s29 =	simm.s32 $0x0;
	v22 =	vbroadcast v3, $0xD;
	s10 =	spop (v2sf);
	s9 =	smul.f32 s9, s9;
	[tilespmem:s24+$0x69B0] =	vst v4  }
0x13d: {  	v17 =	vbroadcast v3, $0xC;
	v19 =	vbroadcast v2, $0xD;
	s1 =	sadd.f32 s28, s1;
	s11 =	spop (v2sf);
	v10 =	vld [tilespmem:s29+$0x2300]  }
0x13e: {  	v16 =	vbroadcast v1, $0xF;
	v14 =	vbroadcast v1, $0xE;
	s5 =	sadd.f32 s8, s2;
	s30 =	smul.f32 s10, s10;
	v18 =	vld [tilespmem:s29+$0x300]  }
0x13f: {  	v35 =	vimm.f32 $3.000000010e+38;
	v8 =	vbroadcast v1, $0xD;
	v7 =	vbroadcast v2, $0xE;
	s0 =	sadd.f32 s9, s0;
	s31 =	smul.f32 s11, s11;
	v20 =	vld [tilespmem:s29+$0x3300]  }
0x140: {  	v31 =	vimm.f32 $3.000000010e+38;
	v9 =	vbroadcast v2, $0xF;
	v6 =	vbroadcast v1, $0xC;
	v21 =	vld [tilespmem:s29+$0x1300];
	s3 =	sadd.f32 s30, s3  }
0x141: {  	v5 =	vbroadcast v2, $0xC;
	v1 =	vimm.f32 $3.000000010e+38;
	v4 =	vbroadcast v3, $0xE;
	s1 =	sadd.f32 s31, s1  }
0x142: {  	v3 =	vbroadcast v3, $0xF;
	v11 =	vmov s5;
	v12 =	vmov s0  }
0x143: {  	v13 =	vmov s3;
	v15 =	vmov s1;
	v2 =	vmul.f32 v10, v17  }
0x144: {  	v23 =	vadd.f32 v20, v11;
	v24 =	vmul.f32 v18, v6;
	v27 =	vmul.f32 v18, v8  }
0x145: {  	v26 =	vadd.f32 v20, v12;
	v28 =	vmul.f32 v21, v19;
	v29 =	vmul.f32 v21, v5  }
0x146: {  	v30 =	vmul.f32 v18, v14;
	v23 =	vadd.f32 v23, v24;
	v24 =	vadd.f32 v20, v13  }
0x147: {  	v18 =	vmul.f32 v18, v16;
	v26 =	vadd.f32 v26, v27;
	v20 =	vadd.f32 v20, v15  }
0x148: {  	v25 =	vmul.f32 v10, v22;
	v27 =	vld [tilespmem:s29+$0x4300];
	v23 =	vadd.f32 v23, v29;
	v24 =	vadd.f32 v24, v30  }
0x149: {  	v29 =	vmul.f32 v21, v7;
	v26 =	vadd.f32 v26, v28;
	v18 =	vadd.f32 v20, v18  }
0x14a: {  	v20 =	vmul.f32 v21, v9;
	v30 =	vimm.f32 $3.000000010e+38;
	v2 =	vadd.f32 v23, v2  }
0x14b: {  	v21 =	vadd.f32 v24, v29;
	v23 =	vmul.f32 v10, v4;
	v25 =	vadd.f32 v26, v25  }
0x14c: {  	v18 =	vadd.f32 v18, v20;
	v10 =	vmul.f32 v10, v3;
	v29 =	vimm.f32 $3.000000010e+38  }
0x14d: {  	v24 =	vmin.f32 v1, v2;
	v26 =	vmin.f32 v27, v2;
	v21 =	vadd.f32 v21, v23  }
0x14e: {  	v20 =	vmin.f32 v1, v25;
	v18 =	vadd.f32 v18, v10;
	v40 =	vmax.f32 v1, v2  }
0x14f: {  	v38 =	vmax.f32 v1, v25;
	v27 =	vimm.f32 $3.000000010e+38;
	v23 =	vmin.f32 v26, v25  }
0x150: {  	s0 =	simm.s32 $0x10;
	v28 =	vmin.f32 v1, v40;
	v26 =	vimm.f32 $3.000000010e+38;
	v10 =	vmin.f32 v1, v21  }
0x151: {  	v34 =	vld [tilespmem:s0+$0x2300];
	v23 =	vmin.f32 v23, v21;
	v2 =	vmin.f32 v1, v18;
	v39 =	vmax.f32 v1, v21  }
0x152: {  	v37 =	vld [tilespmem:s0+$0x1300];
	v36 =	vmax.f32 v1, v18;
	v21 =	vimm.f32 $3.000000010e+38;
	v25 =	vmin.f32 v23, v18  }
0x153: {  	v41 =	vld [tilespmem:s0+$0x300];
	s1 =	simm.s32 $0x80;
	v33 =	vmovc v24;
	v32 =	vmovc v20;
	v23 =	vimm.f32 $3.000000010e+38;
	v18 =	vimm.f32 $3.000000010e+38;
	[tilespmem:s29+$0x4300] =	vst v25;
	v25 =	vimm.f32 $3.000000010e+38  }
.LBB2_11:
0x154: {  	p0 =	sne.s32 s1, $0x3FC0;
	v42 =	vld [tilespmem:s0+$0x3300];
	v1 =	vmin.f32 v1, v38;
	v23 =	vmin.f32 v23, v39;
	v18 =	vmin.f32 v18, v36;
	v43 =	vmovc v10  }
0x155: {  	v40 =	vmax.f32 v35, v40;
	v38 =	vmax.f32 v30, v38;
	v39 =	vmax.f32 v27, v39;
	v30 =	vmovc v1  }
0x156: {  	v31 =	vmin.f32 v31, v40;
	v29 =	vmin.f32 v29, v38;
	v38 =	vmax.f32 v25, v36;
	v27 =	vmovc v23  }
0x157: {  	v35 =	vmovc v28;
	v26 =	vmin.f32 v26, v39;
	v25 =	vmovc v18;
	v36 =	vmov v2;
	v21 =	vmin.f32 v21, v38  }
0x158: {  	v38 =	vmul.f32 v34, v17;
	v39 =	vmul.f32 v34, v22  }
0x159: {  	v45 =	vmul.f32 v37, v19;
	v44 =	vmul.f32 v41, v6;
	v40 =	vadd.f32 v42, v11  }
0x15a: {  	v46 =	vmul.f32 v37, v5;
	v48 =	vmul.f32 v41, v8;
	v47 =	vadd.f32 v42, v12  }
0x15b: {  	v49 =	vmul.f32 v41, v14;
	v40 =	vadd.f32 v40, v44;
	v44 =	vadd.f32 v42, v13  }
0x15c: {  	v41 =	vmul.f32 v41, v16;
	v47 =	vadd.f32 v47, v48;
	v42 =	vadd.f32 v42, v15;
	v50 =	vld [tilespmem:s0+$0x4300]  }
0x15d: {  	v40 =	vadd.f32 v40, v46;
	v44 =	vadd.f32 v44, v49;
	v46 =	vmul.f32 v37, v7  }
0x15e: {  	v45 =	vadd.f32 v47, v45;
	v41 =	vadd.f32 v42, v41;
	v37 =	vmul.f32 v37, v9  }
0x15f: {  	v42 =	vmul.f32 v34, v4;
	v38 =	vadd.f32 v40, v38;
	v40 =	vadd.f32 v44, v46  }
0x160: {  	v34 =	vmul.f32 v34, v3;
	v39 =	vadd.f32 v45, v39;
	v37 =	vadd.f32 v41, v37  }
.Ltmp4:
0x161: {  	v24 =	vmin.f32 v24, v38;
	v41 =	vmin.f32 v50, v38;
	v42 =	vadd.f32 v40, v42;
	(pc) =	sbr.rel @p0 .LBB2_11-.Ltmp4, $4  }
0x162: {  	s2 =	sshra.s32 s1, $0x2;
	v20 =	vmin.f32 v20, v39;
	v44 =	vadd.f32 v37, v34;
	v41 =	vmin.f32 v41, v39  }
0x163: {  	v40 =	vmax.f32 v33, v38;
	v33 =	vmovc v24;
	v34 =	vld [tilespmem:s2+$0x2300];
	v10 =	vmin.f32 v10, v42;
	v41 =	vmin.f32 v41, v42  }
0x164: {  	v38 =	vmax.f32 v32, v39;
	v32 =	vmovc v20;
	v2 =	vmin.f32 v2, v44;
	v37 =	vld [tilespmem:s2+$0x1300];
	v45 =	vmin.f32 v41, v44  }
0x165: {  	s1 =	sadd.s32 $0x40, s1;
	v28 =	vmin.f32 v28, v40;
	v39 =	vmax.f32 v43, v42;
	v36 =	vmax.f32 v36, v44;
	v41 =	vld [tilespmem:s2+$0x300];
	[tilespmem:s0+$0x4300] =	vst v45;
	s0 =	smov.u32 s2  }
0x166: {  	v42 =	vld [tilespmem:s0+$0x3300];
	_ =	sdelay $0x3  }
0x167: {  	v17 =	vmul.f32 v34, v17;
	v22 =	vmul.f32 v34, v22  }
0x168: {  	v19 =	vmul.f32 v37, v19;
	v6 =	vmul.f32 v41, v6;
	v11 =	vadd.f32 v42, v11  }
0x169: {  	v5 =	vmul.f32 v37, v5;
	v8 =	vmul.f32 v41, v8;
	v12 =	vadd.f32 v42, v12  }
0x16a: {  	v61 =	vmul.f32 v41, v14;
	v60 =	vadd.f32 v42, v13;
	v6 =	vadd.f32 v11, v6  }
0x16b: {  	v62 =	vld [tilespmem:s0+$0x4300];
	v63 =	vadd.f32 v42, v15;
	v42 =	vmul.f32 v41, v16;
	v8 =	vadd.f32 v12, v8  }
0x16c: {  	v7 =	vmul.f32 v37, v7;
	v43 =	vadd.f32 v60, v61;
	v5 =	vadd.f32 v6, v5  }
0x16d: {  	v9 =	vmul.f32 v37, v9;
	v44 =	vadd.f32 v63, v42;
	v8 =	vadd.f32 v8, v19  }
0x16e: {  	v4 =	vmul.f32 v34, v4;
	v6 =	vadd.f32 v43, v7;
	v5 =	vadd.f32 v5, v17  }
0x16f: {  	v3 =	vmul.f32 v34, v3;
	v46 =	vadd.f32 v44, v9;
	v45 =	vadd.f32 v8, v22  }
0x170: {  	v4 =	vadd.f32 v6, v4;
	v47 =	vmin.f32 v62, v5  }
0x171: {  	v3 =	vadd.f32 v46, v3;
	v48 =	vmin.f32 v47, v45  }
0x172: {  	v6 =	vmin.f32 v48, v4  }
0x173: {  	v6 =	vmin.f32 v6, v3  }
0x174: {  	v49 =	vmax.f32 v35, v40;
	v50 =	vmin.f32 v24, v5;
	v5 =	vmax.f32 v33, v5;
	[tilespmem:s0+$0x4300] =	vst v6  }
0x175: {  	v51 =	vmin.f32 v31, v49;
	v52 =	vmin.f32 v28, v5;
	v5 =	vmax.f32 v28, v5;
	[tilespmem:s24+$0x53C0] =	vst v50  }
0x176: {  	v1 =	vmin.f32 v1, v38;
	v5 =	vmin.f32 v51, v5;
	[tilespmem:s24+$0x5EC0] =	vst v52  }
0x177: {  	v53 =	vmax.f32 v30, v38;
	v54 =	vmin.f32 v20, v45;
	v7 =	vmax.f32 v32, v45;
	[tilespmem:s24+$0x69C0] =	vst v5  }
0x178: {  	v55 =	vmin.f32 v29, v53;
	v56 =	vmin.f32 v1, v7;
	v1 =	vmax.f32 v1, v7;
	[tilespmem:s24+$0x53D0] =	vst v54  }
0x179: {  	v1 =	vmin.f32 v55, v1;
	[tilespmem:s24+$0x5ED0] =	vst v56  }
0x17a: {  	v57 =	vmin.f32 v23, v39;
	s23 =	sadd.s32 $0x1, s23;
	v59 =	vmin.f32 v10, v4;
	v4 =	vmax.f32 v10, v4;
	[tilespmem:s24+$0x69D0] =	vst v1  }
0x17b: {  	v58 =	vmax.f32 v27, v39;
	p0 =	sne.s32 s23, $0xB;
	v61 =	vmin.f32 v18, v36;
	v60 =	vmin.f32 v57, v4;
	[tilespmem:s24+$0x53E0] =	vst v59  }
.Ltmp5:
0x17c: {  	v63 =	vmin.f32 v2, v3;
	v4 =	vmax.f32 v57, v4;
	v1 =	vmin.f32 v26, v58;
	[tilespmem:s24+$0x5EE0] =	vst v60;
	(pc) =	sbr.rel @p0 .LBB2_4-.Ltmp5, $4  }
0x17d: {  	v62 =	vmax.f32 v25, v36;
	v2 =	vmax.f32 v2, v3;
	[tilespmem:s24+$0x53F0] =	vst v63;
	v1 =	vmin.f32 v1, v4  }
0x17e: {  	v3 =	vmin.f32 v61, v2;
	v2 =	vmax.f32 v61, v2;
	[tilespmem:s24+$0x69E0] =	vst v1;
	v1 =	vmin.f32 v21, v62  }
0x17f: {  	[tilespmem:s24+$0x5EF0] =	vst v3;
	v1 =	vmin.f32 v1, v2  }
0x180: {  	[tilespmem:s24+$0x69F0] =	vst v1  }
0x181: {  	s0 =	simm.s32 $0x0  }
0x182: {  	v1 =	vld [tilespmem:s0+$0x6900];
	_ =	sdelay $0x2  }
0x183: {  	v2 =	vld [tilespmem:s0+$0x5300]  }
0x184: {  	v3 =	vld [tilespmem:s0+$0x5E00]  }
0x185: {  	(v2sf) =	vpush v1, $0xF  }
0x186: {  	(v2sf) =	vpush v1, $0xE  }
0x187: {  	(v2sf) =	vpush v1, $0xD  }
0x188: {  	(v2sf) =	vpush v2, $0xF  }
0x189: {  	(v2sf) =	vpush v3, $0xF  }
0x18a: {  	(v2sf) =	vpush v1, $0xC  }
0x18b: {  	(v2sf) =	vpush v2, $0xE  }
0x18c: {  	(v2sf) =	vpush v3, $0xE  }
0x18d: {  	(v2sf) =	vpush v1, $0xB  }
0x18e: {  	(v2sf) =	vpush v2, $0xD  }
0x18f: {  	(v2sf) =	vpush v3, $0xD  }
0x190: {  	(v2sf) =	vpush v1, $0xA  }
0x191: {  	(v2sf) =	vpush v2, $0xC  }
0x192: {  	(v2sf) =	vpush v3, $0xC  }
0x193: {  	(v2sf) =	vpush v1, $0x9  }
0x194: {  	(v2sf) =	vpush v2, $0xB;
	s11 =	spop (v2sf)  }
0x195: {  	(v2sf) =	vpush v3, $0xB;
	s12 =	spop (v2sf)  }
0x196: {  	(v2sf) =	vpush v1, $0x8;
	s13 =	spop (v2sf)  }
0x197: {  	(v2sf) =	vpush v2, $0xA;
	s14 =	spop (v2sf)  }
0x198: {  	(v2sf) =	vpush v3, $0xA;
	s18 =	spop (v2sf)  }
0x199: {  	(v2sf) =	vpush v1, $0x7;
	s15 =	spop (v2sf)  }
0x19a: {  	(v2sf) =	vpush v2, $0x9;
	s16 =	spop (v2sf)  }
0x19b: {  	(v2sf) =	vpush v3, $0x9;
	s17 =	spop (v2sf)  }
0x19c: {  	(v2sf) =	vpush v1, $0x6;
	s19 =	spop (v2sf)  }
0x19d: {  	(v2sf) =	vpush v2, $0x8;
	s20 =	spop (v2sf)  }
0x19e: {  	(v2sf) =	vpush v3, $0x8;
	s21 =	spop (v2sf)  }
0x19f: {  	(v2sf) =	vpush v1, $0x5;
	s22 =	spop (v2sf)  }
0x1a0: {  	(v2sf) =	vpush v2, $0x7;
	s23 =	spop (v2sf)  }
0x1a1: {  	(v2sf) =	vpush v3, $0x7;
	s24 =	spop (v2sf)  }
0x1a2: {  	(v2sf) =	vpush v1, $0x4;
	s25 =	spop (v2sf)  }
0x1a3: {  	(v2sf) =	vpush v2, $0x6;
	s26 =	spop (v2sf)  }
0x1a4: {  	(v2sf) =	vpush v3, $0x6;
	s28 =	spop (v2sf)  }
0x1a5: {  	(v2sf) =	vpush v1, $0x3;
	s29 =	spop (v2sf)  }
0x1a6: {  	(v2sf) =	vpush v2, $0x5;
	s30 =	spop (v2sf)  }
0x1a7: {  	(v2sf) =	vpush v3, $0x5;
	s31 =	spop (v2sf)  }
0x1a8: {  	[dreg:$0x3] =	wrdreg s14;
	(v2sf) =	vpush v1, $0x2;
	s14 =	spop (v2sf)  }
0x1a9: {  	(v2sf) =	vpush v2, $0x4;
	s1 =	spop (v2sf)  }
0x1aa: {  	(v2sf) =	vpush v3, $0x4;
	s2 =	spop (v2sf)  }
0x1ab: {  	[dreg:$0xa] =	wrdreg s20;
	(v2sf) =	vpush v1, $0x1;
	s20 =	spop (v2sf)  }
0x1ac: {  	[dreg:$0x6] =	wrdreg s16;
	(v2sf) =	vpush v2, $0x3;
	s16 =	spop (v2sf)  }
0x1ad: {  	[smem:$0x7F6] =	sst s15;
	(v2sf) =	vpush v3, $0x3;
	s15 =	spop (v2sf)  }
0x1ae: {  	[smem:$0x7F7] =	sst s23;
	(v2sf) =	vpush v1, $0x0;
	s23 =	spop (v2sf)  }
0x1af: {  	[smem:$0x7F3] =	sst s19;
	(v2sf) =	vpush v2, $0x2;
	s19 =	spop (v2sf)  }
0x1b0: {  	[dreg:$0x5] =	wrdreg s17;
	(v2sf) =	vpush v3, $0x2;
	s17 =	spop (v2sf)  }
0x1b1: {  	[dreg:$0x4] =	wrdreg s12;
	(v2sf) =	vpush v2, $0x1;
	s12 =	spop (v2sf)  }
0x1b2: {  	[smem:$0x7F0] =	sst s22;
	(v2sf) =	vpush v3, $0x1;
	s22 =	spop (v2sf)  }
0x1b3: {  	[dreg:$0x9] =	wrdreg s21;
	(v2sf) =	vpush v2, $0x0;
	s21 =	spop (v2sf)  }
0x1b4: {  	[smem:$0x7F5] =	sst s28;
	(v2sf) =	vpush v3, $0x0;
	s28 =	spop (v2sf)  }
0x1b5: {  	[smem:$0x7ED] =	sst s25;
	s25 =	spop (v2sf)  }
0x1b6: {  	[dreg:$0xb] =	wrdreg s24;
	s24 =	spop (v2sf)  }
0x1b7: {  	[smem:$0x7EC] =	sst s29;
	s29 =	spop (v2sf)  }
0x1b8: {  	[smem:$0x7F4] =	sst s26;
	s26 =	spop (v2sf)  }
0x1b9: {  	[dreg:$0x7] =	wrdreg s13;
	s13 =	spop (v2sf)  }
0x1ba: {  	[smem:$0x7F1] =	sst s30;
	s30 =	spop (v2sf)  }
0x1bb: {  	[smem:$0x7F2] =	sst s31;
	s31 =	spop (v2sf)  }
0x1bc: {  	[dreg:$0x2] =	wrdreg s11;
	s11 =	spop (v2sf)  }
0x1bd: {  	s7 =	spop (v2sf)  }
0x1be: {  	[smem:$0x7EE] =	sst s1;
	s5 =	spop (v2sf)  }
0x1bf: {  	[smem:$0x7EF] =	sst s2;
	s8 =	spop (v2sf)  }
0x1c0: {  	s3 =	smin.f32 s7, $3.000000010e+38;
	s4 =	spop (v2sf)  }
0x1c1: {  	s6 =	smax.f32 s3, s30;
	s2 =	spop (v2sf)  }
0x1c2: {  	s3 =	smin.f32 s3, s30;
	s30 =	spop (v2sf)  }
0x1c3: {  	s7 =	smax.f32 s7, $3.000000010e+38;
	s10 =	spop (v2sf)  }
0x1c4: {  	s0 =	smin.f32 s30, $3.000000010e+38;
	s1 =	smin.f32 s10, $3.000000010e+38  }
0x1c5: {  	s9 =	smax.f32 s0, s4;
	s0 =	smin.f32 s0, s4  }
0x1c6: {  	s10 =	smax.f32 s10, $3.000000010e+38;
	s4 =	smax.f32 s1, s2  }
0x1c7: {  	s1 =	smin.f32 s1, s2;
	s2 =	smax.f32 s3, s29  }
0x1c8: {  	s3 =	smin.f32 s3, s29;
	s29 =	smax.f32 s0, s5  }
0x1c9: {  	s0 =	smin.f32 s0, s5;
	s5 =	smin.f32 s7, $3.000000010e+38  }
0x1ca: {  	s10 =	smin.f32 s10, $3.000000010e+38;
	s7 =	smax.f32 s1, s8  }
0x1cb: {  	s1 =	smin.f32 s1, s8;
	s8 =	smax.f32 s5, s6  }
0x1cc: {  	s6 =	smin.f32 s5, s6;
	s5 =	smin.f32 s5, s8  }
0x1cd: {  	s8 =	smax.f32 s6, s2;
	s2 =	smin.f32 s6, s2  }
0x1ce: {  	s6 =	smax.f32 s30, $3.000000010e+38;
	s30 =	smax.f32 s3, s28  }
0x1cf: {  	s3 =	smin.f32 s3, s28;
	s6 =	smin.f32 s6, $3.000000010e+38  }
0x1d0: {  	s5 =	smin.f32 s5, s8;
	s8 =	smax.f32 s2, s30  }
0x1d1: {  	s2 =	smin.f32 s2, s30;
	s28 =	smax.f32 s6, s9  }
0x1d2: {  	s9 =	smin.f32 s6, s9;
	s5 =	smin.f32 s5, s8  }
0x1d3: {  	s6 =	smin.f32 s6, s28;
	s28 =	smax.f32 s9, s29  }
0x1d4: {  	s9 =	smin.f32 s9, s29;
	s29 =	smax.f32 s0, s31  }
0x1d5: {  	s0 =	smin.f32 s0, s31;
	s31 =	smax.f32 s10, s4  }
0x1d6: {  	s4 =	smin.f32 s10, s4;
	s10 =	smin.f32 s10, s31  }
0x1d7: {  	s31 =	smax.f32 s4, s7;
	s4 =	smin.f32 s4, s7  }
0x1d8: {  	s7 =	smax.f32 s1, s11;
	s1 =	smin.f32 s1, s11  }
0x1d9: {  	s6 =	smin.f32 s6, s28;
	s11 =	smax.f32 s3, s12  }
0x1da: {  	s3 =	smin.f32 s3, s12;
	s12 =	smax.f32 s9, s29  }
0x1db: {  	s9 =	smin.f32 s9, s29;
	s28 =	smax.f32 s0, s26  }
0x1dc: {  	s0 =	smin.f32 s0, s26;
	s10 =	smin.f32 s10, s31  }
0x1dd: {  	s29 =	smax.f32 s4, s7;
	s4 =	smin.f32 s4, s7  }
0x1de: {  	s30 =	smax.f32 s1, s13;
	s1 =	smin.f32 s1, s13  }
0x1df: {  	s31 =	smax.f32 s2, s11;
	s2 =	smin.f32 s2, s11  }
0x1e0: {  	s13 =	smax.f32 s3, s23;
	s3 =	smin.f32 s3, s23  }
0x1e1: {  	s6 =	smin.f32 s6, s12;
	s23 =	smax.f32 s9, s28  }
0x1e2: {  	s9 =	smin.f32 s9, s28;
	s28 =	smax.f32 s0, s25  }
0x1e3: {  	s0 =	smin.f32 s0, s25;
	s11 =	sld [smem:$0x7ED]  }
0x1e4: {  	s10 =	smin.f32 s10, s29;
	s29 =	smax.f32 s4, s30  }
0x1e5: {  	s4 =	smin.f32 s4, s30;
	s30 =	smax.f32 s1, s24  }
0x1e6: {  	s1 =	smin.f32 s1, s24;
	s5 =	smin.f32 s5, s31  }
0x1e7: {  	s31 =	smax.f32 s2, s13;
	s2 =	smin.f32 s2, s13  }
0x1e8: {  	s6 =	smin.f32 s6, s23;
	s12 =	smax.f32 s3, s20  }
0x1e9: {  	s3 =	smin.f32 s3, s20;
	s24 =	smax.f32 s9, s28  }
0x1ea: {  	s9 =	smin.f32 s9, s28;
	s25 =	smax.f32 s0, s22  }
0x1eb: {  	s0 =	smin.f32 s0, s22;
	s10 =	smin.f32 s10, s29  }
0x1ec: {  	s26 =	smax.f32 s4, s30;
	s4 =	smin.f32 s4, s30  }
0x1ed: {  	s28 =	smax.f32 s1, s21;
	s1 =	smin.f32 s1, s21  }
0x1ee: {  	s5 =	smin.f32 s5, s31;
	s29 =	smax.f32 s2, s12  }
0x1ef: {  	s2 =	smin.f32 s2, s12;
	s30 =	smax.f32 s3, s14  }
0x1f0: {  	s3 =	smin.f32 s3, s14;
	s6 =	smin.f32 s6, s24  }
0x1f1: {  	s31 =	smax.f32 s9, s25;
	s9 =	smin.f32 s9, s25  }
0x1f2: {  	s14 =	smax.f32 s0, s19;
	s24 =	sld [smem:$0x7EC]  }
0x1f3: {  	s0 =	smin.f32 s0, s19;
	s19 =	sld [smem:$0x7EE]  }
0x1f4: {  	s10 =	smin.f32 s10, s26;
	s21 =	smax.f32 s4, s28  }
0x1f5: {  	s4 =	smin.f32 s4, s28;
	s22 =	smax.f32 s1, s17  }
0x1f6: {  	s1 =	smin.f32 s1, s17;
	s5 =	smin.f32 s5, s29  }
0x1f7: {  	s23 =	smax.f32 s2, s30;
	s2 =	smin.f32 s2, s30  }
0x1f8: {  	s6 =	smin.f32 s6, s31;
	s26 =	smax.f32 s9, s14  }
0x1f9: {  	s9 =	smin.f32 s9, s14;
	s28 =	smax.f32 s0, s16  }
0x1fa: {  	s0 =	smin.f32 s0, s16;
	s10 =	smin.f32 s10, s21  }
0x1fb: {  	s29 =	smax.f32 s4, s22;
	s4 =	smin.f32 s4, s22  }
0x1fc: {  	s30 =	smax.f32 s1, s15;
	s1 =	smin.f32 s1, s15  }
0x1fd: {  	s5 =	smin.f32 s5, s23;
	s6 =	smin.f32 s6, s26  }
0x1fe: {  	s17 =	smax.f32 s9, s28;
	s9 =	smin.f32 s9, s28  }
0x1ff: {  	s22 =	sld [smem:$0x7EF];
	s25 =	smax.f32 s3, s24  }
0x200: {  	s3 =	smin.f32 s3, s24;
	s20 =	smax.f32 s0, s19  }
0x201: {  	s0 =	smin.f32 s0, s19;
	s10 =	smin.f32 s10, s29  }
0x202: {  	s21 =	smax.f32 s4, s30;
	s4 =	smin.f32 s4, s30  }
0x203: {  	s6 =	smin.f32 s6, s17;
	s29 =	sld [smem:$0x7F1]  }
0x204: {  	s31 =	smax.f32 s2, s25;
	s2 =	smin.f32 s2, s25  }
0x205: {  	s16 =	smax.f32 s3, s11;
	s3 =	smin.f32 s3, s11  }
0x206: {  	s25 =	sld [smem:$0x7F0];
	s28 =	smax.f32 s9, s20  }
0x207: {  	s9 =	smin.f32 s9, s20;
	s10 =	smin.f32 s10, s21  }
0x208: {  	s20 =	sld [smem:$0x7F3];
	s23 =	smax.f32 s1, s22  }
0x209: {  	s1 =	smin.f32 s1, s22;
	s5 =	smin.f32 s5, s31  }
0x20a: {  	s24 =	smax.f32 s2, s16;
	s2 =	smin.f32 s2, s16  }
0x20b: {  	s16 =	sld [smem:$0x7F2];
	s12 =	smin.f32 s6, s28  }
0x20c: {  	s30 =	smax.f32 s0, s29;
	s0 =	smin.f32 s0, s29  }
0x20d: {  	s31 =	smax.f32 s4, s23;
	s4 =	smin.f32 s4, s23  }
0x20e: {  	s5 =	smin.f32 s5, s24;
	s24 =	sld [smem:$0x7F4]  }
0x20f: {  	s29 =	sld [smem:$0x7F5];
	s26 =	smax.f32 s3, s25  }
0x210: {  	s3 =	smin.f32 s3, s25;
	s22 =	smax.f32 s9, s30  }
0x211: {  	s23 =	smin.f32 s9, s30;
	s30 =	sld [smem:$0x7F6]  }
0x212: {  	s14 =	smin.f32 s10, s31;
	s31 =	sld [smem:$0x7F7]  }
0x213: {  	s17 =	smax.f32 s1, s16;
	s15 =	smin.f32 s1, s16  }
0x214: {  	s19 =	smax.f32 s2, s26;
	s11 =	smin.f32 s2, s26  }
0x215: {  	s21 =	smax.f32 s3, s20;
	s3 =	smin.f32 s3, s20  }
0x216: {  	s25 =	smax.f32 s0, s24;
	s26 =	smin.f32 s0, s24  }
0x217: {  	s28 =	smax.f32 s4, s17;
	s1 =	smin.f32 s4, s17  }
0x218: {  	s8 =	smax.f32 s15, s29;
	s2 =	smin.f32 s15, s29  }
0x219: {  	s6 =	smin.f32 s5, s19;
	s9 =	smax.f32 s11, s21  }
0x21a: {  	s7 =	smin.f32 s11, s21;
	s0 =	smin.f32 s12, s22  }
0x21b: {  	s13 =	smax.f32 s3, s30;
	s10 =	smin.f32 s3, s30  }
0x21c: {  	s11 =	smax.f32 s23, s25;
	s3 =	smin.f32 s23, s25  }
0x21d: {  	s16 =	simm.f32 $0.0e+00;
	s12 =	smax.f32 s26, s31;
	s4 =	smin.f32 s26, s31  }
0x21e: {  	s15 =	simm.s32 $0x40;
	s5 =	smin.f32 s14, s28;
	s14 =	smax.f32 s1, s8  }
.LBB2_14:
0x21f: {  	[dreg:$0xc] =	wrdreg s15  }
0x220: {  	s1 =	smin.f32 s1, s8;
	s24 =	rddreg [dreg:$0xb]  }
0x221: {  	s6 =	smin.f32 s6, s9;
	s26 =	smax.f32 s7, s13  }
0x222: {  	s28 =	smin.f32 s7, s13;
	s29 =	rddreg [dreg:$0x7]  }
0x223: {  	s0 =	smin.f32 s0, s11;
	s17 =	smax.f32 s3, s12  }
0x224: {  	s19 =	smin.f32 s3, s12;
	s20 =	rddreg [dreg:$0xa]  }
0x225: {  	s5 =	smin.f32 s5, s14;
	s12 =	rddreg [dreg:$0x6]  }
0x226: {  	s25 =	smax.f32 s2, s24;
	s2 =	smin.f32 s2, s24  }
0x227: {  	s30 =	smax.f32 s10, s29;
	s31 =	smin.f32 s10, s29  }
0x228: {  	s21 =	smax.f32 s4, s20;
	s22 =	smin.f32 s4, s20  }
0x229: {  	s24 =	rddreg [dreg:$0x9];
	s6 =	smin.f32 s6, s26  }
0x22a: {  	s11 =	smin.f32 s0, s17;
	s20 =	rddreg [dreg:$0x5]  }
0x22b: {  	s23 =	smax.f32 s1, s25;
	s1 =	smin.f32 s1, s25  }
0x22c: {  	s25 =	smax.f32 s2, s24;
	s2 =	smin.f32 s2, s24  }
0x22d: {  	s26 =	smax.f32 s28, s30;
	s7 =	smin.f32 s28, s30  }
0x22e: {  	s28 =	rddreg [dreg:$0x4];
	s3 =	smin.f32 s19, s21  }
0x22f: {  	s17 =	smax.f32 s22, s12;
	s4 =	smin.f32 s22, s12  }
0x230: {  	s29 =	smax.f32 s31, s28;
	s30 =	smin.f32 s31, s28  }
0x231: {  	s31 =	smax.f32 s19, s21;
	s5 =	smin.f32 s5, s23  }
0x232: {  	s19 =	smax.f32 s1, s25;
	s1 =	smin.f32 s1, s25  }
0x233: {  	s21 =	smax.f32 s2, s20;
	s2 =	smin.f32 s2, s20  }
0x234: {  	s6 =	smin.f32 s6, s26;
	s23 =	rddreg [dreg:$0x2]  }
0x235: {  	s25 =	smax.f32 s3, s17;
	s3 =	smin.f32 s3, s17  }
0x236: {  	s26 =	rddreg [dreg:$0x3];
	s22 =	smax.f32 s7, s29  }
0x237: {  	s7 =	smin.f32 s7, s29;
	s24 =	smax.f32 s30, s23  }
0x238: {  	s0 =	smin.f32 s30, s23;
	s10 =	smin.f32 s11, s31  }
0x239: {  	s28 =	smax.f32 s4, s26;
	s4 =	smin.f32 s4, s26  }
0x23a: {  	s5 =	smin.f32 s5, s19;
	s29 =	smax.f32 s1, s21  }
0x23b: {  	p0 =	sne.s32 s15, $0x2BC0;
	s1 =	smin.f32 s1, s21;
	s31 =	rddreg [dreg:$0xc]  }
0x23c: {  	s30 =	smax.f32 s2, s18;
	s2 =	smin.f32 s2, s18;
	s15 =	sshra.s32 s31, $0x2  }
0x23d: {  	s6 =	smin.f32 s6, s22;
	s17 =	smax.f32 s7, s24;
	v3 =	vld [tilespmem:s15+$0x6900]  }
0x23e: {  	s10 =	smin.f32 s10, s25;
	s7 =	smin.f32 s7, s24  }
0x23f: {  	s18 =	smax.f32 s3, s28;
	s3 =	smin.f32 s3, s28  }
0x240: {  	s5 =	smin.f32 s5, s29;
	s19 =	smax.f32 s1, s30;
	v1 =	vld [tilespmem:s15+$0x5300]  }
0x241: {  	s1 =	smin.f32 s1, s30;
	s20 =	smax.f32 s4, s2;
	v2 =	vld [tilespmem:s15+$0x5E00]  }
0x242: {  	s2 =	smin.f32 s4, s2;
	s6 =	smin.f32 s6, s17;
	(v2sf) =	vpush v3, $0xF  }
0x243: {  	s21 =	smin.f32 s10, s18;
	s22 =	smax.f32 s3, s20;
	(v2sf) =	vpush v3, $0xE  }
0x244: {  	s5 =	smin.f32 s5, s19;
	s3 =	smin.f32 s3, s20;
	(v2sf) =	vpush v3, $0xD  }
0x245: {  	s23 =	smax.f32 s2, s1;
	s1 =	smin.f32 s2, s1;
	(v2sf) =	vpush v1, $0xF  }
0x246: {  	s24 =	smin.f32 s21, s22;
	s25 =	smax.f32 s3, s23;
	(v2sf) =	vpush v2, $0xF  }
0x247: {  	s3 =	smin.f32 s3, s23;
	s26 =	smax.f32 s1, s5;
	(v2sf) =	vpush v3, $0xC  }
0x248: {  	s1 =	smin.f32 s1, s5;
	s2 =	smin.f32 s24, s25;
	(v2sf) =	vpush v1, $0xE  }
0x249: {  	s28 =	smax.f32 s3, s26;
	s3 =	smin.f32 s3, s26;
	(v2sf) =	vpush v2, $0xE  }
0x24a: {  	s5 =	smax.f32 s1, s0;
	s0 =	smin.f32 s1, s0;
	(v2sf) =	vpush v3, $0xB  }
0x24b: {  	s29 =	smin.f32 s2, s28;
	s30 =	smax.f32 s3, s5;
	(v2sf) =	vpush v1, $0xD  }
0x24c: {  	s3 =	smin.f32 s3, s5;
	s31 =	smax.f32 s0, s7;
	(v2sf) =	vpush v2, $0xD  }
0x24d: {  	s0 =	smin.f32 s0, s7;
	s1 =	smin.f32 s29, s30;
	(v2sf) =	vpush v3, $0xA  }
0x24e: {  	s5 =	smax.f32 s3, s31;
	s7 =	smin.f32 s0, s6;
	(v2sf) =	vpush v1, $0xC  }
0x24f: {  	s3 =	smin.f32 s3, s31;
	s0 =	smax.f32 s0, s6;
	(v2sf) =	vpush v2, $0xC  }
0x250: {  	s1 =	smin.f32 s1, s5;
	s8 =	smin.f32 s3, s0;
	(v2sf) =	vpush v3, $0x9  }
0x251: {  	s0 =	smax.f32 s3, s0;
	(v2sf) =	vpush v1, $0xB;
	s9 =	spop (v2sf)  }
0x252: {  	s2 =	sadd.f32 s8, s7;
	(v2sf) =	vpush v2, $0xB;
	s10 =	spop (v2sf)  }
0x253: {  	s0 =	smin.f32 s1, s0;
	(v2sf) =	vpush v3, $0x8;
	s11 =	spop (v2sf)  }
0x254: {  	s0 =	sadd.f32 s0, s2;
	(v2sf) =	vpush v1, $0xA;
	s12 =	spop (v2sf)  }
0x255: {  	(v2sf) =	vpush v2, $0xA;
	s13 =	spop (v2sf)  }
0x256: {  	s16 =	sadd.f32 s0, s16;
	(v2sf) =	vpush v3, $0x7;
	s14 =	spop (v2sf)  }
0x257: {  	(v2sf) =	vpush v1, $0x9;
	s15 =	spop (v2sf)  }
0x258: {  	[dreg:$0x8] =	wrdreg s16;
	(v2sf) =	vpush v2, $0x9;
	s16 =	spop (v2sf)  }
0x259: {  	(v2sf) =	vpush v3, $0x6;
	s17 =	spop (v2sf)  }
0x25a: {  	(v2sf) =	vpush v1, $0x8;
	s18 =	spop (v2sf)  }
0x25b: {  	(v2sf) =	vpush v2, $0x8;
	s19 =	spop (v2sf)  }
0x25c: {  	(v2sf) =	vpush v3, $0x5;
	s20 =	spop (v2sf)  }
0x25d: {  	(v2sf) =	vpush v1, $0x7;
	s21 =	spop (v2sf)  }
0x25e: {  	(v2sf) =	vpush v2, $0x7;
	s22 =	spop (v2sf)  }
0x25f: {  	(v2sf) =	vpush v3, $0x4;
	s23 =	spop (v2sf)  }
0x260: {  	(v2sf) =	vpush v1, $0x6;
	s24 =	spop (v2sf)  }
0x261: {  	(v2sf) =	vpush v2, $0x6;
	s25 =	spop (v2sf)  }
0x262: {  	(v2sf) =	vpush v3, $0x3;
	s26 =	spop (v2sf)  }
0x263: {  	[dreg:$0x2] =	wrdreg s9;
	(v2sf) =	vpush v1, $0x5;
	s28 =	spop (v2sf)  }
0x264: {  	[dreg:$0x4] =	wrdreg s10;
	(v2sf) =	vpush v2, $0x5;
	s29 =	spop (v2sf)  }
0x265: {  	[dreg:$0x3] =	wrdreg s12;
	(v2sf) =	vpush v3, $0x2;
	s12 =	spop (v2sf)  }
0x266: {  	[dreg:$0x7] =	wrdreg s11;
	(v2sf) =	vpush v1, $0x4;
	s30 =	spop (v2sf)  }
0x267: {  	[dreg:$0xd] =	wrdreg s13;
	(v2sf) =	vpush v2, $0x4;
	s31 =	spop (v2sf)  }
0x268: {  	[dreg:$0xb] =	wrdreg s22;
	(v2sf) =	vpush v3, $0x1;
	s22 =	spop (v2sf)  }
0x269: {  	[dreg:$0xe] =	wrdreg s14;
	(v2sf) =	vpush v1, $0x3;
	s1 =	spop (v2sf)  }
0x26a: {  	[dreg:$0x6] =	wrdreg s15;
	(v2sf) =	vpush v2, $0x3;
	s2 =	spop (v2sf)  }
0x26b: {  	[dreg:$0x12] =	wrdreg s24;
	(v2sf) =	vpush v3, $0x0;
	s24 =	spop (v2sf)  }
0x26c: {  	[dreg:$0x5] =	wrdreg s16;
	(v2sf) =	vpush v1, $0x2;
	s15 =	spop (v2sf)  }
0x26d: {  	[dreg:$0x10] =	wrdreg s17;
	(v2sf) =	vpush v2, $0x2;
	s14 =	spop (v2sf)  }
0x26e: {  	[dreg:$0x15] =	wrdreg s28;
	(v2sf) =	vpush v1, $0x1;
	s28 =	spop (v2sf)  }
0x26f: {  	[dreg:$0x16] =	wrdreg s23;
	s23 =	spop (v2sf);
	(v2sf) =	vpush v2, $0x1  }
0x270: {  	[dreg:$0xa] =	wrdreg s18;
	(v2sf) =	vpush v1, $0x0;
	s11 =	spop (v2sf)  }
0x271: {  	[dreg:$0x9] =	wrdreg s19;
	(v2sf) =	vpush v2, $0x0;
	s10 =	spop (v2sf)  }
0x272: {  	[dreg:$0x19] =	wrdreg s26;
	s26 =	spop (v2sf)  }
0x273: {  	[dreg:$0x11] =	wrdreg s25;
	s25 =	spop (v2sf)  }
0x274: {  	[dreg:$0x13] =	wrdreg s20;
	s17 =	spop (v2sf)  }
0x275: {  	[dreg:$0x18] =	wrdreg s30;
	s30 =	spop (v2sf)  }
0x276: {  	[dreg:$0x14] =	wrdreg s29;
	s29 =	spop (v2sf)  }
0x277: {  	[dreg:$0xf] =	wrdreg s21;
	s18 =	spop (v2sf)  }
0x278: {  	[dreg:$0x17] =	wrdreg s31;
	s13 =	spop (v2sf)  }
0x279: {  	[dreg:$0x1b] =	wrdreg s1;
	s9 =	spop (v2sf)  }
0x27a: {  	[dreg:$0x1a] =	wrdreg s2;
	s31 =	spop (v2sf)  }
0x27b: {  	s19 =	spop (v2sf);
	s5 =	smax.f32 s31, $3.000000010e+38  }
0x27c: {  	s31 =	smin.f32 s31, $3.000000010e+38;
	s20 =	spop (v2sf)  }
0x27d: {  	s8 =	smax.f32 s31, s18;
	s21 =	spop (v2sf)  }
0x27e: {  	s18 =	smin.f32 s31, s18;
	s16 =	spop (v2sf)  }
0x27f: {  	s2 =	smax.f32 s18, s17;
	s3 =	spop (v2sf)  }
0x280: {  	s17 =	smin.f32 s18, s17;
	s4 =	spop (v2sf)  }
0x281: {  	s6 =	smax.f32 s3, $3.000000010e+38;
	s0 =	smin.f32 s3, $3.000000010e+38  }
0x282: {  	s3 =	smin.f32 s5, $3.000000010e+38;
	s7 =	smax.f32 s4, $3.000000010e+38  }
0x283: {  	s1 =	smin.f32 s4, $3.000000010e+38;
	s5 =	smin.f32 s6, $3.000000010e+38  }
0x284: {  	s31 =	smax.f32 s0, s21;
	s0 =	smin.f32 s0, s21  }
0x285: {  	s4 =	smin.f32 s3, s8;
	s7 =	smin.f32 s7, $3.000000010e+38  }
0x286: {  	s6 =	smax.f32 s1, s16;
	s1 =	smin.f32 s1, s16  }
0x287: {  	s16 =	smax.f32 s3, s8;
	s8 =	smax.f32 s5, s31  }
0x288: {  	s18 =	smin.f32 s5, s31;
	s31 =	smax.f32 s0, s19  }
0x289: {  	s0 =	smin.f32 s0, s19;
	s19 =	smax.f32 s7, s6  }
0x28a: {  	s21 =	smin.f32 s7, s6;
	s6 =	smax.f32 s1, s20  }
0x28b: {  	s1 =	smin.f32 s1, s20;
	s3 =	smin.f32 s3, s16  }
0x28c: {  	s16 =	smax.f32 s4, s2;
	s2 =	smin.f32 s4, s2  }
0x28d: {  	s4 =	smax.f32 s17, s10;
	s10 =	smin.f32 s17, s10  }
0x28e: {  	s5 =	smin.f32 s5, s8;
	s17 =	smax.f32 s18, s31  }
0x28f: {  	s18 =	smin.f32 s18, s31;
	s20 =	smax.f32 s0, s13  }
0x290: {  	s0 =	smin.f32 s0, s13;
	s7 =	smin.f32 s7, s19  }
0x291: {  	s13 =	smax.f32 s21, s6;
	s6 =	smin.f32 s21, s6  }
0x292: {  	s19 =	smax.f32 s1, s9;
	s1 =	smin.f32 s1, s9  }
0x293: {  	s3 =	smin.f32 s3, s16;
	s9 =	smax.f32 s2, s4  }
0x294: {  	s2 =	smin.f32 s2, s4;
	s31 =	smax.f32 s10, s28  }
0x295: {  	s5 =	smin.f32 s5, s17;
	s10 =	smin.f32 s10, s28  }
0x296: {  	s16 =	smax.f32 s18, s20;
	s18 =	smin.f32 s18, s20  }
0x297: {  	s20 =	smax.f32 s0, s30;
	s0 =	smin.f32 s0, s30  }
0x298: {  	s7 =	smin.f32 s7, s13;
	s21 =	smax.f32 s6, s19  }
0x299: {  	s6 =	smin.f32 s6, s19;
	s28 =	smax.f32 s1, s29  }
0x29a: {  	s1 =	smin.f32 s1, s29;
	s3 =	smin.f32 s3, s9  }
0x29b: {  	s29 =	smax.f32 s2, s31;
	s2 =	smin.f32 s2, s31  }
0x29c: {  	s30 =	smax.f32 s10, s24;
	s8 =	smin.f32 s10, s24  }
0x29d: {  	s5 =	smin.f32 s5, s16;
	s31 =	smax.f32 s18, s20  }
0x29e: {  	s16 =	smin.f32 s18, s20;
	s19 =	smax.f32 s0, s26  }
0x29f: {  	s0 =	smin.f32 s0, s26;
	s7 =	smin.f32 s7, s21  }
0x2a0: {  	s20 =	smax.f32 s6, s28;
	s6 =	smin.f32 s6, s28  }
0x2a1: {  	s21 =	smax.f32 s1, s25;
	s1 =	smin.f32 s1, s25  }
0x2a2: {  	s3 =	smin.f32 s3, s29;
	s24 =	smax.f32 s2, s30  }
0x2a3: {  	s2 =	smin.f32 s2, s30;
	s25 =	smax.f32 s8, s22  }
0x2a4: {  	s5 =	smin.f32 s5, s31;
	s8 =	smin.f32 s8, s22  }
0x2a5: {  	s26 =	smax.f32 s16, s19;
	s16 =	smin.f32 s16, s19  }
0x2a6: {  	s28 =	smax.f32 s0, s23;
	s0 =	smin.f32 s0, s23  }
0x2a7: {  	s22 =	rddreg [dreg:$0x19];
	s7 =	smin.f32 s7, s20  }
0x2a8: {  	s29 =	smax.f32 s6, s21;
	s6 =	smin.f32 s6, s21  }
0x2a9: {  	s30 =	smax.f32 s1, s11;
	s1 =	smin.f32 s1, s11  }
0x2aa: {  	s3 =	smin.f32 s3, s24;
	s31 =	smax.f32 s2, s25  }
0x2ab: {  	s2 =	smin.f32 s2, s25;
	s11 =	smax.f32 s8, s12  }
0x2ac: {  	s8 =	smin.f32 s8, s12;
	s5 =	smin.f32 s5, s26  }
0x2ad: {  	s12 =	smax.f32 s16, s28;
	s16 =	smin.f32 s16, s28  }
0x2ae: {  	s17 =	smax.f32 s0, s15;
	s0 =	smin.f32 s0, s15  }
0x2af: {  	s25 =	rddreg [dreg:$0x1b];
	s7 =	smin.f32 s7, s29  }
0x2b0: {  	s19 =	smax.f32 s6, s30;
	s6 =	smin.f32 s6, s30  }
0x2b1: {  	s20 =	smax.f32 s1, s14;
	s1 =	smin.f32 s1, s14  }
0x2b2: {  	s3 =	smin.f32 s3, s31;
	s21 =	smax.f32 s2, s11  }
0x2b3: {  	s2 =	smin.f32 s2, s11;
	s23 =	smax.f32 s8, s22  }
0x2b4: {  	s5 =	smin.f32 s5, s12;
	s8 =	smin.f32 s8, s22  }
0x2b5: {  	s24 =	smax.f32 s16, s17;
	s29 =	rddreg [dreg:$0x1a]  }
0x2b6: {  	s11 =	smin.f32 s16, s17;
	s16 =	rddreg [dreg:$0x16]  }
0x2b7: {  	s26 =	smax.f32 s0, s25;
	s22 =	rddreg [dreg:$0x17]  }
0x2b8: {  	s0 =	smin.f32 s0, s25;
	s25 =	rddreg [dreg:$0x13]  }
0x2b9: {  	s14 =	rddreg [dreg:$0x14];
	s7 =	smin.f32 s7, s19  }
0x2ba: {  	s28 =	smax.f32 s6, s20;
	s6 =	smin.f32 s6, s20  }
0x2bb: {  	s30 =	smax.f32 s1, s29;
	s1 =	smin.f32 s1, s29  }
0x2bc: {  	s3 =	smin.f32 s3, s21;
	s31 =	smax.f32 s2, s23  }
0x2bd: {  	s2 =	smin.f32 s2, s23;
	s17 =	smax.f32 s8, s16  }
0x2be: {  	s8 =	smin.f32 s8, s16;
	s5 =	smin.f32 s5, s24  }
0x2bf: {  	s18 =	smax.f32 s11, s26;
	s19 =	rddreg [dreg:$0x18]  }
0x2c0: {  	s11 =	smin.f32 s11, s26;
	s29 =	rddreg [dreg:$0x15]  }
0x2c1: {  	s20 =	smax.f32 s0, s19;
	s0 =	smin.f32 s0, s19  }
0x2c2: {  	s7 =	smin.f32 s7, s28;
	s21 =	smax.f32 s6, s30  }
0x2c3: {  	s6 =	smin.f32 s6, s30;
	s23 =	smax.f32 s1, s22  }
0x2c4: {  	s1 =	smin.f32 s1, s22;
	s3 =	smin.f32 s3, s31  }
0x2c5: {  	s24 =	smax.f32 s2, s17;
	s2 =	smin.f32 s2, s17  }
0x2c6: {  	s26 =	smax.f32 s8, s25;
	s5 =	smin.f32 s5, s18  }
0x2c7: {  	s8 =	smin.f32 s8, s25;
	s18 =	rddreg [dreg:$0x10]  }
0x2c8: {  	s22 =	rddreg [dreg:$0x12];
	s28 =	smax.f32 s11, s20  }
0x2c9: {  	s11 =	smin.f32 s11, s20;
	s30 =	smax.f32 s0, s29  }
0x2ca: {  	s0 =	smin.f32 s0, s29;
	s7 =	smin.f32 s7, s21  }
0x2cb: {  	s31 =	smax.f32 s6, s23;
	s6 =	smin.f32 s6, s23  }
0x2cc: {  	s16 =	smax.f32 s1, s14;
	s15 =	smin.f32 s1, s14  }
0x2cd: {  	s3 =	smin.f32 s3, s24;
	s17 =	smax.f32 s2, s26  }
0x2ce: {  	s4 =	smin.f32 s2, s26;
	s19 =	smax.f32 s8, s18  }
0x2cf: {  	s20 =	smin.f32 s8, s18;
	s29 =	rddreg [dreg:$0xc]  }
0x2d0: {  	s18 =	rddreg [dreg:$0xd];
	s5 =	smin.f32 s5, s28  }
0x2d1: {  	s21 =	smax.f32 s11, s30;
	s12 =	smin.f32 s11, s30  }
0x2d2: {  	s23 =	smax.f32 s0, s22;
	s24 =	smin.f32 s0, s22  }
0x2d3: {  	s25 =	smin.f32 s7, s31;
	s26 =	smax.f32 s6, s16  }
0x2d4: {  	s1 =	smin.f32 s6, s16;
	s28 =	rddreg [dreg:$0x11]  }
0x2d5: {  	s6 =	smin.f32 s3, s17;
	s16 =	rddreg [dreg:$0x8]  }
0x2d6: {  	s9 =	smax.f32 s4, s19;
	s30 =	rddreg [dreg:$0xe]  }
0x2d7: {  	s7 =	smin.f32 s4, s19;
	s31 =	rddreg [dreg:$0xf]  }
0x2d8: {  	s8 =	smax.f32 s15, s28;
	s2 =	smin.f32 s15, s28  }
.Ltmp6:
0x2d9: {  	s13 =	smax.f32 s20, s30;
	(pc) =	sbr.rel @p0 .LBB2_14-.Ltmp6, $4  }
0x2da: {  	s0 =	smin.f32 s5, s21;
	s10 =	smin.f32 s20, s30  }
0x2db: {  	s11 =	smax.f32 s12, s23;
	s3 =	smin.f32 s12, s23  }
0x2dc: {  	s12 =	smax.f32 s24, s31;
	s4 =	smin.f32 s24, s31  }
0x2dd: {  	s5 =	smin.f32 s25, s26;
	s15 =	sadd.s32 $0x40, s29;
	s14 =	smax.f32 s1, s8  }
0x2de: {  	s1 =	smin.f32 s1, s8;
	s15 =	rddreg [dreg:$0xb]  }
0x2df: {  	s6 =	smin.f32 s6, s9;
	s25 =	smax.f32 s7, s13  }
0x2e0: {  	s26 =	smin.f32 s7, s13;
	s28 =	rddreg [dreg:$0x7]  }
0x2e1: {  	s0 =	smin.f32 s0, s11;
	s31 =	smax.f32 s3, s12  }
0x2e2: {  	s12 =	smin.f32 s3, s12;
	s17 =	rddreg [dreg:$0xa]  }
0x2e3: {  	s5 =	smin.f32 s5, s14;
	s22 =	rddreg [dreg:$0x9]  }
0x2e4: {  	s8 =	rddreg [dreg:$0x5];
	s23 =	smax.f32 s2, s15  }
0x2e5: {  	s24 =	smin.f32 s2, s15;
	s29 =	smax.f32 s10, s28  }
0x2e6: {  	s30 =	smin.f32 s10, s28;
	s19 =	smax.f32 s4, s17  }
0x2e7: {  	s20 =	smin.f32 s4, s17;
	s6 =	smin.f32 s6, s25  }
0x2e8: {  	s0 =	smin.f32 s0, s31;
	s25 =	rddreg [dreg:$0x4]  }
0x2e9: {  	s21 =	smax.f32 s1, s23;
	s1 =	smin.f32 s1, s23  }
0x2ea: {  	s23 =	smax.f32 s24, s22;
	s2 =	smin.f32 s24, s22  }
0x2eb: {  	s24 =	smax.f32 s26, s29;
	s7 =	smin.f32 s26, s29  }
0x2ec: {  	s26 =	smax.f32 s30, s25;
	s10 =	smin.f32 s30, s25  }
0x2ed: {  	s28 =	smax.f32 s12, s19;
	s29 =	rddreg [dreg:$0x6]  }
0x2ee: {  	s3 =	smin.f32 s12, s19;
	s30 =	smax.f32 s20, s29  }
0x2ef: {  	s4 =	smin.f32 s20, s29;
	s5 =	smin.f32 s5, s21  }
0x2f0: {  	s31 =	smax.f32 s1, s23;
	s1 =	smin.f32 s1, s23  }
0x2f1: {  	s17 =	smax.f32 s2, s8;
	s2 =	smin.f32 s2, s8  }
0x2f2: {  	s6 =	smin.f32 s6, s24;
	s19 =	smax.f32 s7, s26  }
0x2f3: {  	s7 =	smin.f32 s7, s26;
	s20 =	rddreg [dreg:$0x2]  }
0x2f4: {  	s0 =	smin.f32 s0, s28;
	s23 =	rddreg [dreg:$0x3]  }
0x2f5: {  	s21 =	smax.f32 s10, s20;
	s10 =	smin.f32 s10, s20  }
0x2f6: {  	s22 =	smax.f32 s3, s30;
	s3 =	smin.f32 s3, s30  }
0x2f7: {  	s24 =	smax.f32 s4, s23;
	s4 =	smin.f32 s4, s23  }
0x2f8: {  	s5 =	smin.f32 s5, s31;
	s25 =	smax.f32 s1, s17  }
0x2f9: {  	s1 =	smin.f32 s1, s17;
	s26 =	smax.f32 s2, s18  }
0x2fa: {  	s2 =	smin.f32 s2, s18;
	s6 =	smin.f32 s6, s19  }
0x2fb: {  	s0 =	smin.f32 s0, s22;
	s28 =	smax.f32 s7, s21  }
0x2fc: {  	s7 =	smin.f32 s7, s21;
	s29 =	smax.f32 s3, s24  }
0x2fd: {  	s3 =	smin.f32 s3, s24;
	s5 =	smin.f32 s5, s25  }
0x2fe: {  	s30 =	smax.f32 s1, s26;
	s1 =	smin.f32 s1, s26  }
0x2ff: {  	s31 =	smax.f32 s4, s2;
	s2 =	smin.f32 s4, s2  }
0x300: {  	s24 =	sld [smem:$0x7FB];
	s6 =	smin.f32 s6, s28  }
0x301: {  	s0 =	smin.f32 s0, s29;
	s9 =	smin.f32 s5, s30  }
0x302: {  	s11 =	smax.f32 s3, s31;
	s3 =	smin.f32 s3, s31  }
0x303: {  	s12 =	smax.f32 s2, s1;
	s1 =	smin.f32 s2, s1  }
0x304: {  	s0 =	smin.f32 s0, s11;
	s13 =	smax.f32 s3, s12  }
0x305: {  	s3 =	smin.f32 s3, s12;
	s14 =	smax.f32 s1, s9  }
0x306: {  	s1 =	smin.f32 s1, s9;
	s0 =	smin.f32 s0, s13  }
0x307: {  	s15 =	smax.f32 s3, s14;
	s2 =	smin.f32 s3, s14  }
0x308: {  	s17 =	smax.f32 s1, s10;
	s1 =	smin.f32 s1, s10  }
0x309: {  	s0 =	smin.f32 s0, s15;
	s18 =	smax.f32 s2, s17  }
0x30a: {  	s2 =	smin.f32 s2, s17;
	s19 =	smax.f32 s1, s7  }
0x30b: {  	s1 =	smin.f32 s1, s7;
	s0 =	smin.f32 s0, s18  }
0x30c: {  	s20 =	smax.f32 s2, s19;
	s2 =	smin.f32 s2, s19  }
0x30d: {  	s21 =	smin.f32 s1, s6;
	s1 =	smax.f32 s1, s6  }
0x30e: {  	s0 =	smin.f32 s0, s20;
	s22 =	smin.f32 s2, s1  }
0x30f: {  	s1 =	smax.f32 s2, s1;
	s23 =	sadd.f32 s22, s21  }
0x310: {  	s25 =	simm.s32 $0x400;
	s0 =	smin.f32 s0, s1  }
0x311: {  	s26 =	simm.s32 $0x4300;
	s2 =	simm.s32 $0x80;
	s0 =	sadd.f32 s0, s23  }
0x312: {  	[hbm4b:s24+s2] =	stream.strided.scatter [tilespmem:s26], [sflag:$0x1], $0x1000, s25, s2, $0x38;
	[tilespmem:$0x7480] =	vst v63  }
0x313: {  	s9 =	simm.s32 $0x1;
	s0 =	sadd.f32 s0, s16  }
0x314: {  	_ =	swait.ge [sflag:s9], $0x1000  }
0x315: {  	[sflag:s9] =	ssyncset.done $0x0;
	s28 =	sld [smem:$0x7FC];
	v1 =	vmov s0  }
0x316: {  	[sflag:s9] =	ssyncadd.s32 $0xFFFFF000;
	v1 =	vnsel vm0, $0x0, v1  }
0x317: {  	s8 =	simm.s32 $0x0;
	s29 =	simm.s32 $0x7400;
	[tilespmem:$0x7400] =	vst v1  }
0x318: {  	[hbm4b:s28+s8] =	stream.linear.scatter [tilespmem:s29], [sflag:$0x1], $0x80, $0x38;
	[tilespmem:$0x7480] =	vst v63  }
0x319: {  	_ =	swait.ge [sflag:s9], $0x80  }
0x31a: {  	s30 =	sld [smem:$0x7F8]  }
0x31b: {  	s31 =	sld [smem:$0x7FD];
	_ =	sdelay $0x1  }
0x31c: {  	s1 =	sadd.s32 $0x1, s30  }
0x31d: {  	p0 =	sne.s32 s1, s31  }
.Ltmp7:
0x31e: {  	_ = 	snop;
	(pc) =	sbr.rel @p0 .LBB2_1-.Ltmp7, $3  }
0x31f: {  	_ =	sdelay $0x1  }
0x320: {  	[sflag:s9] =	ssyncset.done $0x0  }
0x321: {  	[sflag:s9] =	ssyncadd.s32 $0xFFFFFF80  }
0x322: {  	_ =	sfence.sel $0x180000  }
0x323: {  	[bflag:$0x0] =	sbarrier.arrive $0xFFFF  }
0x324: {  	_ =	strace $0x90000047  }
0x325: {  	s0 =	stileid.u32;
	[bflag:$0x2] =	sbarrier.arrive $0xFFFF  }
0x326: {  	p0 =	sne.s32 s0, $0x0;
	s0 =	rddreg [dreg:$0x1]  }
0x327: {  	s0 =	sadd.s32 @!p0 $0x100000, s0  }
0x328: {  	[sflag:s0] =	ssyncadd.tile.s32 @!p0 $0x1;
	_ =	shalt  }
.Lfunc_end2:
_tile_overlayer_lowered:
.L_overlay_start_2:
0x329: {  	(tag) =	ssettag $0x2  }
0x32a: {  	s0 =	rddreg [dreg:$0x0];
	s2 =	stileid.u32  }
0x32b: {  	s1 =	rddreg [dreg:$0x1];
	p0 =	sne.s32 s2, $0x0  }
0x32c: {  	s3 =	rddreg [dreg:$0x2];
	[bflag:$0x3] =	sbarrier.arrive $0xFFFF;
	s2 =	simm.s32 @!p0 $0x1C01  }
0x32d: {  	[timem:s3], [sflag:s2] =	dma.local @!p0 [hbm:s0], s1  }
0x32e: {  	s0 =	simm.s32 @!p0 $0x1  }
0x32f: {  	_ =	swait.ge @!p0 [sflag:s0], s1  }
0x330: {  	s1 =	ssub.s32 @!p0 $0x0, s1;
	[sflag:s0] =	ssyncset.done @!p0 $0x0  }
0x331: {  	[sflag:s0] =	ssyncadd.s32 @!p0 s1  }
0x332: {  	[bflag:$0x3] =	sbarrier.arrive $0xFFFF  }
0x333: {  	_ =	shalt  }

</sc_bundles>
